<compile_context>
chip_gen: v7x
topology: tpu7x:2x2x1
jax: 0.10.2.dev20260603
libtpu: 0.0.44.dev20260713+nightly
codegen_flags: <defaults>
</compile_context>

<pallas_src>
import jax
import jax.numpy as jnp
from jax import lax
from jax.experimental import pallas as pl
from jax.experimental.pallas import tpu as pltpu
from jax.experimental.pallas import tpu_sc as plsc

_NC = 2
_NS = 16
_NW = _NC * _NS
_CH = 128
_EC = 64
_NBUF = 4


def _acc_rows(n):
  return ((n + _NS * _CH - 1) // (_NS * _CH)) * (_NS * _CH)


def _sc_mesh():
  return plsc.VectorSubcoreMesh(
      core_axis_name="c", subcore_axis_name="s",
      num_cores=_NC, num_subcores=_NS)


def _chunking(n, e, d):
  assert e % _NW == 0
  e_w = e // _NW
  assert e_w % _CH == 0
  n_ch = e_w // _CH
  na = _acc_rows(n)
  rows_w = na // _NS
  assert rows_w % _CH == 0 and d % 16 == 0
  nz = rows_w // _CH
  return e_w, n_ch, na, rows_w, nz


def _make_scatter_pass(n, e, d):
  e_w, n_ch, na, rows_w, nz = _chunking(n, e, d)
  ec = _EC
  m_ch = e_w // ec
  assert e_w % ec == 0 and m_ch % _NBUF == 0
  assert rows_w % ec == 0
  nzb = rows_w // ec

  @pl.kernel(
      out_type=jax.ShapeDtypeStruct((_NC, na, d), jnp.float32),
      mesh=_sc_mesh(),
      scratch_types=(
          tuple(pltpu.VMEM((ec,), jnp.int32) for _ in range(_NBUF)),
          tuple(pltpu.VMEM((ec,), jnp.int32) for _ in range(_NBUF)),
          tuple(pltpu.VMEM((ec, d), jnp.float32) for _ in range(_NBUF)),
          pltpu.VMEM((ec,), jnp.int32),
          pltpu.VMEM_SHARED((na, d), jnp.float32),
          tuple(pltpu.SemaphoreType.DMA for _ in range(_NBUF)),
      ),
  )
  def sc_pass(x_hbm, src_hbm, dst_hbm, acc_out, src_vs, dst_vs, rows_vs,
              idx_v, acc, sems):
    cid = lax.axis_index("c")
    sid = lax.axis_index("s")
    row0 = sid * rows_w
    i16 = lax.iota(jnp.int32, 16)
    z16 = jnp.zeros((16,), jnp.float32)

    def fill_idx(start):
      for k in range(ec // 16):
        idx_v[pl.ds(k * 16, 16)] = i16 + (start + k * 16)

    def zfill(r, carry):
      for k in range(d // 16):
        rows_vs[0][r, pl.ds(k * 16, 16)] = z16
      return carry
    lax.fori_loop(0, ec, zfill, 0)

    def zblock(b, carry):
      fill_idx(row0 + b * ec)
      pltpu.sync_copy(rows_vs[0], acc.at[idx_v])
      return carry
    lax.fori_loop(0, nzb, zblock, 0)
    plsc.subcore_barrier()

    base = (sid * _NC + cid) * e_w
    last = base + (m_ch - 1) * ec

    def prefetch(off, b):
      pltpu.sync_copy(src_hbm.at[pl.ds(off, ec)], src_vs[b])
      pltpu.sync_copy(dst_hbm.at[pl.ds(off, ec)], dst_vs[b])
      pltpu.async_copy(x_hbm.at[src_vs[b]], rows_vs[b], sems[b])

    def drain(b):
      pltpu.make_async_copy(x_hbm.at[src_vs[b]], rows_vs[b],
                            sems[b]).wait()

    for b in range(_NBUF - 1):
      prefetch(base + b * ec, b)

    def edge_body(j4, carry):
      j = j4 * _NBUF
      for b in range(_NBUF):
        drain(b)
        pltpu.sync_copy(rows_vs[b], acc.at[dst_vs[b]], add=True)
        off = jnp.minimum(base + (j + b + _NBUF - 1) * ec, last)
        prefetch(off, (b + _NBUF - 1) % _NBUF)
      return carry
    lax.fori_loop(0, m_ch // _NBUF, edge_body, 0)
    for b in range(_NBUF - 1):
      drain(b)
    plsc.subcore_barrier()

    def oblock(b, carry):
      fill_idx(row0 + b * ec)
      pltpu.async_copy(acc.at[idx_v], rows_vs[0], sems[0]).wait()
      pltpu.sync_copy(rows_vs[0], acc_out.at[cid, pl.ds(row0 + b * ec, ec)])
      return carry
    lax.fori_loop(0, nzb, oblock, 0)

  return sc_pass


def _make_deg_pass(n, e):
  d = 128
  e_w, n_ch, na, rows_w, nz = _chunking(n, e, d)

  @pl.kernel(
      out_type=jax.ShapeDtypeStruct((_NC, na, d), jnp.float32),
      mesh=_sc_mesh(),
      scratch_types=(
          pltpu.VMEM((_CH,), jnp.int32),
          pltpu.VMEM((_CH,), jnp.int32),
          pltpu.VMEM((_CH, d), jnp.float32),
          pltpu.VMEM_SHARED((na, d), jnp.float32),
          pltpu.SemaphoreType.DMA,
      ),
  )
  def deg_pass(dst_hbm, deg_out, dst_v, idx_v, rows_v, acc, sem):
    cid = lax.axis_index("c")
    sid = lax.axis_index("s")
    row0 = sid * rows_w
    i16 = lax.iota(jnp.int32, 16)

    def fill_idx(start):
      for k in range(_CH // 16):
        idx_v[pl.ds(k * 16, 16)] = i16 + (start + k * 16)

    def fill_rows(val):
      v16 = jnp.full((16,), val, jnp.float32)
      def rfill(r, carry):
        for k in range(d // 16):
          rows_v[r, pl.ds(k * 16, 16)] = v16
        return carry
      lax.fori_loop(0, _CH, rfill, 0)

    fill_rows(0.0)
    def zblock(b, carry):
      fill_idx(row0 + b * _CH)
      pltpu.sync_copy(rows_v, acc.at[idx_v])
      return carry
    lax.fori_loop(0, nz, zblock, 0)
    fill_rows(1.0)
    plsc.subcore_barrier()

    base = (sid * _NC + cid) * e_w
    def edge_body(j, carry):
      off = base + j * _CH
      pltpu.sync_copy(dst_hbm.at[pl.ds(off, _CH)], dst_v)
      pltpu.sync_copy(rows_v, acc.at[dst_v], add=True)
      return carry
    lax.fori_loop(0, n_ch, edge_body, 0)
    plsc.subcore_barrier()

    def oblock(b, carry):
      fill_idx(row0 + b * _CH)
      pltpu.async_copy(acc.at[idx_v], rows_v, sem).wait()
      pltpu.sync_copy(rows_v, deg_out.at[cid, pl.ds(row0 + b * _CH, _CH)])
      return carry
    lax.fori_loop(0, nz, oblock, 0)

  return deg_pass


def _sigmoid(z):
  return 1.0 / (1.0 + jnp.exp(-z))


def _stage_a(n, p, degp, w1):
  d = p.shape[2]
  br = 400
  assert n % br == 0

  def body(p_ref, deg_ref, w_ref, h_ref, invd_ref):
    m = p_ref[0] + p_ref[1]
    deg = deg_ref[0][:, 0:1] + deg_ref[1][:, 0:1]
    invd = 1.0 / jnp.maximum(deg, 1.0)
    h = jnp.dot(m * invd, w_ref[...], preferred_element_type=jnp.float32)
    h_ref[...] = jnp.maximum(h, 0.0)
    invd_ref[...] = invd

  return pl.pallas_call(
      body,
      grid=(n // br,),
      in_specs=[
          pl.BlockSpec((2, br, d), lambda i: (0, i, 0)),
          pl.BlockSpec((2, br, d), lambda i: (0, i, 0)),
          pl.BlockSpec((d, d), lambda i: (0, 0)),
      ],
      out_specs=[
          pl.BlockSpec((br, d), lambda i: (i, 0)),
          pl.BlockSpec((br, 1), lambda i: (i, 0)),
      ],
      out_shape=[
          jax.ShapeDtypeStruct((n, d), jnp.float32),
          jax.ShapeDtypeStruct((n, 1), jnp.float32),
      ],
  )(p, degp, w1)


def _stage_b(n, q, invd, w2, g1, b1, g2, b2, wo, bo):
  d = q.shape[2]
  br = 400
  assert n % br == 0

  def body(q_ref, invd_ref, w2_ref, g1_ref, b1_ref, g2_ref, b2_ref, wo_ref,
           bo_ref, o_ref):
    m = q_ref[0] + q_ref[1]
    a = jnp.dot(m * invd_ref[...], w2_ref[...],
                preferred_element_type=jnp.float32)
    z1 = jnp.dot(a, g1_ref[...], preferred_element_type=jnp.float32) + b1_ref[...]
    h1 = _sigmoid(z1[:, 2 * d:]) * jnp.tanh(
        _sigmoid(z1[:, :d]) * jnp.tanh(z1[:, d:2 * d]))
    z2 = jnp.dot(h1, g2_ref[...], preferred_element_type=jnp.float32) + b2_ref[...]
    h2 = _sigmoid(z2[:, 2 * d:]) * jnp.tanh(
        _sigmoid(z2[:, :d]) * jnp.tanh(z2[:, d:2 * d]))
    out = jnp.sum(h2 * wo_ref[...], axis=1, keepdims=True) + bo_ref[0, 0]
    o_ref[...] = out

  return pl.pallas_call(
      body,
      grid=(n // br,),
      in_specs=[
          pl.BlockSpec((2, br, d), lambda i: (0, i, 0)),
          pl.BlockSpec((br, 1), lambda i: (i, 0)),
          pl.BlockSpec((d, d), lambda i: (0, 0)),
          pl.BlockSpec((d, 3 * d), lambda i: (0, 0)),
          pl.BlockSpec((1, 3 * d), lambda i: (0, 0)),
          pl.BlockSpec((d, 3 * d), lambda i: (0, 0)),
          pl.BlockSpec((1, 3 * d), lambda i: (0, 0)),
          pl.BlockSpec((1, d), lambda i: (0, 0)),
          pl.BlockSpec((1, 1), lambda i: (0, 0)),
      ],
      out_specs=pl.BlockSpec((br, 1), lambda i: (i, 0)),
      out_shape=jax.ShapeDtypeStruct((n, 1), jnp.float32),
  )(q, invd, w2, g1, b1, g2, b2, wo, bo)


def kernel(x, edge_index, W1, W2, lstm1_W, lstm1_b, lstm2_W, lstm2_b, W_out,
           b_out):
  n, d = x.shape
  e = edge_index.shape[1]
  h = W1.shape[1]
  na = _acc_rows(n)

  e_pad = ((e + 2 * _NW * _CH - 1) // (2 * _NW * _CH)) * (2 * _NW * _CH)
  ei = edge_index
  if e_pad != e:
    pad = jnp.stack([jnp.zeros((e_pad - e,), jnp.int32),
                     jnp.full((e_pad - e,), na - 1, jnp.int32)])
    ei = jnp.concatenate([edge_index, pad], axis=1)
  dst = ei[1]

  def pack_gates(wg, bg):
    gm = jnp.concatenate([wg[0, :h], wg[2, :h], wg[3, :h]], axis=1)
    gb = jnp.concatenate([bg[0], bg[2], bg[3]])[None, :]
    return gm, gb

  g1, b1 = pack_gates(lstm1_W, lstm1_b)
  g2, b2 = pack_gates(lstm2_W, lstm2_b)
  wo = W_out.T
  bo = b_out.reshape(1, 1)

  deg_pass = _make_deg_pass(n, e_pad)
  pass1 = _make_scatter_pass(n, e_pad, d)
  pass2 = _make_scatter_pass(n, e_pad, h)

  src = ei[0]
  degp = deg_pass(dst)
  p = pass1(x, src, dst)
  h1, invd = _stage_a(n, p, degp, W1)
  q = pass2(h1, src, dst)
  return _stage_b(n, q, invd, W2, g1, b1, g2, b2, wo, bo)

# --- scband reference (transcript-rebuilt; emitter-appended) ---
"""Pipeline reference for scband-flare-mpnnlstm-22522808500499 (READ-ONLY COPY).

The authoritative reference and input builder live on the scoring server;
editing this copy changes nothing except your own understanding.
"""

import jax, jax.numpy as jnp
import numpy as np

N, E, D, H, O = 10000, 320000, 128, 128, 1

def setup_inputs(seed: int = 0) -> dict:
    key = jax.random.key(seed)
    ks = jax.random.split(key, 12)
    x = jax.random.normal(ks[0], (N, D), dtype=jnp.float32)
    edge_index = jax.random.randint(ks[1], (2, E), 0, N, dtype=jnp.int32)
    # GCN stack weights (bias=False linears)
    W1 = jax.random.normal(ks[2], (D, H), dtype=jnp.float32) * (1.0 / np.sqrt(D))
    W2 = jax.random.normal(ks[3], (H, H), dtype=jnp.float32) * (1.0 / np.sqrt(H))
    # LSTM cell params: 4 gates (i, f, g, o), each Linear(H+H -> H) with bias
    lstm1_W = jax.random.normal(ks[4], (4, 2 * H, H), dtype=jnp.float32) * (1.0 / np.sqrt(2 * H))
    lstm1_b = jnp.zeros((4, H), dtype=jnp.float32)
    lstm2_W = jax.random.normal(ks[5], (4, 2 * H, H), dtype=jnp.float32) * (1.0 / np.sqrt(2 * H))
    lstm2_b = jnp.zeros((4, H), dtype=jnp.float32)
    W_out = jax.random.normal(ks[6], (H, O), dtype=jnp.float32) * (1.0 / np.sqrt(H))
    b_out = jnp.zeros((O,), dtype=jnp.float32)
    return {"x": x, "edge_index": edge_index, "W1": W1, "W2": W2,
            "lstm1_W": lstm1_W, "lstm1_b": lstm1_b, "lstm2_W": lstm2_W, "lstm2_b": lstm2_b,
            "W_out": W_out, "b_out": b_out}

def _gcn_norm(edge_index, num_nodes):
    dst = edge_index[1]
    weights = jnp.ones((edge_index.shape[1],), dtype=jnp.float32)
    deg = jax.ops.segment_sum(weights, dst, num_segments=num_nodes)
    deg = jnp.clip(deg, 1.0, None)
    norm = weights / deg[dst]
    return norm[:, None]

def _gcn_message_pass(edge_index, x, norm):
    src = edge_index[0]
    dst = edge_index[1]
    msgs = x[src] * norm
    return jax.ops.segment_sum(msgs, dst, num_segments=x.shape[0])

def _lstm_cell(xin, Wg, bg, hidden_size):
    h = jnp.zeros((xin.shape[0], hidden_size), dtype=xin.dtype)
    c = jnp.zeros_like(h)
    xh = jnp.concatenate([xin, h], axis=-1)
    i = jax.nn.sigmoid(xh @ Wg[0] + bg[0])
    f = jax.nn.sigmoid(xh @ Wg[1] + bg[1])
    g = jnp.tanh(xh @ Wg[2] + bg[2])
    o = jax.nn.sigmoid(xh @ Wg[3] + bg[3])
    c = f * c + i * g
    h = o * jnp.tanh(c)
    return h, c

def reference(x, edge_index, W1, W2, lstm1_W, lstm1_b, lstm2_W, lstm2_b, W_out, b_out):
    n = x.shape[0]
    hid = W1.shape[1]
    norm = _gcn_norm(edge_index, n)
    # GCNStack (2 layers): message pass -> linear, ReLU between layers
    h = _gcn_message_pass(edge_index, x, norm)
    h = h @ W1
    h = jax.nn.relu(h)
    h = _gcn_message_pass(edge_index, h, norm)
    h = h @ W2
    # two stacked LSTM cells (state=None => zeros init)
    h1, c1 = _lstm_cell(h, lstm1_W, lstm1_b, hid)
    h2, c2 = _lstm_cell(h1, lstm2_W, lstm2_b, hid)
    out = h2 @ W_out + b_out
    return out

if __name__ == "__main__":
    import jax
    _d = setup_inputs()
    print(jax.jit(kernel)(*tuple(_d.values())))

</pallas_src>

<mosaic_0001>
#map = affine_map<(d0, d1) -> (0)>
#map1 = affine_map<(d0, d1) -> (0, 0, 0)>
module attributes {stable_mosaic.version = 14 : i64} {
  func.func @deg_pass(%arg0: i32, %arg1: i32, %arg2: memref<327680xi32, #tpu.memory_space<hbm>>, %arg3: memref<2x10240x128xf32, #tpu.memory_space<hbm>>, %arg4: memref<128xi32, #tpu.memory_space<vmem>>, %arg5: memref<128xi32, #tpu.memory_space<vmem>>, %arg6: memref<128x128xf32, #tpu.memory_space<vmem>>, %arg7: memref<10240x128xf32, #tpu.memory_space<vmem_shared>>, %arg8: memref<!tpu.dma_semaphore, #tpu.memory_space<semaphore_mem>>) attributes {dimension_semantics = [#tpu.dimension_semantics<core_parallel>, #tpu.dimension_semantics<subcore_parallel>], iteration_bounds = array<i64: 2, 16>, scalar_prefetch = 0 : i64, scratch_operands = 5 : i64, tpu.core_type = #tpu.core_type<sc_vector_subcore>, window_params = [{transform_indices = #map}, {transform_indices = #map1}]} {
    %mul3A = arith.constant 640 : i32
    %mul3A_0 = arith.muli %arg1, %mul3A : i32
    %iota3A = tpu.iota {dimensions = array<i32: 0>} : vector<16xi32>
    %broadcast_in_dim3A = arith.constant 0.000000e+00 : f32
    %broadcast_in_dim3A_1 = vector.broadcast %broadcast_in_dim3A : f32 to vector<16xf32>
    %scan3A = arith.constant 0 : i32
    %scan3A_2 = arith.constant 0 : i32
    %scan3A_3 = arith.constant 128 : i32
    %scan3A_4 = arith.addi %scan3A_2, %scan3A_3 : i32
    %scan3A_5 = arith.constant 1 : i32
    scf.for %scan3A_38 = %scan3A_2 to %scan3A_4 step %scan3A_5  : i32 {
      %swap3A = arith.index_cast %scan3A_38 : i32 to index
      %swap3A_39 = arith.constant 0 : index
      %swap3A_40 = tpu.vector_load %arg6[%swap3A, %swap3A_39] {strides = array<i32>} : memref<128x128xf32, #tpu.memory_space<vmem>>, vector<1x16xf32>,
      %swap3A_41 = vector.shape_cast %swap3A_40 : vector<1x16xf32> to vector<16xf32>
      %swap3A_42 = vector.shape_cast %broadcast_in_dim3A_1 : vector<16xf32> to vector<1x16xf32>
      tpu.vector_store %arg6[%swap3A, %swap3A_39], %swap3A_42 {strides = array<i32>} : memref<128x128xf32, #tpu.memory_space<vmem>>, vector<1x16xf32>,
      %swap3A_43 = arith.index_cast %scan3A_38 : i32 to index
      %swap3A_44 = arith.constant 16 : index
      %swap3A_45 = tpu.vector_load %arg6[%swap3A_43, %swap3A_44] {strides = array<i32>} : memref<128x128xf32, #tpu.memory_space<vmem>>, vector<1x16xf32>,
      %swap3A_46 = vector.shape_cast %swap3A_45 : vector<1x16xf32> to vector<16xf32>
      %swap3A_47 = vector.shape_cast %broadcast_in_dim3A_1 : vector<16xf32> to vector<1x16xf32>
      tpu.vector_store %arg6[%swap3A_43, %swap3A_44], %swap3A_47 {strides = array<i32>} : memref<128x128xf32, #tpu.memory_space<vmem>>, vector<1x16xf32>,
      %swap3A_48 = arith.index_cast %scan3A_38 : i32 to index
      %swap3A_49 = arith.constant 32 : index
      %swap3A_50 = tpu.vector_load %arg6[%swap3A_48, %swap3A_49] {strides = array<i32>} : memref<128x128xf32, #tpu.memory_space<vmem>>, vector<1x16xf32>,
      %swap3A_51 = vector.shape_cast %swap3A_50 : vector<1x16xf32> to vector<16xf32>
      %swap3A_52 = vector.shape_cast %broadcast_in_dim3A_1 : vector<16xf32> to vector<1x16xf32>
      tpu.vector_store %arg6[%swap3A_48, %swap3A_49], %swap3A_52 {strides = array<i32>} : memref<128x128xf32, #tpu.memory_space<vmem>>, vector<1x16xf32>,
      %swap3A_53 = arith.index_cast %scan3A_38 : i32 to index
      %swap3A_54 = arith.constant 48 : index
      %swap3A_55 = tpu.vector_load %arg6[%swap3A_53, %swap3A_54] {strides = array<i32>} : memref<128x128xf32, #tpu.memory_space<vmem>>, vector<1x16xf32>,
      %swap3A_56 = vector.shape_cast %swap3A_55 : vector<1x16xf32> to vector<16xf32>
      %swap3A_57 = vector.shape_cast %broadcast_in_dim3A_1 : vector<16xf32> to vector<1x16xf32>
      tpu.vector_store %arg6[%swap3A_53, %swap3A_54], %swap3A_57 {strides = array<i32>} : memref<128x128xf32, #tpu.memory_space<vmem>>, vector<1x16xf32>,
      %swap3A_58 = arith.index_cast %scan3A_38 : i32 to index
      %swap3A_59 = arith.constant 64 : index
      %swap3A_60 = tpu.vector_load %arg6[%swap3A_58, %swap3A_59] {strides = array<i32>} : memref<128x128xf32, #tpu.memory_space<vmem>>, vector<1x16xf32>,
      %swap3A_61 = vector.shape_cast %swap3A_60 : vector<1x16xf32> to vector<16xf32>
      %swap3A_62 = vector.shape_cast %broadcast_in_dim3A_1 : vector<16xf32> to vector<1x16xf32>
      tpu.vector_store %arg6[%swap3A_58, %swap3A_59], %swap3A_62 {strides = array<i32>} : memref<128x128xf32, #tpu.memory_space<vmem>>, vector<1x16xf32>,
      %swap3A_63 = arith.index_cast %scan3A_38 : i32 to index
      %swap3A_64 = arith.constant 80 : index
      %swap3A_65 = tpu.vector_load %arg6[%swap3A_63, %swap3A_64] {strides = array<i32>} : memref<128x128xf32, #tpu.memory_space<vmem>>, vector<1x16xf32>,
      %swap3A_66 = vector.shape_cast %swap3A_65 : vector<1x16xf32> to vector<16xf32>
      %swap3A_67 = vector.shape_cast %broadcast_in_dim3A_1 : vector<16xf32> to vector<1x16xf32>
      tpu.vector_store %arg6[%swap3A_63, %swap3A_64], %swap3A_67 {strides = array<i32>} : memref<128x128xf32, #tpu.memory_space<vmem>>, vector<1x16xf32>,
      %swap3A_68 = arith.index_cast %scan3A_38 : i32 to index
      %swap3A_69 = arith.constant 96 : index
      %swap3A_70 = tpu.vector_load %arg6[%swap3A_68, %swap3A_69] {strides = array<i32>} : memref<128x128xf32, #tpu.memory_space<vmem>>, vector<1x16xf32>,
      %swap3A_71 = vector.shape_cast %swap3A_70 : vector<1x16xf32> to vector<16xf32>
      %swap3A_72 = vector.shape_cast %broadcast_in_dim3A_1 : vector<16xf32> to vector<1x16xf32>
      tpu.vector_store %arg6[%swap3A_68, %swap3A_69], %swap3A_72 {strides = array<i32>} : memref<128x128xf32, #tpu.memory_space<vmem>>, vector<1x16xf32>,
      %swap3A_73 = arith.index_cast %scan3A_38 : i32 to index
      %swap3A_74 = arith.constant 112 : index
      %swap3A_75 = tpu.vector_load %arg6[%swap3A_73, %swap3A_74] {strides = array<i32>} : memref<128x128xf32, #tpu.memory_space<vmem>>, vector<1x16xf32>,
      %swap3A_76 = vector.shape_cast %swap3A_75 : vector<1x16xf32> to vector<16xf32>
      %swap3A_77 = vector.shape_cast %broadcast_in_dim3A_1 : vector<16xf32> to vector<1x16xf32>
      tpu.vector_store %arg6[%swap3A_73, %swap3A_74], %swap3A_77 {strides = array<i32>} : memref<128x128xf32, #tpu.memory_space<vmem>>, vector<1x16xf32>,
    }
    %scan3A_6 = arith.constant 128 : i32
    %scan3A_7 = arith.constant 0 : i32
    %scan3A_8 = arith.constant 0 : i32
    %scan3A_9 = arith.constant 5 : i32
    %scan3A_10 = arith.addi %scan3A_8, %scan3A_9 : i32
    %scan3A_11 = arith.constant 1 : i32
    scf.for %scan3A_38 = %scan3A_8 to %scan3A_10 step %scan3A_11  : i32 {
      %mul3A_39 = arith.constant 128 : i32
      %mul3A_40 = arith.muli %scan3A_38, %mul3A_39 : i32
      %add3A_41 = arith.addi %mul3A_0, %mul3A_40 : i32
      %add3A_42 = arith.constant 0 : i32
      %add3A_43 = arith.addi %add3A_41, %add3A_42 : i32
      %add3A_44 = vector.broadcast %add3A_43 : i32 to vector<16xi32>
      %add3A_45 = arith.addi %iota3A, %add3A_44 : vector<16xi32>
      %swap3A = arith.constant 0 : index
      %swap3A_46 = tpu.vector_load %arg5[%swap3A] {strides = array<i32>} : memref<128xi32, #tpu.memory_space<vmem>>, vector<16xi32>,
      %swap3A_47 = vector.shape_cast %swap3A_46 : vector<16xi32> to vector<16xi32>
      %swap3A_48 = vector.shape_cast %add3A_45 : vector<16xi32> to vector<16xi32>
      tpu.vector_store %arg5[%swap3A], %swap3A_48 {strides = array<i32>} : memref<128xi32, #tpu.memory_space<vmem>>, vector<16xi32>,
      %add3A_49 = arith.constant 16 : i32
      %add3A_50 = arith.addi %add3A_41, %add3A_49 : i32
      %add3A_51 = vector.broadcast %add3A_50 : i32 to vector<16xi32>
      %add3A_52 = arith.addi %iota3A, %add3A_51 : vector<16xi32>
      %swap3A_53 = arith.constant 16 : index
      %swap3A_54 = tpu.vector_load %arg5[%swap3A_53] {strides = array<i32>} : memref<128xi32, #tpu.memory_space<vmem>>, vector<16xi32>,
      %swap3A_55 = vector.shape_cast %swap3A_54 : vector<16xi32> to vector<16xi32>
      %swap3A_56 = vector.shape_cast %add3A_52 : vector<16xi32> to vector<16xi32>
      tpu.vector_store %arg5[%swap3A_53], %swap3A_56 {strides = array<i32>} : memref<128xi32, #tpu.memory_space<vmem>>, vector<16xi32>,
      %add3A_57 = arith.constant 32 : i32
      %add3A_58 = arith.addi %add3A_41, %add3A_57 : i32
      %add3A_59 = vector.broadcast %add3A_58 : i32 to vector<16xi32>
      %add3A_60 = arith.addi %iota3A, %add3A_59 : vector<16xi32>
      %swap3A_61 = arith.constant 32 : index
      %swap3A_62 = tpu.vector_load %arg5[%swap3A_61] {strides = array<i32>} : memref<128xi32, #tpu.memory_space<vmem>>, vector<16xi32>,
      %swap3A_63 = vector.shape_cast %swap3A_62 : vector<16xi32> to vector<16xi32>
      %swap3A_64 = vector.shape_cast %add3A_60 : vector<16xi32> to vector<16xi32>
      tpu.vector_store %arg5[%swap3A_61], %swap3A_64 {strides = array<i32>} : memref<128xi32, #tpu.memory_space<vmem>>, vector<16xi32>,
      %add3A_65 = arith.constant 48 : i32
      %add3A_66 = arith.addi %add3A_41, %add3A_65 : i32
      %add3A_67 = vector.broadcast %add3A_66 : i32 to vector<16xi32>
      %add3A_68 = arith.addi %iota3A, %add3A_67 : vector<16xi32>
      %swap3A_69 = arith.constant 48 : index
      %swap3A_70 = tpu.vector_load %arg5[%swap3A_69] {strides = array<i32>} : memref<128xi32, #tpu.memory_space<vmem>>, vector<16xi32>,
      %swap3A_71 = vector.shape_cast %swap3A_70 : vector<16xi32> to vector<16xi32>
      %swap3A_72 = vector.shape_cast %add3A_68 : vector<16xi32> to vector<16xi32>
      tpu.vector_store %arg5[%swap3A_69], %swap3A_72 {strides = array<i32>} : memref<128xi32, #tpu.memory_space<vmem>>, vector<16xi32>,
      %add3A_73 = arith.constant 64 : i32
      %add3A_74 = arith.addi %add3A_41, %add3A_73 : i32
      %add3A_75 = vector.broadcast %add3A_74 : i32 to vector<16xi32>
      %add3A_76 = arith.addi %iota3A, %add3A_75 : vector<16xi32>
      %swap3A_77 = arith.constant 64 : index
      %swap3A_78 = tpu.vector_load %arg5[%swap3A_77] {strides = array<i32>} : memref<128xi32, #tpu.memory_space<vmem>>, vector<16xi32>,
      %swap3A_79 = vector.shape_cast %swap3A_78 : vector<16xi32> to vector<16xi32>
      %swap3A_80 = vector.shape_cast %add3A_76 : vector<16xi32> to vector<16xi32>
      tpu.vector_store %arg5[%swap3A_77], %swap3A_80 {strides = array<i32>} : memref<128xi32, #tpu.memory_space<vmem>>, vector<16xi32>,
      %add3A_81 = arith.constant 80 : i32
      %add3A_82 = arith.addi %add3A_41, %add3A_81 : i32
      %add3A_83 = vector.broadcast %add3A_82 : i32 to vector<16xi32>
      %add3A_84 = arith.addi %iota3A, %add3A_83 : vector<16xi32>
      %swap3A_85 = arith.constant 80 : index
      %swap3A_86 = tpu.vector_load %arg5[%swap3A_85] {strides = array<i32>} : memref<128xi32, #tpu.memory_space<vmem>>, vector<16xi32>,
      %swap3A_87 = vector.shape_cast %swap3A_86 : vector<16xi32> to vector<16xi32>
      %swap3A_88 = vector.shape_cast %add3A_84 : vector<16xi32> to vector<16xi32>
      tpu.vector_store %arg5[%swap3A_85], %swap3A_88 {strides = array<i32>} : memref<128xi32, #tpu.memory_space<vmem>>, vector<16xi32>,
      %add3A_89 = arith.constant 96 : i32
      %add3A_90 = arith.addi %add3A_41, %add3A_89 : i32
      %add3A_91 = vector.broadcast %add3A_90 : i32 to vector<16xi32>
      %add3A_92 = arith.addi %iota3A, %add3A_91 : vector<16xi32>
      %swap3A_93 = arith.constant 96 : index
      %swap3A_94 = tpu.vector_load %arg5[%swap3A_93] {strides = array<i32>} : memref<128xi32, #tpu.memory_space<vmem>>, vector<16xi32>,
      %swap3A_95 = vector.shape_cast %swap3A_94 : vector<16xi32> to vector<16xi32>
      %swap3A_96 = vector.shape_cast %add3A_92 : vector<16xi32> to vector<16xi32>
      tpu.vector_store %arg5[%swap3A_93], %swap3A_96 {strides = array<i32>} : memref<128xi32, #tpu.memory_space<vmem>>, vector<16xi32>,
      %add3A_97 = arith.constant 112 : i32
      %add3A_98 = arith.addi %add3A_41, %add3A_97 : i32
      %add3A_99 = vector.broadcast %add3A_98 : i32 to vector<16xi32>
      %add3A_100 = arith.addi %iota3A, %add3A_99 : vector<16xi32>
      %swap3A_101 = arith.constant 112 : index
      %swap3A_102 = tpu.vector_load %arg5[%swap3A_101] {strides = array<i32>} : memref<128xi32, #tpu.memory_space<vmem>>, vector<16xi32>,
      %swap3A_103 = vector.shape_cast %swap3A_102 : vector<16xi32> to vector<16xi32>
      %swap3A_104 = vector.shape_cast %add3A_100 : vector<16xi32> to vector<16xi32>
      tpu.vector_store %arg5[%swap3A_101], %swap3A_104 {strides = array<i32>} : memref<128xi32, #tpu.memory_space<vmem>>, vector<16xi32>,
      "tpu.region"() ({
        %run_scoped3A = tpu.sem_alloc : memref<!tpu.dma_semaphore, #tpu.memory_space<semaphore_mem>>
        %dma_start3A = arith.constant 0 : i32
        %dma_start3A_105 = arith.constant 0 : i32
        %dma_start3A_106 = tpu.memref_slice %arg7[%dma_start3A, %dma_start3A_105] : memref<10240x128xf32, #tpu.memory_space<vmem_shared>> -> memref<10240x128xf32, #tpu.memory_space<vmem_shared>>
        tpu.enqueue_indirect_dma source(%arg6 : memref<128x128xf32, #tpu.memory_space<vmem>>) target(%dma_start3A_106 : memref<10240x128xf32, #tpu.memory_space<vmem_shared>>) offsets(%arg5 : memref<128xi32, #tpu.memory_space<vmem>>) semaphore(%run_scoped3A : memref<!tpu.dma_semaphore, #tpu.memory_space<semaphore_mem>>)
        %dma_wait3A = arith.constant 0 : i32
        %dma_wait3A_107 = arith.constant 0 : i32
        %dma_wait3A_108 = tpu.memref_slice %arg7[%dma_wait3A, %dma_wait3A_107] : memref<10240x128xf32, #tpu.memory_space<vmem_shared>> -> memref<10240x128xf32, #tpu.memory_space<vmem_shared>>
        tpu.wait_indirect_dma semaphore(%run_scoped3A : memref<!tpu.dma_semaphore, #tpu.memory_space<semaphore_mem>>) src(%arg6 : memref<128x128xf32, #tpu.memory_space<vmem>>) dst(%dma_wait3A_108 : memref<10240x128xf32, #tpu.memory_space<vmem_shared>>)
        tpu.yield
      }) : () -> ()
    }
    %scan3A_12 = arith.constant 5 : i32
    %broadcast_in_dim3A_13 = arith.constant 1.000000e+00 : f32
    %broadcast_in_dim3A_14 = vector.broadcast %broadcast_in_dim3A_13 : f32 to vector<16xf32>
    %scan3A_15 = arith.constant 0 : i32
    %scan3A_16 = arith.constant 0 : i32
    %scan3A_17 = arith.constant 128 : i32
    %scan3A_18 = arith.addi %scan3A_16, %scan3A_17 : i32
    %scan3A_19 = arith.constant 1 : i32
    scf.for %scan3A_38 = %scan3A_16 to %scan3A_18 step %scan3A_19  : i32 {
      %swap3A = arith.index_cast %scan3A_38 : i32 to index
      %swap3A_39 = arith.constant 0 : index
      %swap3A_40 = tpu.vector_load %arg6[%swap3A, %swap3A_39] {strides = array<i32>} : memref<128x128xf32, #tpu.memory_space<vmem>>, vector<1x16xf32>,
      %swap3A_41 = vector.shape_cast %swap3A_40 : vector<1x16xf32> to vector<16xf32>
      %swap3A_42 = vector.shape_cast %broadcast_in_dim3A_14 : vector<16xf32> to vector<1x16xf32>
      tpu.vector_store %arg6[%swap3A, %swap3A_39], %swap3A_42 {strides = array<i32>} : memref<128x128xf32, #tpu.memory_space<vmem>>, vector<1x16xf32>,
      %swap3A_43 = arith.index_cast %scan3A_38 : i32 to index
      %swap3A_44 = arith.constant 16 : index
      %swap3A_45 = tpu.vector_load %arg6[%swap3A_43, %swap3A_44] {strides = array<i32>} : memref<128x128xf32, #tpu.memory_space<vmem>>, vector<1x16xf32>,
      %swap3A_46 = vector.shape_cast %swap3A_45 : vector<1x16xf32> to vector<16xf32>
      %swap3A_47 = vector.shape_cast %broadcast_in_dim3A_14 : vector<16xf32> to vector<1x16xf32>
      tpu.vector_store %arg6[%swap3A_43, %swap3A_44], %swap3A_47 {strides = array<i32>} : memref<128x128xf32, #tpu.memory_space<vmem>>, vector<1x16xf32>,
      %swap3A_48 = arith.index_cast %scan3A_38 : i32 to index
      %swap3A_49 = arith.constant 32 : index
      %swap3A_50 = tpu.vector_load %arg6[%swap3A_48, %swap3A_49] {strides = array<i32>} : memref<128x128xf32, #tpu.memory_space<vmem>>, vector<1x16xf32>,
      %swap3A_51 = vector.shape_cast %swap3A_50 : vector<1x16xf32> to vector<16xf32>
      %swap3A_52 = vector.shape_cast %broadcast_in_dim3A_14 : vector<16xf32> to vector<1x16xf32>
      tpu.vector_store %arg6[%swap3A_48, %swap3A_49], %swap3A_52 {strides = array<i32>} : memref<128x128xf32, #tpu.memory_space<vmem>>, vector<1x16xf32>,
      %swap3A_53 = arith.index_cast %scan3A_38 : i32 to index
      %swap3A_54 = arith.constant 48 : index
      %swap3A_55 = tpu.vector_load %arg6[%swap3A_53, %swap3A_54] {strides = array<i32>} : memref<128x128xf32, #tpu.memory_space<vmem>>, vector<1x16xf32>,
      %swap3A_56 = vector.shape_cast %swap3A_55 : vector<1x16xf32> to vector<16xf32>
      %swap3A_57 = vector.shape_cast %broadcast_in_dim3A_14 : vector<16xf32> to vector<1x16xf32>
      tpu.vector_store %arg6[%swap3A_53, %swap3A_54], %swap3A_57 {strides = array<i32>} : memref<128x128xf32, #tpu.memory_space<vmem>>, vector<1x16xf32>,
      %swap3A_58 = arith.index_cast %scan3A_38 : i32 to index
      %swap3A_59 = arith.constant 64 : index
      %swap3A_60 = tpu.vector_load %arg6[%swap3A_58, %swap3A_59] {strides = array<i32>} : memref<128x128xf32, #tpu.memory_space<vmem>>, vector<1x16xf32>,
      %swap3A_61 = vector.shape_cast %swap3A_60 : vector<1x16xf32> to vector<16xf32>
      %swap3A_62 = vector.shape_cast %broadcast_in_dim3A_14 : vector<16xf32> to vector<1x16xf32>
      tpu.vector_store %arg6[%swap3A_58, %swap3A_59], %swap3A_62 {strides = array<i32>} : memref<128x128xf32, #tpu.memory_space<vmem>>, vector<1x16xf32>,
      %swap3A_63 = arith.index_cast %scan3A_38 : i32 to index
      %swap3A_64 = arith.constant 80 : index
      %swap3A_65 = tpu.vector_load %arg6[%swap3A_63, %swap3A_64] {strides = array<i32>} : memref<128x128xf32, #tpu.memory_space<vmem>>, vector<1x16xf32>,
      %swap3A_66 = vector.shape_cast %swap3A_65 : vector<1x16xf32> to vector<16xf32>
      %swap3A_67 = vector.shape_cast %broadcast_in_dim3A_14 : vector<16xf32> to vector<1x16xf32>
      tpu.vector_store %arg6[%swap3A_63, %swap3A_64], %swap3A_67 {strides = array<i32>} : memref<128x128xf32, #tpu.memory_space<vmem>>, vector<1x16xf32>,
      %swap3A_68 = arith.index_cast %scan3A_38 : i32 to index
      %swap3A_69 = arith.constant 96 : index
      %swap3A_70 = tpu.vector_load %arg6[%swap3A_68, %swap3A_69] {strides = array<i32>} : memref<128x128xf32, #tpu.memory_space<vmem>>, vector<1x16xf32>,
      %swap3A_71 = vector.shape_cast %swap3A_70 : vector<1x16xf32> to vector<16xf32>
      %swap3A_72 = vector.shape_cast %broadcast_in_dim3A_14 : vector<16xf32> to vector<1x16xf32>
      tpu.vector_store %arg6[%swap3A_68, %swap3A_69], %swap3A_72 {strides = array<i32>} : memref<128x128xf32, #tpu.memory_space<vmem>>, vector<1x16xf32>,
      %swap3A_73 = arith.index_cast %scan3A_38 : i32 to index
      %swap3A_74 = arith.constant 112 : index
      %swap3A_75 = tpu.vector_load %arg6[%swap3A_73, %swap3A_74] {strides = array<i32>} : memref<128x128xf32, #tpu.memory_space<vmem>>, vector<1x16xf32>,
      %swap3A_76 = vector.shape_cast %swap3A_75 : vector<1x16xf32> to vector<16xf32>
      %swap3A_77 = vector.shape_cast %broadcast_in_dim3A_14 : vector<16xf32> to vector<1x16xf32>
      tpu.vector_store %arg6[%swap3A_73, %swap3A_74], %swap3A_77 {strides = array<i32>} : memref<128x128xf32, #tpu.memory_space<vmem>>, vector<1x16xf32>,
    }
    %scan3A_20 = arith.constant 128 : i32
    %barrier3A = arith.constant 0 : index
    tpu.barrier barrier_id(%barrier3A)
    %mul3A_21 = arith.constant 2 : i32
    %mul3A_22 = arith.muli %arg1, %mul3A_21 : i32
    %add3A = arith.addi %mul3A_22, %arg0 : i32
    %mul3A_23 = arith.constant 10240 : i32
    %mul3A_24 = arith.muli %add3A, %mul3A_23 : i32
    %scan3A_25 = arith.constant 0 : i32
    %scan3A_26 = arith.constant 0 : i32
    %scan3A_27 = arith.constant 80 : i32
    %scan3A_28 = arith.addi %scan3A_26, %scan3A_27 : i32
    %scan3A_29 = arith.constant 1 : i32
    scf.for %scan3A_38 = %scan3A_26 to %scan3A_28 step %scan3A_29  : i32 {
      %mul3A_39 = arith.constant 128 : i32
      %mul3A_40 = arith.muli %scan3A_38, %mul3A_39 : i32
      %add3A_41 = arith.addi %mul3A_24, %mul3A_40 : i32
      "tpu.region"() ({
        %run_scoped3A = tpu.sem_alloc : memref<!tpu.dma_semaphore, #tpu.memory_space<semaphore_mem>>
        %dma_start3A = tpu.memref_slice %arg2[%add3A_41] : memref<327680xi32, #tpu.memory_space<hbm>> -> memref<128xi32, #tpu.memory_space<hbm>>
        %dma_start3A_42 = tpu.memref_slice %arg2[%add3A_41] : memref<327680xi32, #tpu.memory_space<hbm>> -> memref<128xi32, #tpu.memory_space<hbm>>
        tpu.enqueue_dma source(%dma_start3A_42 : memref<128xi32, #tpu.memory_space<hbm>>) target(%arg4 : memref<128xi32, #tpu.memory_space<vmem>>) target_semaphore(%run_scoped3A : memref<!tpu.dma_semaphore, #tpu.memory_space<semaphore_mem>>)
        %dma_wait3A = tpu.memref_slice %arg2[%add3A_41] : memref<327680xi32, #tpu.memory_space<hbm>> -> memref<128xi32, #tpu.memory_space<hbm>>
        %dma_wait3A_43 = tpu.memref_slice %arg2[%add3A_41] : memref<327680xi32, #tpu.memory_space<hbm>> -> memref<128xi32, #tpu.memory_space<hbm>>
        tpu.wait_dma2 semaphore(%run_scoped3A : memref<!tpu.dma_semaphore, #tpu.memory_space<semaphore_mem>>) src(%dma_wait3A_43 : memref<128xi32, #tpu.memory_space<hbm>>) dst(%arg4 : memref<128xi32, #tpu.memory_space<vmem>>)
        tpu.yield
      }) : () -> ()
      "tpu.region"() ({
        %run_scoped3A = tpu.sem_alloc : memref<!tpu.dma_semaphore, #tpu.memory_space<semaphore_mem>>
        %dma_start3A = arith.constant 0 : i32
        %dma_start3A_42 = arith.constant 0 : i32
        %dma_start3A_43 = tpu.memref_slice %arg7[%dma_start3A, %dma_start3A_42] : memref<10240x128xf32, #tpu.memory_space<vmem_shared>> -> memref<10240x128xf32, #tpu.memory_space<vmem_shared>>
        tpu.enqueue_indirect_dma source(%arg6 : memref<128x128xf32, #tpu.memory_space<vmem>>) target(%dma_start3A_43 : memref<10240x128xf32, #tpu.memory_space<vmem_shared>>) offsets(%arg4 : memref<128xi32, #tpu.memory_space<vmem>>) semaphore(%run_scoped3A : memref<!tpu.dma_semaphore, #tpu.memory_space<semaphore_mem>>) {add = true}
        %dma_wait3A = arith.constant 0 : i32
        %dma_wait3A_44 = arith.constant 0 : i32
        %dma_wait3A_45 = tpu.memref_slice %arg7[%dma_wait3A, %dma_wait3A_44] : memref<10240x128xf32, #tpu.memory_space<vmem_shared>> -> memref<10240x128xf32, #tpu.memory_space<vmem_shared>>
        tpu.wait_indirect_dma semaphore(%run_scoped3A : memref<!tpu.dma_semaphore, #tpu.memory_space<semaphore_mem>>) src(%arg6 : memref<128x128xf32, #tpu.memory_space<vmem>>) dst(%dma_wait3A_45 : memref<10240x128xf32, #tpu.memory_space<vmem_shared>>)
        tpu.yield
      }) : () -> ()
    }
    %scan3A_30 = arith.constant 80 : i32
    %barrier3A_31 = arith.constant 0 : index
    tpu.barrier barrier_id(%barrier3A_31)
    %scan3A_32 = arith.constant 0 : i32
    %scan3A_33 = arith.constant 0 : i32
    %scan3A_34 = arith.constant 5 : i32
    %scan3A_35 = arith.addi %scan3A_33, %scan3A_34 : i32
    %scan3A_36 = arith.constant 1 : i32
    scf.for %scan3A_38 = %scan3A_33 to %scan3A_35 step %scan3A_36  : i32 {
      %mul3A_39 = arith.constant 128 : i32
      %mul3A_40 = arith.muli %scan3A_38, %mul3A_39 : i32
      %add3A_41 = arith.addi %mul3A_0, %mul3A_40 : i32
      %add3A_42 = arith.constant 0 : i32
      %add3A_43 = arith.addi %add3A_41, %add3A_42 : i32
      %add3A_44 = vector.broadcast %add3A_43 : i32 to vector<16xi32>
      %add3A_45 = arith.addi %iota3A, %add3A_44 : vector<16xi32>
      %swap3A = arith.constant 0 : index
      %swap3A_46 = tpu.vector_load %arg5[%swap3A] {strides = array<i32>} : memref<128xi32, #tpu.memory_space<vmem>>, vector<16xi32>,
      %swap3A_47 = vector.shape_cast %swap3A_46 : vector<16xi32> to vector<16xi32>
      %swap3A_48 = vector.shape_cast %add3A_45 : vector<16xi32> to vector<16xi32>
      tpu.vector_store %arg5[%swap3A], %swap3A_48 {strides = array<i32>} : memref<128xi32, #tpu.memory_space<vmem>>, vector<16xi32>,
      %add3A_49 = arith.constant 16 : i32
      %add3A_50 = arith.addi %add3A_41, %add3A_49 : i32
      %add3A_51 = vector.broadcast %add3A_50 : i32 to vector<16xi32>
      %add3A_52 = arith.addi %iota3A, %add3A_51 : vector<16xi32>
      %swap3A_53 = arith.constant 16 : index
      %swap3A_54 = tpu.vector_load %arg5[%swap3A_53] {strides = array<i32>} : memref<128xi32, #tpu.memory_space<vmem>>, vector<16xi32>,
      %swap3A_55 = vector.shape_cast %swap3A_54 : vector<16xi32> to vector<16xi32>
      %swap3A_56 = vector.shape_cast %add3A_52 : vector<16xi32> to vector<16xi32>
      tpu.vector_store %arg5[%swap3A_53], %swap3A_56 {strides = array<i32>} : memref<128xi32, #tpu.memory_space<vmem>>, vector<16xi32>,
      %add3A_57 = arith.constant 32 : i32
      %add3A_58 = arith.addi %add3A_41, %add3A_57 : i32
      %add3A_59 = vector.broadcast %add3A_58 : i32 to vector<16xi32>
      %add3A_60 = arith.addi %iota3A, %add3A_59 : vector<16xi32>
      %swap3A_61 = arith.constant 32 : index
      %swap3A_62 = tpu.vector_load %arg5[%swap3A_61] {strides = array<i32>} : memref<128xi32, #tpu.memory_space<vmem>>, vector<16xi32>,
      %swap3A_63 = vector.shape_cast %swap3A_62 : vector<16xi32> to vector<16xi32>
      %swap3A_64 = vector.shape_cast %add3A_60 : vector<16xi32> to vector<16xi32>
      tpu.vector_store %arg5[%swap3A_61], %swap3A_64 {strides = array<i32>} : memref<128xi32, #tpu.memory_space<vmem>>, vector<16xi32>,
      %add3A_65 = arith.constant 48 : i32
      %add3A_66 = arith.addi %add3A_41, %add3A_65 : i32
      %add3A_67 = vector.broadcast %add3A_66 : i32 to vector<16xi32>
      %add3A_68 = arith.addi %iota3A, %add3A_67 : vector<16xi32>
      %swap3A_69 = arith.constant 48 : index
      %swap3A_70 = tpu.vector_load %arg5[%swap3A_69] {strides = array<i32>} : memref<128xi32, #tpu.memory_space<vmem>>, vector<16xi32>,
      %swap3A_71 = vector.shape_cast %swap3A_70 : vector<16xi32> to vector<16xi32>
      %swap3A_72 = vector.shape_cast %add3A_68 : vector<16xi32> to vector<16xi32>
      tpu.vector_store %arg5[%swap3A_69], %swap3A_72 {strides = array<i32>} : memref<128xi32, #tpu.memory_space<vmem>>, vector<16xi32>,
      %add3A_73 = arith.constant 64 : i32
      %add3A_74 = arith.addi %add3A_41, %add3A_73 : i32
      %add3A_75 = vector.broadcast %add3A_74 : i32 to vector<16xi32>
      %add3A_76 = arith.addi %iota3A, %add3A_75 : vector<16xi32>
      %swap3A_77 = arith.constant 64 : index
      %swap3A_78 = tpu.vector_load %arg5[%swap3A_77] {strides = array<i32>} : memref<128xi32, #tpu.memory_space<vmem>>, vector<16xi32>,
      %swap3A_79 = vector.shape_cast %swap3A_78 : vector<16xi32> to vector<16xi32>
      %swap3A_80 = vector.shape_cast %add3A_76 : vector<16xi32> to vector<16xi32>
      tpu.vector_store %arg5[%swap3A_77], %swap3A_80 {strides = array<i32>} : memref<128xi32, #tpu.memory_space<vmem>>, vector<16xi32>,
      %add3A_81 = arith.constant 80 : i32
      %add3A_82 = arith.addi %add3A_41, %add3A_81 : i32
      %add3A_83 = vector.broadcast %add3A_82 : i32 to vector<16xi32>
      %add3A_84 = arith.addi %iota3A, %add3A_83 : vector<16xi32>
      %swap3A_85 = arith.constant 80 : index
      %swap3A_86 = tpu.vector_load %arg5[%swap3A_85] {strides = array<i32>} : memref<128xi32, #tpu.memory_space<vmem>>, vector<16xi32>,
      %swap3A_87 = vector.shape_cast %swap3A_86 : vector<16xi32> to vector<16xi32>
      %swap3A_88 = vector.shape_cast %add3A_84 : vector<16xi32> to vector<16xi32>
      tpu.vector_store %arg5[%swap3A_85], %swap3A_88 {strides = array<i32>} : memref<128xi32, #tpu.memory_space<vmem>>, vector<16xi32>,
      %add3A_89 = arith.constant 96 : i32
      %add3A_90 = arith.addi %add3A_41, %add3A_89 : i32
      %add3A_91 = vector.broadcast %add3A_90 : i32 to vector<16xi32>
      %add3A_92 = arith.addi %iota3A, %add3A_91 : vector<16xi32>
      %swap3A_93 = arith.constant 96 : index
      %swap3A_94 = tpu.vector_load %arg5[%swap3A_93] {strides = array<i32>} : memref<128xi32, #tpu.memory_space<vmem>>, vector<16xi32>,
      %swap3A_95 = vector.shape_cast %swap3A_94 : vector<16xi32> to vector<16xi32>
      %swap3A_96 = vector.shape_cast %add3A_92 : vector<16xi32> to vector<16xi32>
      tpu.vector_store %arg5[%swap3A_93], %swap3A_96 {strides = array<i32>} : memref<128xi32, #tpu.memory_space<vmem>>, vector<16xi32>,
      %add3A_97 = arith.constant 112 : i32
      %add3A_98 = arith.addi %add3A_41, %add3A_97 : i32
      %add3A_99 = vector.broadcast %add3A_98 : i32 to vector<16xi32>
      %add3A_100 = arith.addi %iota3A, %add3A_99 : vector<16xi32>
      %swap3A_101 = arith.constant 112 : index
      %swap3A_102 = tpu.vector_load %arg5[%swap3A_101] {strides = array<i32>} : memref<128xi32, #tpu.memory_space<vmem>>, vector<16xi32>,
      %swap3A_103 = vector.shape_cast %swap3A_102 : vector<16xi32> to vector<16xi32>
      %swap3A_104 = vector.shape_cast %add3A_100 : vector<16xi32> to vector<16xi32>
      tpu.vector_store %arg5[%swap3A_101], %swap3A_104 {strides = array<i32>} : memref<128xi32, #tpu.memory_space<vmem>>, vector<16xi32>,
      %dma_start3A = arith.constant 0 : i32
      %dma_start3A_105 = arith.constant 0 : i32
      %dma_start3A_106 = tpu.memref_slice %arg7[%dma_start3A, %dma_start3A_105] : memref<10240x128xf32, #tpu.memory_space<vmem_shared>> -> memref<10240x128xf32, #tpu.memory_space<vmem_shared>>
      tpu.enqueue_indirect_dma source(%dma_start3A_106 : memref<10240x128xf32, #tpu.memory_space<vmem_shared>>) target(%arg6 : memref<128x128xf32, #tpu.memory_space<vmem>>) offsets(%arg5 : memref<128xi32, #tpu.memory_space<vmem>>) semaphore(%arg8 : memref<!tpu.dma_semaphore, #tpu.memory_space<semaphore_mem>>)
      %dma_wait3A = arith.constant 0 : i32
      %dma_wait3A_107 = arith.constant 0 : i32
      %dma_wait3A_108 = tpu.memref_slice %arg7[%dma_wait3A, %dma_wait3A_107] : memref<10240x128xf32, #tpu.memory_space<vmem_shared>> -> memref<10240x128xf32, #tpu.memory_space<vmem_shared>>
      tpu.wait_indirect_dma semaphore(%arg8 : memref<!tpu.dma_semaphore, #tpu.memory_space<semaphore_mem>>) src(%dma_wait3A_108 : memref<10240x128xf32, #tpu.memory_space<vmem_shared>>) dst(%arg6 : memref<128x128xf32, #tpu.memory_space<vmem>>)
      %mul3A_109 = arith.constant 128 : i32
      %mul3A_110 = arith.muli %scan3A_38, %mul3A_109 : i32
      %add3A_111 = arith.addi %mul3A_0, %mul3A_110 : i32
      "tpu.region"() ({
        %run_scoped3A = tpu.sem_alloc : memref<!tpu.dma_semaphore, #tpu.memory_space<semaphore_mem>>
        %dma_start3A_112 = arith.constant 0 : i32
        %dma_start3A_113 = tpu.memref_slice %arg3[%arg0, %add3A_111, %dma_start3A_112] : memref<2x10240x128xf32, #tpu.memory_space<hbm>> -> memref<1x128x128xf32, #tpu.memory_space<hbm>>
        %dma_start3A_114 = tpu.memref_squeeze %dma_start3A_113 : memref<1x128x128xf32, #tpu.memory_space<hbm>> -> memref<128x128xf32, #tpu.memory_space<hbm>>
        %dma_start3A_115 = arith.constant 0 : i32
        %dma_start3A_116 = tpu.memref_slice %arg3[%arg0, %add3A_111, %dma_start3A_115] : memref<2x10240x128xf32, #tpu.memory_space<hbm>> -> memref<1x128x128xf32, #tpu.memory_space<hbm>>
        %dma_start3A_117 = tpu.memref_squeeze %dma_start3A_116 : memref<1x128x128xf32, #tpu.memory_space<hbm>> -> memref<128x128xf32, #tpu.memory_space<hbm>>
        tpu.enqueue_dma source(%arg6 : memref<128x128xf32, #tpu.memory_space<vmem>>) target(%dma_start3A_117 : memref<128x128xf32, #tpu.memory_space<hbm>>) target_semaphore(%run_scoped3A : memref<!tpu.dma_semaphore, #tpu.memory_space<semaphore_mem>>)
        %dma_wait3A_118 = arith.constant 0 : i32
        %dma_wait3A_119 = tpu.memref_slice %arg3[%arg0, %add3A_111, %dma_wait3A_118] : memref<2x10240x128xf32, #tpu.memory_space<hbm>> -> memref<1x128x128xf32, #tpu.memory_space<hbm>>
        %dma_wait3A_120 = tpu.memref_squeeze %dma_wait3A_119 : memref<1x128x128xf32, #tpu.memory_space<hbm>> -> memref<128x128xf32, #tpu.memory_space<hbm>>
        %dma_wait3A_121 = arith.constant 0 : i32
        %dma_wait3A_122 = tpu.memref_slice %arg3[%arg0, %add3A_111, %dma_wait3A_121] : memref<2x10240x128xf32, #tpu.memory_space<hbm>> -> memref<1x128x128xf32, #tpu.memory_space<hbm>>
        %dma_wait3A_123 = tpu.memref_squeeze %dma_wait3A_122 : memref<1x128x128xf32, #tpu.memory_space<hbm>> -> memref<128x128xf32, #tpu.memory_space<hbm>>
        tpu.wait_dma2 semaphore(%run_scoped3A : memref<!tpu.dma_semaphore, #tpu.memory_space<semaphore_mem>>) src(%arg6 : memref<128x128xf32, #tpu.memory_space<vmem>>) dst(%dma_wait3A_123 : memref<128x128xf32, #tpu.memory_space<hbm>>)
        tpu.yield
      }) : () -> ()
    }
    %scan3A_37 = arith.constant 5 : i32
    return
  }
}

#map = affine_map<(d0, d1) -> (0, 0)>
#map1 = affine_map<(d0, d1) -> (0)>
#map2 = affine_map<(d0, d1) -> (0, 0, 0)>
module attributes {stable_mosaic.version = 14 : i64} {
  func.func @sc_pass(%arg0: i32, %arg1: i32, %arg2: memref<10000x128xf32, #tpu.memory_space<hbm>>, %arg3: memref<327680xi32, #tpu.memory_space<hbm>>, %arg4: memref<327680xi32, #tpu.memory_space<hbm>>, %arg5: memref<2x10240x128xf32, #tpu.memory_space<hbm>>, %arg6: memref<64xi32, #tpu.memory_space<vmem>>, %arg7: memref<64xi32, #tpu.memory_space<vmem>>, %arg8: memref<64xi32, #tpu.memory_space<vmem>>, %arg9: memref<64xi32, #tpu.memory_space<vmem>>, %arg10: memref<64xi32, #tpu.memory_space<vmem>>, %arg11: memref<64xi32, #tpu.memory_space<vmem>>, %arg12: memref<64xi32, #tpu.memory_space<vmem>>, %arg13: memref<64xi32, #tpu.memory_space<vmem>>, %arg14: memref<64x128xf32, #tpu.memory_space<vmem>>, %arg15: memref<64x128xf32, #tpu.memory_space<vmem>>, %arg16: memref<64x128xf32, #tpu.memory_space<vmem>>, %arg17: memref<64x128xf32, #tpu.memory_space<vmem>>, %arg18: memref<64xi32, #tpu.memory_space<vmem>>, %arg19: memref<10240x128xf32, #tpu.memory_space<vmem_shared>>, %arg20: memref<!tpu.dma_semaphore, #tpu.memory_space<semaphore_mem>>, %arg21: memref<!tpu.dma_semaphore, #tpu.memory_space<semaphore_mem>>, %arg22: memref<!tpu.dma_semaphore, #tpu.memory_space<semaphore_mem>>, %arg23: memref<!tpu.dma_semaphore, #tpu.memory_space<semaphore_mem>>) attributes {dimension_semantics = [#tpu.dimension_semantics<core_parallel>, #tpu.dimension_semantics<subcore_parallel>], iteration_bounds = array<i64: 2, 16>, scalar_prefetch = 0 : i64, scratch_operands = 18 : i64, tpu.core_type = #tpu.core_type<sc_vector_subcore>, window_params = [{transform_indices = #map}, {transform_indices = #map1}, {transform_indices = #map1}, {transform_indices = #map2}]} {
    %mul3A = arith.constant 640 : i32
    %mul3A_0 = arith.muli %arg1, %mul3A : i32
    %iota3A = tpu.iota {dimensions = array<i32: 0>} : vector<16xi32>
    %broadcast_in_dim3A = arith.constant 0.000000e+00 : f32
    %broadcast_in_dim3A_1 = vector.broadcast %broadcast_in_dim3A : f32 to vector<16xf32>
    %scan3A = arith.constant 0 : i32
    %scan3A_2 = arith.constant 0 : i32
    %scan3A_3 = arith.constant 64 : i32
    %scan3A_4 = arith.addi %scan3A_2, %scan3A_3 : i32
    %scan3A_5 = arith.constant 1 : i32
    scf.for %scan3A_54 = %scan3A_2 to %scan3A_4 step %scan3A_5  : i32 {
      %swap3A = arith.index_cast %scan3A_54 : i32 to index
      %swap3A_55 = arith.constant 0 : index
      %swap3A_56 = tpu.vector_load %arg14[%swap3A, %swap3A_55] {strides = array<i32>} : memref<64x128xf32, #tpu.memory_space<vmem>>, vector<1x16xf32>,
      %swap3A_57 = vector.shape_cast %swap3A_56 : vector<1x16xf32> to vector<16xf32>
      %swap3A_58 = vector.shape_cast %broadcast_in_dim3A_1 : vector<16xf32> to vector<1x16xf32>
      tpu.vector_store %arg14[%swap3A, %swap3A_55], %swap3A_58 {strides = array<i32>} : memref<64x128xf32, #tpu.memory_space<vmem>>, vector<1x16xf32>,
      %swap3A_59 = arith.index_cast %scan3A_54 : i32 to index
      %swap3A_60 = arith.constant 16 : index
      %swap3A_61 = tpu.vector_load %arg14[%swap3A_59, %swap3A_60] {strides = array<i32>} : memref<64x128xf32, #tpu.memory_space<vmem>>, vector<1x16xf32>,
      %swap3A_62 = vector.shape_cast %swap3A_61 : vector<1x16xf32> to vector<16xf32>
      %swap3A_63 = vector.shape_cast %broadcast_in_dim3A_1 : vector<16xf32> to vector<1x16xf32>
      tpu.vector_store %arg14[%swap3A_59, %swap3A_60], %swap3A_63 {strides = array<i32>} : memref<64x128xf32, #tpu.memory_space<vmem>>, vector<1x16xf32>,
      %swap3A_64 = arith.index_cast %scan3A_54 : i32 to index
      %swap3A_65 = arith.constant 32 : index
      %swap3A_66 = tpu.vector_load %arg14[%swap3A_64, %swap3A_65] {strides = array<i32>} : memref<64x128xf32, #tpu.memory_space<vmem>>, vector<1x16xf32>,
      %swap3A_67 = vector.shape_cast %swap3A_66 : vector<1x16xf32> to vector<16xf32>
      %swap3A_68 = vector.shape_cast %broadcast_in_dim3A_1 : vector<16xf32> to vector<1x16xf32>
      tpu.vector_store %arg14[%swap3A_64, %swap3A_65], %swap3A_68 {strides = array<i32>} : memref<64x128xf32, #tpu.memory_space<vmem>>, vector<1x16xf32>,
      %swap3A_69 = arith.index_cast %scan3A_54 : i32 to index
      %swap3A_70 = arith.constant 48 : index
      %swap3A_71 = tpu.vector_load %arg14[%swap3A_69, %swap3A_70] {strides = array<i32>} : memref<64x128xf32, #tpu.memory_space<vmem>>, vector<1x16xf32>,
      %swap3A_72 = vector.shape_cast %swap3A_71 : vector<1x16xf32> to vector<16xf32>
      %swap3A_73 = vector.shape_cast %broadcast_in_dim3A_1 : vector<16xf32> to vector<1x16xf32>
      tpu.vector_store %arg14[%swap3A_69, %swap3A_70], %swap3A_73 {strides = array<i32>} : memref<64x128xf32, #tpu.memory_space<vmem>>, vector<1x16xf32>,
      %swap3A_74 = arith.index_cast %scan3A_54 : i32 to index
      %swap3A_75 = arith.constant 64 : index
      %swap3A_76 = tpu.vector_load %arg14[%swap3A_74, %swap3A_75] {strides = array<i32>} : memref<64x128xf32, #tpu.memory_space<vmem>>, vector<1x16xf32>,
      %swap3A_77 = vector.shape_cast %swap3A_76 : vector<1x16xf32> to vector<16xf32>
      %swap3A_78 = vector.shape_cast %broadcast_in_dim3A_1 : vector<16xf32> to vector<1x16xf32>
      tpu.vector_store %arg14[%swap3A_74, %swap3A_75], %swap3A_78 {strides = array<i32>} : memref<64x128xf32, #tpu.memory_space<vmem>>, vector<1x16xf32>,
      %swap3A_79 = arith.index_cast %scan3A_54 : i32 to index
      %swap3A_80 = arith.constant 80 : index
      %swap3A_81 = tpu.vector_load %arg14[%swap3A_79, %swap3A_80] {strides = array<i32>} : memref<64x128xf32, #tpu.memory_space<vmem>>, vector<1x16xf32>,
      %swap3A_82 = vector.shape_cast %swap3A_81 : vector<1x16xf32> to vector<16xf32>
      %swap3A_83 = vector.shape_cast %broadcast_in_dim3A_1 : vector<16xf32> to vector<1x16xf32>
      tpu.vector_store %arg14[%swap3A_79, %swap3A_80], %swap3A_83 {strides = array<i32>} : memref<64x128xf32, #tpu.memory_space<vmem>>, vector<1x16xf32>,
      %swap3A_84 = arith.index_cast %scan3A_54 : i32 to index
      %swap3A_85 = arith.constant 96 : index
      %swap3A_86 = tpu.vector_load %arg14[%swap3A_84, %swap3A_85] {strides = array<i32>} : memref<64x128xf32, #tpu.memory_space<vmem>>, vector<1x16xf32>,
      %swap3A_87 = vector.shape_cast %swap3A_86 : vector<1x16xf32> to vector<16xf32>
      %swap3A_88 = vector.shape_cast %broadcast_in_dim3A_1 : vector<16xf32> to vector<1x16xf32>
      tpu.vector_store %arg14[%swap3A_84, %swap3A_85], %swap3A_88 {strides = array<i32>} : memref<64x128xf32, #tpu.memory_space<vmem>>, vector<1x16xf32>,
      %swap3A_89 = arith.index_cast %scan3A_54 : i32 to index
      %swap3A_90 = arith.constant 112 : index
      %swap3A_91 = tpu.vector_load %arg14[%swap3A_89, %swap3A_90] {strides = array<i32>} : memref<64x128xf32, #tpu.memory_space<vmem>>, vector<1x16xf32>,
      %swap3A_92 = vector.shape_cast %swap3A_91 : vector<1x16xf32> to vector<16xf32>
      %swap3A_93 = vector.shape_cast %broadcast_in_dim3A_1 : vector<16xf32> to vector<1x16xf32>
      tpu.vector_store %arg14[%swap3A_89, %swap3A_90], %swap3A_93 {strides = array<i32>} : memref<64x128xf32, #tpu.memory_space<vmem>>, vector<1x16xf32>,
    }
    %scan3A_6 = arith.constant 64 : i32
    %scan3A_7 = arith.constant 0 : i32
    %scan3A_8 = arith.constant 0 : i32
    %scan3A_9 = arith.constant 10 : i32
    %scan3A_10 = arith.addi %scan3A_8, %scan3A_9 : i32
    %scan3A_11 = arith.constant 1 : i32
    scf.for %scan3A_54 = %scan3A_8 to %scan3A_10 step %scan3A_11  : i32 {
      %mul3A_55 = arith.constant 64 : i32
      %mul3A_56 = arith.muli %scan3A_54, %mul3A_55 : i32
      %add3A_57 = arith.addi %mul3A_0, %mul3A_56 : i32
      %add3A_58 = arith.constant 0 : i32
      %add3A_59 = arith.addi %add3A_57, %add3A_58 : i32
      %add3A_60 = vector.broadcast %add3A_59 : i32 to vector<16xi32>
      %add3A_61 = arith.addi %iota3A, %add3A_60 : vector<16xi32>
      %swap3A = arith.constant 0 : index
      %swap3A_62 = tpu.vector_load %arg18[%swap3A] {strides = array<i32>} : memref<64xi32, #tpu.memory_space<vmem>>, vector<16xi32>,
      %swap3A_63 = vector.shape_cast %swap3A_62 : vector<16xi32> to vector<16xi32>
      %swap3A_64 = vector.shape_cast %add3A_61 : vector<16xi32> to vector<16xi32>
      tpu.vector_store %arg18[%swap3A], %swap3A_64 {strides = array<i32>} : memref<64xi32, #tpu.memory_space<vmem>>, vector<16xi32>,
      %add3A_65 = arith.constant 16 : i32
      %add3A_66 = arith.addi %add3A_57, %add3A_65 : i32
      %add3A_67 = vector.broadcast %add3A_66 : i32 to vector<16xi32>
      %add3A_68 = arith.addi %iota3A, %add3A_67 : vector<16xi32>
      %swap3A_69 = arith.constant 16 : index
      %swap3A_70 = tpu.vector_load %arg18[%swap3A_69] {strides = array<i32>} : memref<64xi32, #tpu.memory_space<vmem>>, vector<16xi32>,
      %swap3A_71 = vector.shape_cast %swap3A_70 : vector<16xi32> to vector<16xi32>
      %swap3A_72 = vector.shape_cast %add3A_68 : vector<16xi32> to vector<16xi32>
      tpu.vector_store %arg18[%swap3A_69], %swap3A_72 {strides = array<i32>} : memref<64xi32, #tpu.memory_space<vmem>>, vector<16xi32>,
      %add3A_73 = arith.constant 32 : i32
      %add3A_74 = arith.addi %add3A_57, %add3A_73 : i32
      %add3A_75 = vector.broadcast %add3A_74 : i32 to vector<16xi32>
      %add3A_76 = arith.addi %iota3A, %add3A_75 : vector<16xi32>
      %swap3A_77 = arith.constant 32 : index
      %swap3A_78 = tpu.vector_load %arg18[%swap3A_77] {strides = array<i32>} : memref<64xi32, #tpu.memory_space<vmem>>, vector<16xi32>,
      %swap3A_79 = vector.shape_cast %swap3A_78 : vector<16xi32> to vector<16xi32>
      %swap3A_80 = vector.shape_cast %add3A_76 : vector<16xi32> to vector<16xi32>
      tpu.vector_store %arg18[%swap3A_77], %swap3A_80 {strides = array<i32>} : memref<64xi32, #tpu.memory_space<vmem>>, vector<16xi32>,
      %add3A_81 = arith.constant 48 : i32
      %add3A_82 = arith.addi %add3A_57, %add3A_81 : i32
      %add3A_83 = vector.broadcast %add3A_82 : i32 to vector<16xi32>
      %add3A_84 = arith.addi %iota3A, %add3A_83 : vector<16xi32>
      %swap3A_85 = arith.constant 48 : index
      %swap3A_86 = tpu.vector_load %arg18[%swap3A_85] {strides = array<i32>} : memref<64xi32, #tpu.memory_space<vmem>>, vector<16xi32>,
      %swap3A_87 = vector.shape_cast %swap3A_86 : vector<16xi32> to vector<16xi32>
      %swap3A_88 = vector.shape_cast %add3A_84 : vector<16xi32> to vector<16xi32>
      tpu.vector_store %arg18[%swap3A_85], %swap3A_88 {strides = array<i32>} : memref<64xi32, #tpu.memory_space<vmem>>, vector<16xi32>,
      "tpu.region"() ({
        %run_scoped3A = tpu.sem_alloc : memref<!tpu.dma_semaphore, #tpu.memory_space<semaphore_mem>>
        %dma_start3A_89 = arith.constant 0 : i32
        %dma_start3A_90 = arith.constant 0 : i32
        %dma_start3A_91 = tpu.memref_slice %arg19[%dma_start3A_89, %dma_start3A_90] : memref<10240x128xf32, #tpu.memory_space<vmem_shared>> -> memref<10240x128xf32, #tpu.memory_space<vmem_shared>>
        tpu.enqueue_indirect_dma source(%arg14 : memref<64x128xf32, #tpu.memory_space<vmem>>) target(%dma_start3A_91 : memref<10240x128xf32, #tpu.memory_space<vmem_shared>>) offsets(%arg18 : memref<64xi32, #tpu.memory_space<vmem>>) semaphore(%run_scoped3A : memref<!tpu.dma_semaphore, #tpu.memory_space<semaphore_mem>>)
        %dma_wait3A_92 = arith.constant 0 : i32
        %dma_wait3A_93 = arith.constant 0 : i32
        %dma_wait3A_94 = tpu.memref_slice %arg19[%dma_wait3A_92, %dma_wait3A_93] : memref<10240x128xf32, #tpu.memory_space<vmem_shared>> -> memref<10240x128xf32, #tpu.memory_space<vmem_shared>>
        tpu.wait_indirect_dma semaphore(%run_scoped3A : memref<!tpu.dma_semaphore, #tpu.memory_space<semaphore_mem>>) src(%arg14 : memref<64x128xf32, #tpu.memory_space<vmem>>) dst(%dma_wait3A_94 : memref<10240x128xf32, #tpu.memory_space<vmem_shared>>)
        tpu.yield
      }) : () -> ()
    }
    %scan3A_12 = arith.constant 10 : i32
    %barrier3A = arith.constant 0 : index
    tpu.barrier barrier_id(%barrier3A)
    %mul3A_13 = arith.constant 2 : i32
    %mul3A_14 = arith.muli %arg1, %mul3A_13 : i32
    %add3A = arith.addi %mul3A_14, %arg0 : i32
    %mul3A_15 = arith.constant 10240 : i32
    %mul3A_16 = arith.muli %add3A, %mul3A_15 : i32
    %add3A_17 = arith.constant 10176 : i32
    %add3A_18 = arith.addi %mul3A_16, %add3A_17 : i32
    %add3A_19 = arith.constant 0 : i32
    %add3A_20 = arith.addi %mul3A_16, %add3A_19 : i32
    "tpu.region"() ({
      %run_scoped3A = tpu.sem_alloc : memref<!tpu.dma_semaphore, #tpu.memory_space<semaphore_mem>>
      %dma_start3A_54 = tpu.memref_slice %arg3[%add3A_20] : memref<327680xi32, #tpu.memory_space<hbm>> -> memref<64xi32, #tpu.memory_space<hbm>>
      %dma_start3A_55 = tpu.memref_slice %arg3[%add3A_20] : memref<327680xi32, #tpu.memory_space<hbm>> -> memref<64xi32, #tpu.memory_space<hbm>>
      tpu.enqueue_dma source(%dma_start3A_55 : memref<64xi32, #tpu.memory_space<hbm>>) target(%arg6 : memref<64xi32, #tpu.memory_space<vmem>>) target_semaphore(%run_scoped3A : memref<!tpu.dma_semaphore, #tpu.memory_space<semaphore_mem>>)
      %dma_wait3A_56 = tpu.memref_slice %arg3[%add3A_20] : memref<327680xi32, #tpu.memory_space<hbm>> -> memref<64xi32, #tpu.memory_space<hbm>>
      %dma_wait3A_57 = tpu.memref_slice %arg3[%add3A_20] : memref<327680xi32, #tpu.memory_space<hbm>> -> memref<64xi32, #tpu.memory_space<hbm>>
      tpu.wait_dma2 semaphore(%run_scoped3A : memref<!tpu.dma_semaphore, #tpu.memory_space<semaphore_mem>>) src(%dma_wait3A_57 : memref<64xi32, #tpu.memory_space<hbm>>) dst(%arg6 : memref<64xi32, #tpu.memory_space<vmem>>)
      tpu.yield
    }) : () -> ()
    "tpu.region"() ({
      %run_scoped3A = tpu.sem_alloc : memref<!tpu.dma_semaphore, #tpu.memory_space<semaphore_mem>>
      %dma_start3A_54 = tpu.memref_slice %arg4[%add3A_20] : memref<327680xi32, #tpu.memory_space<hbm>> -> memref<64xi32, #tpu.memory_space<hbm>>
      %dma_start3A_55 = tpu.memref_slice %arg4[%add3A_20] : memref<327680xi32, #tpu.memory_space<hbm>> -> memref<64xi32, #tpu.memory_space<hbm>>
      tpu.enqueue_dma source(%dma_start3A_55 : memref<64xi32, #tpu.memory_space<hbm>>) target(%arg10 : memref<64xi32, #tpu.memory_space<vmem>>) target_semaphore(%run_scoped3A : memref<!tpu.dma_semaphore, #tpu.memory_space<semaphore_mem>>)
      %dma_wait3A_56 = tpu.memref_slice %arg4[%add3A_20] : memref<327680xi32, #tpu.memory_space<hbm>> -> memref<64xi32, #tpu.memory_space<hbm>>
      %dma_wait3A_57 = tpu.memref_slice %arg4[%add3A_20] : memref<327680xi32, #tpu.memory_space<hbm>> -> memref<64xi32, #tpu.memory_space<hbm>>
      tpu.wait_dma2 semaphore(%run_scoped3A : memref<!tpu.dma_semaphore, #tpu.memory_space<semaphore_mem>>) src(%dma_wait3A_57 : memref<64xi32, #tpu.memory_space<hbm>>) dst(%arg10 : memref<64xi32, #tpu.memory_space<vmem>>)
      tpu.yield
    }) : () -> ()
    %dma_start3A = arith.constant 0 : i32
    %dma_start3A_21 = arith.constant 0 : i32
    %dma_start3A_22 = tpu.memref_slice %arg2[%dma_start3A, %dma_start3A_21] : memref<10000x128xf32, #tpu.memory_space<hbm>> -> memref<10000x128xf32, #tpu.memory_space<hbm>>
    tpu.enqueue_indirect_dma source(%dma_start3A_22 : memref<10000x128xf32, #tpu.memory_space<hbm>>) target(%arg14 : memref<64x128xf32, #tpu.memory_space<vmem>>) offsets(%arg6 : memref<64xi32, #tpu.memory_space<vmem>>) semaphore(%arg20 : memref<!tpu.dma_semaphore, #tpu.memory_space<semaphore_mem>>)
    %add3A_23 = arith.constant 64 : i32
    %add3A_24 = arith.addi %mul3A_16, %add3A_23 : i32
    "tpu.region"() ({
      %run_scoped3A = tpu.sem_alloc : memref<!tpu.dma_semaphore, #tpu.memory_space<semaphore_mem>>
      %dma_start3A_54 = tpu.memref_slice %arg3[%add3A_24] : memref<327680xi32, #tpu.memory_space<hbm>> -> memref<64xi32, #tpu.memory_space<hbm>>
      %dma_start3A_55 = tpu.memref_slice %arg3[%add3A_24] : memref<327680xi32, #tpu.memory_space<hbm>> -> memref<64xi32, #tpu.memory_space<hbm>>
      tpu.enqueue_dma source(%dma_start3A_55 : memref<64xi32, #tpu.memory_space<hbm>>) target(%arg7 : memref<64xi32, #tpu.memory_space<vmem>>) target_semaphore(%run_scoped3A : memref<!tpu.dma_semaphore, #tpu.memory_space<semaphore_mem>>)
      %dma_wait3A_56 = tpu.memref_slice %arg3[%add3A_24] : memref<327680xi32, #tpu.memory_space<hbm>> -> memref<64xi32, #tpu.memory_space<hbm>>
      %dma_wait3A_57 = tpu.memref_slice %arg3[%add3A_24] : memref<327680xi32, #tpu.memory_space<hbm>> -> memref<64xi32, #tpu.memory_space<hbm>>
      tpu.wait_dma2 semaphore(%run_scoped3A : memref<!tpu.dma_semaphore, #tpu.memory_space<semaphore_mem>>) src(%dma_wait3A_57 : memref<64xi32, #tpu.memory_space<hbm>>) dst(%arg7 : memref<64xi32, #tpu.memory_space<vmem>>)
      tpu.yield
    }) : () -> ()
    "tpu.region"() ({
      %run_scoped3A = tpu.sem_alloc : memref<!tpu.dma_semaphore, #tpu.memory_space<semaphore_mem>>
      %dma_start3A_54 = tpu.memref_slice %arg4[%add3A_24] : memref<327680xi32, #tpu.memory_space<hbm>> -> memref<64xi32, #tpu.memory_space<hbm>>
      %dma_start3A_55 = tpu.memref_slice %arg4[%add3A_24] : memref<327680xi32, #tpu.memory_space<hbm>> -> memref<64xi32, #tpu.memory_space<hbm>>
      tpu.enqueue_dma source(%dma_start3A_55 : memref<64xi32, #tpu.memory_space<hbm>>) target(%arg11 : memref<64xi32, #tpu.memory_space<vmem>>) target_semaphore(%run_scoped3A : memref<!tpu.dma_semaphore, #tpu.memory_space<semaphore_mem>>)
      %dma_wait3A_56 = tpu.memref_slice %arg4[%add3A_24] : memref<327680xi32, #tpu.memory_space<hbm>> -> memref<64xi32, #tpu.memory_space<hbm>>
      %dma_wait3A_57 = tpu.memref_slice %arg4[%add3A_24] : memref<327680xi32, #tpu.memory_space<hbm>> -> memref<64xi32, #tpu.memory_space<hbm>>
      tpu.wait_dma2 semaphore(%run_scoped3A : memref<!tpu.dma_semaphore, #tpu.memory_space<semaphore_mem>>) src(%dma_wait3A_57 : memref<64xi32, #tpu.memory_space<hbm>>) dst(%arg11 : memref<64xi32, #tpu.memory_space<vmem>>)
      tpu.yield
    }) : () -> ()
    %dma_start3A_25 = arith.constant 0 : i32
    %dma_start3A_26 = arith.constant 0 : i32
    %dma_start3A_27 = tpu.memref_slice %arg2[%dma_start3A_25, %dma_start3A_26] : memref<10000x128xf32, #tpu.memory_space<hbm>> -> memref<10000x128xf32, #tpu.memory_space<hbm>>
    tpu.enqueue_indirect_dma source(%dma_start3A_27 : memref<10000x128xf32, #tpu.memory_space<hbm>>) target(%arg15 : memref<64x128xf32, #tpu.memory_space<vmem>>) offsets(%arg7 : memref<64xi32, #tpu.memory_space<vmem>>) semaphore(%arg21 : memref<!tpu.dma_semaphore, #tpu.memory_space<semaphore_mem>>)
    %add3A_28 = arith.constant 128 : i32
    %add3A_29 = arith.addi %mul3A_16, %add3A_28 : i32
    "tpu.region"() ({
      %run_scoped3A = tpu.sem_alloc : memref<!tpu.dma_semaphore, #tpu.memory_space<semaphore_mem>>
      %dma_start3A_54 = tpu.memref_slice %arg3[%add3A_29] : memref<327680xi32, #tpu.memory_space<hbm>> -> memref<64xi32, #tpu.memory_space<hbm>>
      %dma_start3A_55 = tpu.memref_slice %arg3[%add3A_29] : memref<327680xi32, #tpu.memory_space<hbm>> -> memref<64xi32, #tpu.memory_space<hbm>>
      tpu.enqueue_dma source(%dma_start3A_55 : memref<64xi32, #tpu.memory_space<hbm>>) target(%arg8 : memref<64xi32, #tpu.memory_space<vmem>>) target_semaphore(%run_scoped3A : memref<!tpu.dma_semaphore, #tpu.memory_space<semaphore_mem>>)
      %dma_wait3A_56 = tpu.memref_slice %arg3[%add3A_29] : memref<327680xi32, #tpu.memory_space<hbm>> -> memref<64xi32, #tpu.memory_space<hbm>>
      %dma_wait3A_57 = tpu.memref_slice %arg3[%add3A_29] : memref<327680xi32, #tpu.memory_space<hbm>> -> memref<64xi32, #tpu.memory_space<hbm>>
      tpu.wait_dma2 semaphore(%run_scoped3A : memref<!tpu.dma_semaphore, #tpu.memory_space<semaphore_mem>>) src(%dma_wait3A_57 : memref<64xi32, #tpu.memory_space<hbm>>) dst(%arg8 : memref<64xi32, #tpu.memory_space<vmem>>)
      tpu.yield
    }) : () -> ()
    "tpu.region"() ({
      %run_scoped3A = tpu.sem_alloc : memref<!tpu.dma_semaphore, #tpu.memory_space<semaphore_mem>>
      %dma_start3A_54 = tpu.memref_slice %arg4[%add3A_29] : memref<327680xi32, #tpu.memory_space<hbm>> -> memref<64xi32, #tpu.memory_space<hbm>>
      %dma_start3A_55 = tpu.memref_slice %arg4[%add3A_29] : memref<327680xi32, #tpu.memory_space<hbm>> -> memref<64xi32, #tpu.memory_space<hbm>>
      tpu.enqueue_dma source(%dma_start3A_55 : memref<64xi32, #tpu.memory_space<hbm>>) target(%arg12 : memref<64xi32, #tpu.memory_space<vmem>>) target_semaphore(%run_scoped3A : memref<!tpu.dma_semaphore, #tpu.memory_space<semaphore_mem>>)
      %dma_wait3A_56 = tpu.memref_slice %arg4[%add3A_29] : memref<327680xi32, #tpu.memory_space<hbm>> -> memref<64xi32, #tpu.memory_space<hbm>>
      %dma_wait3A_57 = tpu.memref_slice %arg4[%add3A_29] : memref<327680xi32, #tpu.memory_space<hbm>> -> memref<64xi32, #tpu.memory_space<hbm>>
      tpu.wait_dma2 semaphore(%run_scoped3A : memref<!tpu.dma_semaphore, #tpu.memory_space<semaphore_mem>>) src(%dma_wait3A_57 : memref<64xi32, #tpu.memory_space<hbm>>) dst(%arg12 : memref<64xi32, #tpu.memory_space<vmem>>)
      tpu.yield
    }) : () -> ()
    %dma_start3A_30 = arith.constant 0 : i32
    %dma_start3A_31 = arith.constant 0 : i32
    %dma_start3A_32 = tpu.memref_slice %arg2[%dma_start3A_30, %dma_start3A_31] : memref<10000x128xf32, #tpu.memory_space<hbm>> -> memref<10000x128xf32, #tpu.memory_space<hbm>>
    tpu.enqueue_indirect_dma source(%dma_start3A_32 : memref<10000x128xf32, #tpu.memory_space<hbm>>) target(%arg16 : memref<64x128xf32, #tpu.memory_space<vmem>>) offsets(%arg8 : memref<64xi32, #tpu.memory_space<vmem>>) semaphore(%arg22 : memref<!tpu.dma_semaphore, #tpu.memory_space<semaphore_mem>>)
    %scan3A_33 = arith.constant 0 : i32
    %scan3A_34 = arith.constant 0 : i32
    %scan3A_35 = arith.constant 40 : i32
    %scan3A_36 = arith.addi %scan3A_34, %scan3A_35 : i32
    %scan3A_37 = arith.constant 1 : i32
    scf.for %scan3A_54 = %scan3A_34 to %scan3A_36 step %scan3A_37  : i32 {
      %mul3A_55 = arith.constant 4 : i32
      %mul3A_56 = arith.muli %scan3A_54, %mul3A_55 : i32
      %dma_wait3A_57 = arith.constant 0 : i32
      %dma_wait3A_58 = arith.constant 0 : i32
      %dma_wait3A_59 = tpu.memref_slice %arg2[%dma_wait3A_57, %dma_wait3A_58] : memref<10000x128xf32, #tpu.memory_space<hbm>> -> memref<10000x128xf32, #tpu.memory_space<hbm>>
      tpu.wait_indirect_dma semaphore(%arg20 : memref<!tpu.dma_semaphore, #tpu.memory_space<semaphore_mem>>) src(%dma_wait3A_59 : memref<10000x128xf32, #tpu.memory_space<hbm>>) dst(%arg14 : memref<64x128xf32, #tpu.memory_space<vmem>>)
      "tpu.region"() ({
        %run_scoped3A = tpu.sem_alloc : memref<!tpu.dma_semaphore, #tpu.memory_space<semaphore_mem>>
        %dma_start3A_119 = arith.constant 0 : i32
        %dma_start3A_120 = arith.constant 0 : i32
        %dma_start3A_121 = tpu.memref_slice %arg19[%dma_start3A_119, %dma_start3A_120] : memref<10240x128xf32, #tpu.memory_space<vmem_shared>> -> memref<10240x128xf32, #tpu.memory_space<vmem_shared>>
        tpu.enqueue_indirect_dma source(%arg14 : memref<64x128xf32, #tpu.memory_space<vmem>>) target(%dma_start3A_121 : memref<10240x128xf32, #tpu.memory_space<vmem_shared>>) offsets(%arg10 : memref<64xi32, #tpu.memory_space<vmem>>) semaphore(%run_scoped3A : memref<!tpu.dma_semaphore, #tpu.memory_space<semaphore_mem>>) {add = true}
        %dma_wait3A_122 = arith.constant 0 : i32
        %dma_wait3A_123 = arith.constant 0 : i32
        %dma_wait3A_124 = tpu.memref_slice %arg19[%dma_wait3A_122, %dma_wait3A_123] : memref<10240x128xf32, #tpu.memory_space<vmem_shared>> -> memref<10240x128xf32, #tpu.memory_space<vmem_shared>>
        tpu.wait_indirect_dma semaphore(%run_scoped3A : memref<!tpu.dma_semaphore, #tpu.memory_space<semaphore_mem>>) src(%arg14 : memref<64x128xf32, #tpu.memory_space<vmem>>) dst(%dma_wait3A_124 : memref<10240x128xf32, #tpu.memory_space<vmem_shared>>)
        tpu.yield
      }) : () -> ()
      %add3A_60 = arith.constant 0 : i32
      %add3A_61 = arith.addi %mul3A_56, %add3A_60 : i32
      %add3A_62 = arith.constant 4 : i32
      %add3A_63 = arith.addi %add3A_61, %add3A_62 : i32
      %sub3A = arith.constant 1 : i32
      %sub3A_64 = arith.subi %add3A_63, %sub3A : i32
      %mul3A_65 = arith.constant 64 : i32
      %mul3A_66 = arith.muli %sub3A_64, %mul3A_65 : i32
      %add3A_67 = arith.addi %mul3A_16, %mul3A_66 : i32
      %min3A = arith.minsi %add3A_67, %add3A_18 : i32
      "tpu.region"() ({
        %run_scoped3A = tpu.sem_alloc : memref<!tpu.dma_semaphore, #tpu.memory_space<semaphore_mem>>
        %dma_start3A_119 = tpu.memref_slice %arg3[%min3A] : memref<327680xi32, #tpu.memory_space<hbm>> -> memref<64xi32, #tpu.memory_space<hbm>>
        %dma_start3A_120 = tpu.memref_slice %arg3[%min3A] : memref<327680xi32, #tpu.memory_space<hbm>> -> memref<64xi32, #tpu.memory_space<hbm>>
        tpu.enqueue_dma source(%dma_start3A_120 : memref<64xi32, #tpu.memory_space<hbm>>) target(%arg9 : memref<64xi32, #tpu.memory_space<vmem>>) target_semaphore(%run_scoped3A : memref<!tpu.dma_semaphore, #tpu.memory_space<semaphore_mem>>)
        %dma_wait3A_121 = tpu.memref_slice %arg3[%min3A] : memref<327680xi32, #tpu.memory_space<hbm>> -> memref<64xi32, #tpu.memory_space<hbm>>
        %dma_wait3A_122 = tpu.memref_slice %arg3[%min3A] : memref<327680xi32, #tpu.memory_space<hbm>> -> memref<64xi32, #tpu.memory_space<hbm>>
        tpu.wait_dma2 semaphore(%run_scoped3A : memref<!tpu.dma_semaphore, #tpu.memory_space<semaphore_mem>>) src(%dma_wait3A_122 : memref<64xi32, #tpu.memory_space<hbm>>) dst(%arg9 : memref<64xi32, #tpu.memory_space<vmem>>)
        tpu.yield
      }) : () -> ()
      "tpu.region"() ({
        %run_scoped3A = tpu.sem_alloc : memref<!tpu.dma_semaphore, #tpu.memory_space<semaphore_mem>>
        %dma_start3A_119 = tpu.memref_slice %arg4[%min3A] : memref<327680xi32, #tpu.memory_space<hbm>> -> memref<64xi32, #tpu.memory_space<hbm>>
        %dma_start3A_120 = tpu.memref_slice %arg4[%min3A] : memref<327680xi32, #tpu.memory_space<hbm>> -> memref<64xi32, #tpu.memory_space<hbm>>
        tpu.enqueue_dma source(%dma_start3A_120 : memref<64xi32, #tpu.memory_space<hbm>>) target(%arg13 : memref<64xi32, #tpu.memory_space<vmem>>) target_semaphore(%run_scoped3A : memref<!tpu.dma_semaphore, #tpu.memory_space<semaphore_mem>>)
        %dma_wait3A_121 = tpu.memref_slice %arg4[%min3A] : memref<327680xi32, #tpu.memory_space<hbm>> -> memref<64xi32, #tpu.memory_space<hbm>>
        %dma_wait3A_122 = tpu.memref_slice %arg4[%min3A] : memref<327680xi32, #tpu.memory_space<hbm>> -> memref<64xi32, #tpu.memory_space<hbm>>
        tpu.wait_dma2 semaphore(%run_scoped3A : memref<!tpu.dma_semaphore, #tpu.memory_space<semaphore_mem>>) src(%dma_wait3A_122 : memref<64xi32, #tpu.memory_space<hbm>>) dst(%arg13 : memref<64xi32, #tpu.memory_space<vmem>>)
        tpu.yield
      }) : () -> ()
      %dma_start3A_68 = arith.constant 0 : i32
      %dma_start3A_69 = arith.constant 0 : i32
      %dma_start3A_70 = tpu.memref_slice %arg2[%dma_start3A_68, %dma_start3A_69] : memref<10000x128xf32, #tpu.memory_space<hbm>> -> memref<10000x128xf32, #tpu.memory_space<hbm>>
      tpu.enqueue_indirect_dma source(%dma_start3A_70 : memref<10000x128xf32, #tpu.memory_space<hbm>>) target(%arg17 : memref<64x128xf32, #tpu.memory_space<vmem>>) offsets(%arg9 : memref<64xi32, #tpu.memory_space<vmem>>) semaphore(%arg23 : memref<!tpu.dma_semaphore, #tpu.memory_space<semaphore_mem>>)
      %dma_wait3A_71 = arith.constant 0 : i32
      %dma_wait3A_72 = arith.constant 0 : i32
      %dma_wait3A_73 = tpu.memref_slice %arg2[%dma_wait3A_71, %dma_wait3A_72] : memref<10000x128xf32, #tpu.memory_space<hbm>> -> memref<10000x128xf32, #tpu.memory_space<hbm>>
      tpu.wait_indirect_dma semaphore(%arg21 : memref<!tpu.dma_semaphore, #tpu.memory_space<semaphore_mem>>) src(%dma_wait3A_73 : memref<10000x128xf32, #tpu.memory_space<hbm>>) dst(%arg15 : memref<64x128xf32, #tpu.memory_space<vmem>>)
      "tpu.region"() ({
        %run_scoped3A = tpu.sem_alloc : memref<!tpu.dma_semaphore, #tpu.memory_space<semaphore_mem>>
        %dma_start3A_119 = arith.constant 0 : i32
        %dma_start3A_120 = arith.constant 0 : i32
        %dma_start3A_121 = tpu.memref_slice %arg19[%dma_start3A_119, %dma_start3A_120] : memref<10240x128xf32, #tpu.memory_space<vmem_shared>> -> memref<10240x128xf32, #tpu.memory_space<vmem_shared>>
        tpu.enqueue_indirect_dma source(%arg15 : memref<64x128xf32, #tpu.memory_space<vmem>>) target(%dma_start3A_121 : memref<10240x128xf32, #tpu.memory_space<vmem_shared>>) offsets(%arg11 : memref<64xi32, #tpu.memory_space<vmem>>) semaphore(%run_scoped3A : memref<!tpu.dma_semaphore, #tpu.memory_space<semaphore_mem>>) {add = true}
        %dma_wait3A_122 = arith.constant 0 : i32
        %dma_wait3A_123 = arith.constant 0 : i32
        %dma_wait3A_124 = tpu.memref_slice %arg19[%dma_wait3A_122, %dma_wait3A_123] : memref<10240x128xf32, #tpu.memory_space<vmem_shared>> -> memref<10240x128xf32, #tpu.memory_space<vmem_shared>>
        tpu.wait_indirect_dma semaphore(%run_scoped3A : memref<!tpu.dma_semaphore, #tpu.memory_space<semaphore_mem>>) src(%arg15 : memref<64x128xf32, #tpu.memory_space<vmem>>) dst(%dma_wait3A_124 : memref<10240x128xf32, #tpu.memory_space<vmem_shared>>)
        tpu.yield
      }) : () -> ()
      %add3A_74 = arith.constant 1 : i32
      %add3A_75 = arith.addi %mul3A_56, %add3A_74 : i32
      %add3A_76 = arith.constant 4 : i32
      %add3A_77 = arith.addi %add3A_75, %add3A_76 : i32
      %sub3A_78 = arith.constant 1 : i32
      %sub3A_79 = arith.subi %add3A_77, %sub3A_78 : i32
      %mul3A_80 = arith.constant 64 : i32
      %mul3A_81 = arith.muli %sub3A_79, %mul3A_80 : i32
      %add3A_82 = arith.addi %mul3A_16, %mul3A_81 : i32
      %min3A_83 = arith.minsi %add3A_82, %add3A_18 : i32
      "tpu.region"() ({
        %run_scoped3A = tpu.sem_alloc : memref<!tpu.dma_semaphore, #tpu.memory_space<semaphore_mem>>
        %dma_start3A_119 = tpu.memref_slice %arg3[%min3A_83] : memref<327680xi32, #tpu.memory_space<hbm>> -> memref<64xi32, #tpu.memory_space<hbm>>
        %dma_start3A_120 = tpu.memref_slice %arg3[%min3A_83] : memref<327680xi32, #tpu.memory_space<hbm>> -> memref<64xi32, #tpu.memory_space<hbm>>
        tpu.enqueue_dma source(%dma_start3A_120 : memref<64xi32, #tpu.memory_space<hbm>>) target(%arg6 : memref<64xi32, #tpu.memory_space<vmem>>) target_semaphore(%run_scoped3A : memref<!tpu.dma_semaphore, #tpu.memory_space<semaphore_mem>>)
        %dma_wait3A_121 = tpu.memref_slice %arg3[%min3A_83] : memref<327680xi32, #tpu.memory_space<hbm>> -> memref<64xi32, #tpu.memory_space<hbm>>
        %dma_wait3A_122 = tpu.memref_slice %arg3[%min3A_83] : memref<327680xi32, #tpu.memory_space<hbm>> -> memref<64xi32, #tpu.memory_space<hbm>>
        tpu.wait_dma2 semaphore(%run_scoped3A : memref<!tpu.dma_semaphore, #tpu.memory_space<semaphore_mem>>) src(%dma_wait3A_122 : memref<64xi32, #tpu.memory_space<hbm>>) dst(%arg6 : memref<64xi32, #tpu.memory_space<vmem>>)
        tpu.yield
      }) : () -> ()
      "tpu.region"() ({
        %run_scoped3A = tpu.sem_alloc : memref<!tpu.dma_semaphore, #tpu.memory_space<semaphore_mem>>
        %dma_start3A_119 = tpu.memref_slice %arg4[%min3A_83] : memref<327680xi32, #tpu.memory_space<hbm>> -> memref<64xi32, #tpu.memory_space<hbm>>
        %dma_start3A_120 = tpu.memref_slice %arg4[%min3A_83] : memref<327680xi32, #tpu.memory_space<hbm>> -> memref<64xi32, #tpu.memory_space<hbm>>
        tpu.enqueue_dma source(%dma_start3A_120 : memref<64xi32, #tpu.memory_space<hbm>>) target(%arg10 : memref<64xi32, #tpu.memory_space<vmem>>) target_semaphore(%run_scoped3A : memref<!tpu.dma_semaphore, #tpu.memory_space<semaphore_mem>>)
        %dma_wait3A_121 = tpu.memref_slice %arg4[%min3A_83] : memref<327680xi32, #tpu.memory_space<hbm>> -> memref<64xi32, #tpu.memory_space<hbm>>
        %dma_wait3A_122 = tpu.memref_slice %arg4[%min3A_83] : memref<327680xi32, #tpu.memory_space<hbm>> -> memref<64xi32, #tpu.memory_space<hbm>>
        tpu.wait_dma2 semaphore(%run_scoped3A : memref<!tpu.dma_semaphore, #tpu.memory_space<semaphore_mem>>) src(%dma_wait3A_122 : memref<64xi32, #tpu.memory_space<hbm>>) dst(%arg10 : memref<64xi32, #tpu.memory_space<vmem>>)
        tpu.yield
      }) : () -> ()
      %dma_start3A_84 = arith.constant 0 : i32
      %dma_start3A_85 = arith.constant 0 : i32
      %dma_start3A_86 = tpu.memref_slice %arg2[%dma_start3A_84, %dma_start3A_85] : memref<10000x128xf32, #tpu.memory_space<hbm>> -> memref<10000x128xf32, #tpu.memory_space<hbm>>
      tpu.enqueue_indirect_dma source(%dma_start3A_86 : memref<10000x128xf32, #tpu.memory_space<hbm>>) target(%arg14 : memref<64x128xf32, #tpu.memory_space<vmem>>) offsets(%arg6 : memref<64xi32, #tpu.memory_space<vmem>>) semaphore(%arg20 : memref<!tpu.dma_semaphore, #tpu.memory_space<semaphore_mem>>)
      %dma_wait3A_87 = arith.constant 0 : i32
      %dma_wait3A_88 = arith.constant 0 : i32
      %dma_wait3A_89 = tpu.memref_slice %arg2[%dma_wait3A_87, %dma_wait3A_88] : memref<10000x128xf32, #tpu.memory_space<hbm>> -> memref<10000x128xf32, #tpu.memory_space<hbm>>
      tpu.wait_indirect_dma semaphore(%arg22 : memref<!tpu.dma_semaphore, #tpu.memory_space<semaphore_mem>>) src(%dma_wait3A_89 : memref<10000x128xf32, #tpu.memory_space<hbm>>) dst(%arg16 : memref<64x128xf32, #tpu.memory_space<vmem>>)
      "tpu.region"() ({
        %run_scoped3A = tpu.sem_alloc : memref<!tpu.dma_semaphore, #tpu.memory_space<semaphore_mem>>
        %dma_start3A_119 = arith.constant 0 : i32
        %dma_start3A_120 = arith.constant 0 : i32
        %dma_start3A_121 = tpu.memref_slice %arg19[%dma_start3A_119, %dma_start3A_120] : memref<10240x128xf32, #tpu.memory_space<vmem_shared>> -> memref<10240x128xf32, #tpu.memory_space<vmem_shared>>
        tpu.enqueue_indirect_dma source(%arg16 : memref<64x128xf32, #tpu.memory_space<vmem>>) target(%dma_start3A_121 : memref<10240x128xf32, #tpu.memory_space<vmem_shared>>) offsets(%arg12 : memref<64xi32, #tpu.memory_space<vmem>>) semaphore(%run_scoped3A : memref<!tpu.dma_semaphore, #tpu.memory_space<semaphore_mem>>) {add = true}
        %dma_wait3A_122 = arith.constant 0 : i32
        %dma_wait3A_123 = arith.constant 0 : i32
        %dma_wait3A_124 = tpu.memref_slice %arg19[%dma_wait3A_122, %dma_wait3A_123] : memref<10240x128xf32, #tpu.memory_space<vmem_shared>> -> memref<10240x128xf32, #tpu.memory_space<vmem_shared>>
        tpu.wait_indirect_dma semaphore(%run_scoped3A : memref<!tpu.dma_semaphore, #tpu.memory_space<semaphore_mem>>) src(%arg16 : memref<64x128xf32, #tpu.memory_space<vmem>>) dst(%dma_wait3A_124 : memref<10240x128xf32, #tpu.memory_space<vmem_shared>>)
        tpu.yield
      }) : () -> ()
      %add3A_90 = arith.constant 2 : i32
      %add3A_91 = arith.addi %mul3A_56, %add3A_90 : i32
      %add3A_92 = arith.constant 4 : i32
      %add3A_93 = arith.addi %add3A_91, %add3A_92 : i32
      %sub3A_94 = arith.constant 1 : i32
      %sub3A_95 = arith.subi %add3A_93, %sub3A_94 : i32
      %mul3A_96 = arith.constant 64 : i32
      %mul3A_97 = arith.muli %sub3A_95, %mul3A_96 : i32
      %add3A_98 = arith.addi %mul3A_16, %mul3A_97 : i32
      %min3A_99 = arith.minsi %add3A_98, %add3A_18 : i32
      "tpu.region"() ({
        %run_scoped3A = tpu.sem_alloc : memref<!tpu.dma_semaphore, #tpu.memory_space<semaphore_mem>>
        %dma_start3A_119 = tpu.memref_slice %arg3[%min3A_99] : memref<327680xi32, #tpu.memory_space<hbm>> -> memref<64xi32, #tpu.memory_space<hbm>>
        %dma_start3A_120 = tpu.memref_slice %arg3[%min3A_99] : memref<327680xi32, #tpu.memory_space<hbm>> -> memref<64xi32, #tpu.memory_space<hbm>>
        tpu.enqueue_dma source(%dma_start3A_120 : memref<64xi32, #tpu.memory_space<hbm>>) target(%arg7 : memref<64xi32, #tpu.memory_space<vmem>>) target_semaphore(%run_scoped3A : memref<!tpu.dma_semaphore, #tpu.memory_space<semaphore_mem>>)
        %dma_wait3A_121 = tpu.memref_slice %arg3[%min3A_99] : memref<327680xi32, #tpu.memory_space<hbm>> -> memref<64xi32, #tpu.memory_space<hbm>>
        %dma_wait3A_122 = tpu.memref_slice %arg3[%min3A_99] : memref<327680xi32, #tpu.memory_space<hbm>> -> memref<64xi32, #tpu.memory_space<hbm>>
        tpu.wait_dma2 semaphore(%run_scoped3A : memref<!tpu.dma_semaphore, #tpu.memory_space<semaphore_mem>>) src(%dma_wait3A_122 : memref<64xi32, #tpu.memory_space<hbm>>) dst(%arg7 : memref<64xi32, #tpu.memory_space<vmem>>)
        tpu.yield
      }) : () -> ()
      "tpu.region"() ({
        %run_scoped3A = tpu.sem_alloc : memref<!tpu.dma_semaphore, #tpu.memory_space<semaphore_mem>>
        %dma_start3A_119 = tpu.memref_slice %arg4[%min3A_99] : memref<327680xi32, #tpu.memory_space<hbm>> -> memref<64xi32, #tpu.memory_space<hbm>>
        %dma_start3A_120 = tpu.memref_slice %arg4[%min3A_99] : memref<327680xi32, #tpu.memory_space<hbm>> -> memref<64xi32, #tpu.memory_space<hbm>>
        tpu.enqueue_dma source(%dma_start3A_120 : memref<64xi32, #tpu.memory_space<hbm>>) target(%arg11 : memref<64xi32, #tpu.memory_space<vmem>>) target_semaphore(%run_scoped3A : memref<!tpu.dma_semaphore, #tpu.memory_space<semaphore_mem>>)
        %dma_wait3A_121 = tpu.memref_slice %arg4[%min3A_99] : memref<327680xi32, #tpu.memory_space<hbm>> -> memref<64xi32, #tpu.memory_space<hbm>>
        %dma_wait3A_122 = tpu.memref_slice %arg4[%min3A_99] : memref<327680xi32, #tpu.memory_space<hbm>> -> memref<64xi32, #tpu.memory_space<hbm>>
        tpu.wait_dma2 semaphore(%run_scoped3A : memref<!tpu.dma_semaphore, #tpu.memory_space<semaphore_mem>>) src(%dma_wait3A_122 : memref<64xi32, #tpu.memory_space<hbm>>) dst(%arg11 : memref<64xi32, #tpu.memory_space<vmem>>)
        tpu.yield
      }) : () -> ()
      %dma_start3A_100 = arith.constant 0 : i32
      %dma_start3A_101 = arith.constant 0 : i32
      %dma_start3A_102 = tpu.memref_slice %arg2[%dma_start3A_100, %dma_start3A_101] : memref<10000x128xf32, #tpu.memory_space<hbm>> -> memref<10000x128xf32, #tpu.memory_space<hbm>>
      tpu.enqueue_indirect_dma source(%dma_start3A_102 : memref<10000x128xf32, #tpu.memory_space<hbm>>) target(%arg15 : memref<64x128xf32, #tpu.memory_space<vmem>>) offsets(%arg7 : memref<64xi32, #tpu.memory_space<vmem>>) semaphore(%arg21 : memref<!tpu.dma_semaphore, #tpu.memory_space<semaphore_mem>>)
      %dma_wait3A_103 = arith.constant 0 : i32
      %dma_wait3A_104 = arith.constant 0 : i32
      %dma_wait3A_105 = tpu.memref_slice %arg2[%dma_wait3A_103, %dma_wait3A_104] : memref<10000x128xf32, #tpu.memory_space<hbm>> -> memref<10000x128xf32, #tpu.memory_space<hbm>>
      tpu.wait_indirect_dma semaphore(%arg23 : memref<!tpu.dma_semaphore, #tpu.memory_space<semaphore_mem>>) src(%dma_wait3A_105 : memref<10000x128xf32, #tpu.memory_space<hbm>>) dst(%arg17 : memref<64x128xf32, #tpu.memory_space<vmem>>)
      "tpu.region"() ({
        %run_scoped3A = tpu.sem_alloc : memref<!tpu.dma_semaphore, #tpu.memory_space<semaphore_mem>>
        %dma_start3A_119 = arith.constant 0 : i32
        %dma_start3A_120 = arith.constant 0 : i32
        %dma_start3A_121 = tpu.memref_slice %arg19[%dma_start3A_119, %dma_start3A_120] : memref<10240x128xf32, #tpu.memory_space<vmem_shared>> -> memref<10240x128xf32, #tpu.memory_space<vmem_shared>>
        tpu.enqueue_indirect_dma source(%arg17 : memref<64x128xf32, #tpu.memory_space<vmem>>) target(%dma_start3A_121 : memref<10240x128xf32, #tpu.memory_space<vmem_shared>>) offsets(%arg13 : memref<64xi32, #tpu.memory_space<vmem>>) semaphore(%run_scoped3A : memref<!tpu.dma_semaphore, #tpu.memory_space<semaphore_mem>>) {add = true}
        %dma_wait3A_122 = arith.constant 0 : i32
        %dma_wait3A_123 = arith.constant 0 : i32
        %dma_wait3A_124 = tpu.memref_slice %arg19[%dma_wait3A_122, %dma_wait3A_123] : memref<10240x128xf32, #tpu.memory_space<vmem_shared>> -> memref<10240x128xf32, #tpu.memory_space<vmem_shared>>
        tpu.wait_indirect_dma semaphore(%run_scoped3A : memref<!tpu.dma_semaphore, #tpu.memory_space<semaphore_mem>>) src(%arg17 : memref<64x128xf32, #tpu.memory_space<vmem>>) dst(%dma_wait3A_124 : memref<10240x128xf32, #tpu.memory_space<vmem_shared>>)
        tpu.yield
      }) : () -> ()
      %add3A_106 = arith.constant 3 : i32
      %add3A_107 = arith.addi %mul3A_56, %add3A_106 : i32
      %add3A_108 = arith.constant 4 : i32
      %add3A_109 = arith.addi %add3A_107, %add3A_108 : i32
      %sub3A_110 = arith.constant 1 : i32
      %sub3A_111 = arith.subi %add3A_109, %sub3A_110 : i32
      %mul3A_112 = arith.constant 64 : i32
      %mul3A_113 = arith.muli %sub3A_111, %mul3A_112 : i32
      %add3A_114 = arith.addi %mul3A_16, %mul3A_113 : i32
      %min3A_115 = arith.minsi %add3A_114, %add3A_18 : i32
      "tpu.region"() ({
        %run_scoped3A = tpu.sem_alloc : memref<!tpu.dma_semaphore, #tpu.memory_space<semaphore_mem>>
        %dma_start3A_119 = tpu.memref_slice %arg3[%min3A_115] : memref<327680xi32, #tpu.memory_space<hbm>> -> memref<64xi32, #tpu.memory_space<hbm>>
        %dma_start3A_120 = tpu.memref_slice %arg3[%min3A_115] : memref<327680xi32, #tpu.memory_space<hbm>> -> memref<64xi32, #tpu.memory_space<hbm>>
        tpu.enqueue_dma source(%dma_start3A_120 : memref<64xi32, #tpu.memory_space<hbm>>) target(%arg8 : memref<64xi32, #tpu.memory_space<vmem>>) target_semaphore(%run_scoped3A : memref<!tpu.dma_semaphore, #tpu.memory_space<semaphore_mem>>)
        %dma_wait3A_121 = tpu.memref_slice %arg3[%min3A_115] : memref<327680xi32, #tpu.memory_space<hbm>> -> memref<64xi32, #tpu.memory_space<hbm>>
        %dma_wait3A_122 = tpu.memref_slice %arg3[%min3A_115] : memref<327680xi32, #tpu.memory_space<hbm>> -> memref<64xi32, #tpu.memory_space<hbm>>
        tpu.wait_dma2 semaphore(%run_scoped3A : memref<!tpu.dma_semaphore, #tpu.memory_space<semaphore_mem>>) src(%dma_wait3A_122 : memref<64xi32, #tpu.memory_space<hbm>>) dst(%arg8 : memref<64xi32, #tpu.memory_space<vmem>>)
        tpu.yield
      }) : () -> ()
      "tpu.region"() ({
        %run_scoped3A = tpu.sem_alloc : memref<!tpu.dma_semaphore, #tpu.memory_space<semaphore_mem>>
        %dma_start3A_119 = tpu.memref_slice %arg4[%min3A_115] : memref<327680xi32, #tpu.memory_space<hbm>> -> memref<64xi32, #tpu.memory_space<hbm>>
        %dma_start3A_120 = tpu.memref_slice %arg4[%min3A_115] : memref<327680xi32, #tpu.memory_space<hbm>> -> memref<64xi32, #tpu.memory_space<hbm>>
        tpu.enqueue_dma source(%dma_start3A_120 : memref<64xi32, #tpu.memory_space<hbm>>) target(%arg12 : memref<64xi32, #tpu.memory_space<vmem>>) target_semaphore(%run_scoped3A : memref<!tpu.dma_semaphore, #tpu.memory_space<semaphore_mem>>)
        %dma_wait3A_121 = tpu.memref_slice %arg4[%min3A_115] : memref<327680xi32, #tpu.memory_space<hbm>> -> memref<64xi32, #tpu.memory_space<hbm>>
        %dma_wait3A_122 = tpu.memref_slice %arg4[%min3A_115] : memref<327680xi32, #tpu.memory_space<hbm>> -> memref<64xi32, #tpu.memory_space<hbm>>
        tpu.wait_dma2 semaphore(%run_scoped3A : memref<!tpu.dma_semaphore, #tpu.memory_space<semaphore_mem>>) src(%dma_wait3A_122 : memref<64xi32, #tpu.memory_space<hbm>>) dst(%arg12 : memref<64xi32, #tpu.memory_space<vmem>>)
        tpu.yield
      }) : () -> ()
      %dma_start3A_116 = arith.constant 0 : i32
      %dma_start3A_117 = arith.constant 0 : i32
      %dma_start3A_118 = tpu.memref_slice %arg2[%dma_start3A_116, %dma_start3A_117] : memref<10000x128xf32, #tpu.memory_space<hbm>> -> memref<10000x128xf32, #tpu.memory_space<hbm>>
      tpu.enqueue_indirect_dma source(%dma_start3A_118 : memref<10000x128xf32, #tpu.memory_space<hbm>>) target(%arg16 : memref<64x128xf32, #tpu.memory_space<vmem>>) offsets(%arg8 : memref<64xi32, #tpu.memory_space<vmem>>) semaphore(%arg22 : memref<!tpu.dma_semaphore, #tpu.memory_space<semaphore_mem>>)
    }
    %scan3A_38 = arith.constant 40 : i32
    %dma_wait3A = arith.constant 0 : i32
    %dma_wait3A_39 = arith.constant 0 : i32
    %dma_wait3A_40 = tpu.memref_slice %arg2[%dma_wait3A, %dma_wait3A_39] : memref<10000x128xf32, #tpu.memory_space<hbm>> -> memref<10000x128xf32, #tpu.memory_space<hbm>>
    tpu.wait_indirect_dma semaphore(%arg20 : memref<!tpu.dma_semaphore, #tpu.memory_space<semaphore_mem>>) src(%dma_wait3A_40 : memref<10000x128xf32, #tpu.memory_space<hbm>>) dst(%arg14 : memref<64x128xf32, #tpu.memory_space<vmem>>)
    %dma_wait3A_41 = arith.constant 0 : i32
    %dma_wait3A_42 = arith.constant 0 : i32
    %dma_wait3A_43 = tpu.memref_slice %arg2[%dma_wait3A_41, %dma_wait3A_42] : memref<10000x128xf32, #tpu.memory_space<hbm>> -> memref<10000x128xf32, #tpu.memory_space<hbm>>
    tpu.wait_indirect_dma semaphore(%arg21 : memref<!tpu.dma_semaphore, #tpu.memory_space<semaphore_mem>>) src(%dma_wait3A_43 : memref<10000x128xf32, #tpu.memory_space<hbm>>) dst(%arg15 : memref<64x128xf32, #tpu.memory_space<vmem>>)
    %dma_wait3A_44 = arith.constant 0 : i32
    %dma_wait3A_45 = arith.constant 0 : i32
    %dma_wait3A_46 = tpu.memref_slice %arg2[%dma_wait3A_44, %dma_wait3A_45] : memref<10000x128xf32, #tpu.memory_space<hbm>> -> memref<10000x128xf32, #tpu.memory_space<hbm>>
    tpu.wait_indirect_dma semaphore(%arg22 : memref<!tpu.dma_semaphore, #tpu.memory_space<semaphore_mem>>) src(%dma_wait3A_46 : memref<10000x128xf32, #tpu.memory_space<hbm>>) dst(%arg16 : memref<64x128xf32, #tpu.memory_space<vmem>>)
    %barrier3A_47 = arith.constant 0 : index
    tpu.barrier barrier_id(%barrier3A_47)
    %scan3A_48 = arith.constant 0 : i32
    %scan3A_49 = arith.constant 0 : i32
    %scan3A_50 = arith.constant 10 : i32
    %scan3A_51 = arith.addi %scan3A_49, %scan3A_50 : i32
    %scan3A_52 = arith.constant 1 : i32
    scf.for %scan3A_54 = %scan3A_49 to %scan3A_51 step %scan3A_52  : i32 {
      %mul3A_55 = arith.constant 64 : i32
      %mul3A_56 = arith.muli %scan3A_54, %mul3A_55 : i32
      %add3A_57 = arith.addi %mul3A_0, %mul3A_56 : i32
      %add3A_58 = arith.constant 0 : i32
      %add3A_59 = arith.addi %add3A_57, %add3A_58 : i32
      %add3A_60 = vector.broadcast %add3A_59 : i32 to vector<16xi32>
      %add3A_61 = arith.addi %iota3A, %add3A_60 : vector<16xi32>
      %swap3A = arith.constant 0 : index
      %swap3A_62 = tpu.vector_load %arg18[%swap3A] {strides = array<i32>} : memref<64xi32, #tpu.memory_space<vmem>>, vector<16xi32>,
      %swap3A_63 = vector.shape_cast %swap3A_62 : vector<16xi32> to vector<16xi32>
      %swap3A_64 = vector.shape_cast %add3A_61 : vector<16xi32> to vector<16xi32>
      tpu.vector_store %arg18[%swap3A], %swap3A_64 {strides = array<i32>} : memref<64xi32, #tpu.memory_space<vmem>>, vector<16xi32>,
      %add3A_65 = arith.constant 16 : i32
      %add3A_66 = arith.addi %add3A_57, %add3A_65 : i32
      %add3A_67 = vector.broadcast %add3A_66 : i32 to vector<16xi32>
      %add3A_68 = arith.addi %iota3A, %add3A_67 : vector<16xi32>
      %swap3A_69 = arith.constant 16 : index
      %swap3A_70 = tpu.vector_load %arg18[%swap3A_69] {strides = array<i32>} : memref<64xi32, #tpu.memory_space<vmem>>, vector<16xi32>,
      %swap3A_71 = vector.shape_cast %swap3A_70 : vector<16xi32> to vector<16xi32>
      %swap3A_72 = vector.shape_cast %add3A_68 : vector<16xi32> to vector<16xi32>
      tpu.vector_store %arg18[%swap3A_69], %swap3A_72 {strides = array<i32>} : memref<64xi32, #tpu.memory_space<vmem>>, vector<16xi32>,
      %add3A_73 = arith.constant 32 : i32
      %add3A_74 = arith.addi %add3A_57, %add3A_73 : i32
      %add3A_75 = vector.broadcast %add3A_74 : i32 to vector<16xi32>
      %add3A_76 = arith.addi %iota3A, %add3A_75 : vector<16xi32>
      %swap3A_77 = arith.constant 32 : index
      %swap3A_78 = tpu.vector_load %arg18[%swap3A_77] {strides = array<i32>} : memref<64xi32, #tpu.memory_space<vmem>>, vector<16xi32>,
      %swap3A_79 = vector.shape_cast %swap3A_78 : vector<16xi32> to vector<16xi32>
      %swap3A_80 = vector.shape_cast %add3A_76 : vector<16xi32> to vector<16xi32>
      tpu.vector_store %arg18[%swap3A_77], %swap3A_80 {strides = array<i32>} : memref<64xi32, #tpu.memory_space<vmem>>, vector<16xi32>,
      %add3A_81 = arith.constant 48 : i32
      %add3A_82 = arith.addi %add3A_57, %add3A_81 : i32
      %add3A_83 = vector.broadcast %add3A_82 : i32 to vector<16xi32>
      %add3A_84 = arith.addi %iota3A, %add3A_83 : vector<16xi32>
      %swap3A_85 = arith.constant 48 : index
      %swap3A_86 = tpu.vector_load %arg18[%swap3A_85] {strides = array<i32>} : memref<64xi32, #tpu.memory_space<vmem>>, vector<16xi32>,
      %swap3A_87 = vector.shape_cast %swap3A_86 : vector<16xi32> to vector<16xi32>
      %swap3A_88 = vector.shape_cast %add3A_84 : vector<16xi32> to vector<16xi32>
      tpu.vector_store %arg18[%swap3A_85], %swap3A_88 {strides = array<i32>} : memref<64xi32, #tpu.memory_space<vmem>>, vector<16xi32>,
      %dma_start3A_89 = arith.constant 0 : i32
      %dma_start3A_90 = arith.constant 0 : i32
      %dma_start3A_91 = tpu.memref_slice %arg19[%dma_start3A_89, %dma_start3A_90] : memref<10240x128xf32, #tpu.memory_space<vmem_shared>> -> memref<10240x128xf32, #tpu.memory_space<vmem_shared>>
      tpu.enqueue_indirect_dma source(%dma_start3A_91 : memref<10240x128xf32, #tpu.memory_space<vmem_shared>>) target(%arg14 : memref<64x128xf32, #tpu.memory_space<vmem>>) offsets(%arg18 : memref<64xi32, #tpu.memory_space<vmem>>) semaphore(%arg20 : memref<!tpu.dma_semaphore, #tpu.memory_space<semaphore_mem>>)
      %dma_wait3A_92 = arith.constant 0 : i32
      %dma_wait3A_93 = arith.constant 0 : i32
      %dma_wait3A_94 = tpu.memref_slice %arg19[%dma_wait3A_92, %dma_wait3A_93] : memref<10240x128xf32, #tpu.memory_space<vmem_shared>> -> memref<10240x128xf32, #tpu.memory_space<vmem_shared>>
      tpu.wait_indirect_dma semaphore(%arg20 : memref<!tpu.dma_semaphore, #tpu.memory_space<semaphore_mem>>) src(%dma_wait3A_94 : memref<10240x128xf32, #tpu.memory_space<vmem_shared>>) dst(%arg14 : memref<64x128xf32, #tpu.memory_space<vmem>>)
      %mul3A_95 = arith.constant 64 : i32
      %mul3A_96 = arith.muli %scan3A_54, %mul3A_95 : i32
      %add3A_97 = arith.addi %mul3A_0, %mul3A_96 : i32
      "tpu.region"() ({
        %run_scoped3A = tpu.sem_alloc : memref<!tpu.dma_semaphore, #tpu.memory_space<semaphore_mem>>
        %dma_start3A_98 = arith.constant 0 : i32
        %dma_start3A_99 = tpu.memref_slice %arg5[%arg0, %add3A_97, %dma_start3A_98] : memref<2x10240x128xf32, #tpu.memory_space<hbm>> -> memref<1x64x128xf32, #tpu.memory_space<hbm>>
        %dma_start3A_100 = tpu.memref_squeeze %dma_start3A_99 : memref<1x64x128xf32, #tpu.memory_space<hbm>> -> memref<64x128xf32, #tpu.memory_space<hbm>>
        %dma_start3A_101 = arith.constant 0 : i32
        %dma_start3A_102 = tpu.memref_slice %arg5[%arg0, %add3A_97, %dma_start3A_101] : memref<2x10240x128xf32, #tpu.memory_space<hbm>> -> memref<1x64x128xf32, #tpu.memory_space<hbm>>
        %dma_start3A_103 = tpu.memref_squeeze %dma_start3A_102 : memref<1x64x128xf32, #tpu.memory_space<hbm>> -> memref<64x128xf32, #tpu.memory_space<hbm>>
        tpu.enqueue_dma source(%arg14 : memref<64x128xf32, #tpu.memory_space<vmem>>) target(%dma_start3A_103 : memref<64x128xf32, #tpu.memory_space<hbm>>) target_semaphore(%run_scoped3A : memref<!tpu.dma_semaphore, #tpu.memory_space<semaphore_mem>>)
        %dma_wait3A_104 = arith.constant 0 : i32
        %dma_wait3A_105 = tpu.memref_slice %arg5[%arg0, %add3A_97, %dma_wait3A_104] : memref<2x10240x128xf32, #tpu.memory_space<hbm>> -> memref<1x64x128xf32, #tpu.memory_space<hbm>>
        %dma_wait3A_106 = tpu.memref_squeeze %dma_wait3A_105 : memref<1x64x128xf32, #tpu.memory_space<hbm>> -> memref<64x128xf32, #tpu.memory_space<hbm>>
        %dma_wait3A_107 = arith.constant 0 : i32
        %dma_wait3A_108 = tpu.memref_slice %arg5[%arg0, %add3A_97, %dma_wait3A_107] : memref<2x10240x128xf32, #tpu.memory_space<hbm>> -> memref<1x64x128xf32, #tpu.memory_space<hbm>>
        %dma_wait3A_109 = tpu.memref_squeeze %dma_wait3A_108 : memref<1x64x128xf32, #tpu.memory_space<hbm>> -> memref<64x128xf32, #tpu.memory_space<hbm>>
        tpu.wait_dma2 semaphore(%run_scoped3A : memref<!tpu.dma_semaphore, #tpu.memory_space<semaphore_mem>>) src(%arg14 : memref<64x128xf32, #tpu.memory_space<vmem>>) dst(%dma_wait3A_109 : memref<64x128xf32, #tpu.memory_space<hbm>>)
        tpu.yield
      }) : () -> ()
    }
    %scan3A_53 = arith.constant 10 : i32
    return
  }
}

#map = affine_map<(d0, d1) -> (0, 0)>
#map1 = affine_map<(d0, d1) -> (0)>
#map2 = affine_map<(d0, d1) -> (0, 0, 0)>
module attributes {stable_mosaic.version = 14 : i64} {
  func.func @sc_pass(%arg0: i32, %arg1: i32, %arg2: memref<10000x128xf32, #tpu.memory_space<hbm>>, %arg3: memref<327680xi32, #tpu.memory_space<hbm>>, %arg4: memref<327680xi32, #tpu.memory_space<hbm>>, %arg5: memref<2x10240x128xf32, #tpu.memory_space<hbm>>, %arg6: memref<64xi32, #tpu.memory_space<vmem>>, %arg7: memref<64xi32, #tpu.memory_space<vmem>>, %arg8: memref<64xi32, #tpu.memory_space<vmem>>, %arg9: memref<64xi32, #tpu.memory_space<vmem>>, %arg10: memref<64xi32, #tpu.memory_space<vmem>>, %arg11: memref<64xi32, #tpu.memory_space<vmem>>, %arg12: memref<64xi32, #tpu.memory_space<vmem>>, %arg13: memref<64xi32, #tpu.memory_space<vmem>>, %arg14: memref<64x128xf32, #tpu.memory_space<vmem>>, %arg15: memref<64x128xf32, #tpu.memory_space<vmem>>, %arg16: memref<64x128xf32, #tpu.memory_space<vmem>>, %arg17: memref<64x128xf32, #tpu.memory_space<vmem>>, %arg18: memref<64xi32, #tpu.memory_space<vmem>>, %arg19: memref<10240x128xf32, #tpu.memory_space<vmem_shared>>, %arg20: memref<!tpu.dma_semaphore, #tpu.memory_space<semaphore_mem>>, %arg21: memref<!tpu.dma_semaphore, #tpu.memory_space<semaphore_mem>>, %arg22: memref<!tpu.dma_semaphore, #tpu.memory_space<semaphore_mem>>, %arg23: memref<!tpu.dma_semaphore, #tpu.memory_space<semaphore_mem>>) attributes {dimension_semantics = [#tpu.dimension_semantics<core_parallel>, #tpu.dimension_semantics<subcore_parallel>], iteration_bounds = array<i64: 2, 16>, scalar_prefetch = 0 : i64, scratch_operands = 18 : i64, tpu.core_type = #tpu.core_type<sc_vector_subcore>, window_params = [{transform_indices = #map}, {transform_indices = #map1}, {transform_indices = #map1}, {transform_indices = #map2}]} {
    %mul3A = arith.constant 640 : i32
    %mul3A_0 = arith.muli %arg1, %mul3A : i32
    %iota3A = tpu.iota {dimensions = array<i32: 0>} : vector<16xi32>
    %broadcast_in_dim3A = arith.constant 0.000000e+00 : f32
    %broadcast_in_dim3A_1 = vector.broadcast %broadcast_in_dim3A : f32 to vector<16xf32>
    %scan3A = arith.constant 0 : i32
    %scan3A_2 = arith.constant 0 : i32
    %scan3A_3 = arith.constant 64 : i32
    %scan3A_4 = arith.addi %scan3A_2, %scan3A_3 : i32
    %scan3A_5 = arith.constant 1 : i32
    scf.for %scan3A_54 = %scan3A_2 to %scan3A_4 step %scan3A_5  : i32 {
      %swap3A = arith.index_cast %scan3A_54 : i32 to index
      %swap3A_55 = arith.constant 0 : index
      %swap3A_56 = tpu.vector_load %arg14[%swap3A, %swap3A_55] {strides = array<i32>} : memref<64x128xf32, #tpu.memory_space<vmem>>, vector<1x16xf32>,
      %swap3A_57 = vector.shape_cast %swap3A_56 : vector<1x16xf32> to vector<16xf32>
      %swap3A_58 = vector.shape_cast %broadcast_in_dim3A_1 : vector<16xf32> to vector<1x16xf32>
      tpu.vector_store %arg14[%swap3A, %swap3A_55], %swap3A_58 {strides = array<i32>} : memref<64x128xf32, #tpu.memory_space<vmem>>, vector<1x16xf32>,
      %swap3A_59 = arith.index_cast %scan3A_54 : i32 to index
      %swap3A_60 = arith.constant 16 : index
      %swap3A_61 = tpu.vector_load %arg14[%swap3A_59, %swap3A_60] {strides = array<i32>} : memref<64x128xf32, #tpu.memory_space<vmem>>, vector<1x16xf32>,
      %swap3A_62 = vector.shape_cast %swap3A_61 : vector<1x16xf32> to vector<16xf32>
      %swap3A_63 = vector.shape_cast %broadcast_in_dim3A_1 : vector<16xf32> to vector<1x16xf32>
      tpu.vector_store %arg14[%swap3A_59, %swap3A_60], %swap3A_63 {strides = array<i32>} : memref<64x128xf32, #tpu.memory_space<vmem>>, vector<1x16xf32>,
      %swap3A_64 = arith.index_cast %scan3A_54 : i32 to index
      %swap3A_65 = arith.constant 32 : index
      %swap3A_66 = tpu.vector_load %arg14[%swap3A_64, %swap3A_65] {strides = array<i32>} : memref<64x128xf32, #tpu.memory_space<vmem>>, vector<1x16xf32>,
      %swap3A_67 = vector.shape_cast %swap3A_66 : vector<1x16xf32> to vector<16xf32>
      %swap3A_68 = vector.shape_cast %broadcast_in_dim3A_1 : vector<16xf32> to vector<1x16xf32>
      tpu.vector_store %arg14[%swap3A_64, %swap3A_65], %swap3A_68 {strides = array<i32>} : memref<64x128xf32, #tpu.memory_space<vmem>>, vector<1x16xf32>,
      %swap3A_69 = arith.index_cast %scan3A_54 : i32 to index
      %swap3A_70 = arith.constant 48 : index
      %swap3A_71 = tpu.vector_load %arg14[%swap3A_69, %swap3A_70] {strides = array<i32>} : memref<64x128xf32, #tpu.memory_space<vmem>>, vector<1x16xf32>,
      %swap3A_72 = vector.shape_cast %swap3A_71 : vector<1x16xf32> to vector<16xf32>
      %swap3A_73 = vector.shape_cast %broadcast_in_dim3A_1 : vector<16xf32> to vector<1x16xf32>
      tpu.vector_store %arg14[%swap3A_69, %swap3A_70], %swap3A_73 {strides = array<i32>} : memref<64x128xf32, #tpu.memory_space<vmem>>, vector<1x16xf32>,
      %swap3A_74 = arith.index_cast %scan3A_54 : i32 to index
      %swap3A_75 = arith.constant 64 : index
      %swap3A_76 = tpu.vector_load %arg14[%swap3A_74, %swap3A_75] {strides = array<i32>} : memref<64x128xf32, #tpu.memory_space<vmem>>, vector<1x16xf32>,
      %swap3A_77 = vector.shape_cast %swap3A_76 : vector<1x16xf32> to vector<16xf32>
      %swap3A_78 = vector.shape_cast %broadcast_in_dim3A_1 : vector<16xf32> to vector<1x16xf32>
      tpu.vector_store %arg14[%swap3A_74, %swap3A_75], %swap3A_78 {strides = array<i32>} : memref<64x128xf32, #tpu.memory_space<vmem>>, vector<1x16xf32>,
      %swap3A_79 = arith.index_cast %scan3A_54 : i32 to index
      %swap3A_80 = arith.constant 80 : index
      %swap3A_81 = tpu.vector_load %arg14[%swap3A_79, %swap3A_80] {strides = array<i32>} : memref<64x128xf32, #tpu.memory_space<vmem>>, vector<1x16xf32>,
      %swap3A_82 = vector.shape_cast %swap3A_81 : vector<1x16xf32> to vector<16xf32>
      %swap3A_83 = vector.shape_cast %broadcast_in_dim3A_1 : vector<16xf32> to vector<1x16xf32>
      tpu.vector_store %arg14[%swap3A_79, %swap3A_80], %swap3A_83 {strides = array<i32>} : memref<64x128xf32, #tpu.memory_space<vmem>>, vector<1x16xf32>,
      %swap3A_84 = arith.index_cast %scan3A_54 : i32 to index
      %swap3A_85 = arith.constant 96 : index
      %swap3A_86 = tpu.vector_load %arg14[%swap3A_84, %swap3A_85] {strides = array<i32>} : memref<64x128xf32, #tpu.memory_space<vmem>>, vector<1x16xf32>,
      %swap3A_87 = vector.shape_cast %swap3A_86 : vector<1x16xf32> to vector<16xf32>
      %swap3A_88 = vector.shape_cast %broadcast_in_dim3A_1 : vector<16xf32> to vector<1x16xf32>
      tpu.vector_store %arg14[%swap3A_84, %swap3A_85], %swap3A_88 {strides = array<i32>} : memref<64x128xf32, #tpu.memory_space<vmem>>, vector<1x16xf32>,
      %swap3A_89 = arith.index_cast %scan3A_54 : i32 to index
      %swap3A_90 = arith.constant 112 : index
      %swap3A_91 = tpu.vector_load %arg14[%swap3A_89, %swap3A_90] {strides = array<i32>} : memref<64x128xf32, #tpu.memory_space<vmem>>, vector<1x16xf32>,
      %swap3A_92 = vector.shape_cast %swap3A_91 : vector<1x16xf32> to vector<16xf32>
      %swap3A_93 = vector.shape_cast %broadcast_in_dim3A_1 : vector<16xf32> to vector<1x16xf32>
      tpu.vector_store %arg14[%swap3A_89, %swap3A_90], %swap3A_93 {strides = array<i32>} : memref<64x128xf32, #tpu.memory_space<vmem>>, vector<1x16xf32>,
    }
    %scan3A_6 = arith.constant 64 : i32
    %scan3A_7 = arith.constant 0 : i32
    %scan3A_8 = arith.constant 0 : i32
    %scan3A_9 = arith.constant 10 : i32
    %scan3A_10 = arith.addi %scan3A_8, %scan3A_9 : i32
    %scan3A_11 = arith.constant 1 : i32
    scf.for %scan3A_54 = %scan3A_8 to %scan3A_10 step %scan3A_11  : i32 {
      %mul3A_55 = arith.constant 64 : i32
      %mul3A_56 = arith.muli %scan3A_54, %mul3A_55 : i32
      %add3A_57 = arith.addi %mul3A_0, %mul3A_56 : i32
      %add3A_58 = arith.constant 0 : i32
      %add3A_59 = arith.addi %add3A_57, %add3A_58 : i32
      %add3A_60 = vector.broadcast %add3A_59 : i32 to vector<16xi32>
      %add3A_61 = arith.addi %iota3A, %add3A_60 : vector<16xi32>
      %swap3A = arith.constant 0 : index
      %swap3A_62 = tpu.vector_load %arg18[%swap3A] {strides = array<i32>} : memref<64xi32, #tpu.memory_space<vmem>>, vector<16xi32>,
      %swap3A_63 = vector.shape_cast %swap3A_62 : vector<16xi32> to vector<16xi32>
      %swap3A_64 = vector.shape_cast %add3A_61 : vector<16xi32> to vector<16xi32>
      tpu.vector_store %arg18[%swap3A], %swap3A_64 {strides = array<i32>} : memref<64xi32, #tpu.memory_space<vmem>>, vector<16xi32>,
      %add3A_65 = arith.constant 16 : i32
      %add3A_66 = arith.addi %add3A_57, %add3A_65 : i32
      %add3A_67 = vector.broadcast %add3A_66 : i32 to vector<16xi32>
      %add3A_68 = arith.addi %iota3A, %add3A_67 : vector<16xi32>
      %swap3A_69 = arith.constant 16 : index
      %swap3A_70 = tpu.vector_load %arg18[%swap3A_69] {strides = array<i32>} : memref<64xi32, #tpu.memory_space<vmem>>, vector<16xi32>,
      %swap3A_71 = vector.shape_cast %swap3A_70 : vector<16xi32> to vector<16xi32>
      %swap3A_72 = vector.shape_cast %add3A_68 : vector<16xi32> to vector<16xi32>
      tpu.vector_store %arg18[%swap3A_69], %swap3A_72 {strides = array<i32>} : memref<64xi32, #tpu.memory_space<vmem>>, vector<16xi32>,
      %add3A_73 = arith.constant 32 : i32
      %add3A_74 = arith.addi %add3A_57, %add3A_73 : i32
      %add3A_75 = vector.broadcast %add3A_74 : i32 to vector<16xi32>
      %add3A_76 = arith.addi %iota3A, %add3A_75 : vector<16xi32>
      %swap3A_77 = arith.constant 32 : index
      %swap3A_78 = tpu.vector_load %arg18[%swap3A_77] {strides = array<i32>} : memref<64xi32, #tpu.memory_space<vmem>>, vector<16xi32>,
      %swap3A_79 = vector.shape_cast %swap3A_78 : vector<16xi32> to vector<16xi32>
      %swap3A_80 = vector.shape_cast %add3A_76 : vector<16xi32> to vector<16xi32>
      tpu.vector_store %arg18[%swap3A_77], %swap3A_80 {strides = array<i32>} : memref<64xi32, #tpu.memory_space<vmem>>, vector<16xi32>,
      %add3A_81 = arith.constant 48 : i32
      %add3A_82 = arith.addi %add3A_57, %add3A_81 : i32
      %add3A_83 = vector.broadcast %add3A_82 : i32 to vector<16xi32>
      %add3A_84 = arith.addi %iota3A, %add3A_83 : vector<16xi32>
      %swap3A_85 = arith.constant 48 : index
      %swap3A_86 = tpu.vector_load %arg18[%swap3A_85] {strides = array<i32>} : memref<64xi32, #tpu.memory_space<vmem>>, vector<16xi32>,
      %swap3A_87 = vector.shape_cast %swap3A_86 : vector<16xi32> to vector<16xi32>
      %swap3A_88 = vector.shape_cast %add3A_84 : vector<16xi32> to vector<16xi32>
      tpu.vector_store %arg18[%swap3A_85], %swap3A_88 {strides = array<i32>} : memref<64xi32, #tpu.memory_space<vmem>>, vector<16xi32>,
      "tpu.region"() ({
        %run_scoped3A = tpu.sem_alloc : memref<!tpu.dma_semaphore, #tpu.memory_space<semaphore_mem>>
        %dma_start3A_89 = arith.constant 0 : i32
        %dma_start3A_90 = arith.constant 0 : i32
        %dma_start3A_91 = tpu.memref_slice %arg19[%dma_start3A_89, %dma_start3A_90] : memref<10240x128xf32, #tpu.memory_space<vmem_shared>> -> memref<10240x128xf32, #tpu.memory_space<vmem_shared>>
        tpu.enqueue_indirect_dma source(%arg14 : memref<64x128xf32, #tpu.memory_space<vmem>>) target(%dma_start3A_91 : memref<10240x128xf32, #tpu.memory_space<vmem_shared>>) offsets(%arg18 : memref<64xi32, #tpu.memory_space<vmem>>) semaphore(%run_scoped3A : memref<!tpu.dma_semaphore, #tpu.memory_space<semaphore_mem>>)
        %dma_wait3A_92 = arith.constant 0 : i32
        %dma_wait3A_93 = arith.constant 0 : i32
        %dma_wait3A_94 = tpu.memref_slice %arg19[%dma_wait3A_92, %dma_wait3A_93] : memref<10240x128xf32, #tpu.memory_space<vmem_shared>> -> memref<10240x128xf32, #tpu.memory_space<vmem_shared>>
        tpu.wait_indirect_dma semaphore(%run_scoped3A : memref<!tpu.dma_semaphore, #tpu.memory_space<semaphore_mem>>) src(%arg14 : memref<64x128xf32, #tpu.memory_space<vmem>>) dst(%dma_wait3A_94 : memref<10240x128xf32, #tpu.memory_space<vmem_shared>>)
        tpu.yield
      }) : () -> ()
    }
    %scan3A_12 = arith.constant 10 : i32
    %barrier3A = arith.constant 0 : index
    tpu.barrier barrier_id(%barrier3A)
    %mul3A_13 = arith.constant 2 : i32
    %mul3A_14 = arith.muli %arg1, %mul3A_13 : i32
    %add3A = arith.addi %mul3A_14, %arg0 : i32
    %mul3A_15 = arith.constant 10240 : i32
    %mul3A_16 = arith.muli %add3A, %mul3A_15 : i32
    %add3A_17 = arith.constant 10176 : i32
    %add3A_18 = arith.addi %mul3A_16, %add3A_17 : i32
    %add3A_19 = arith.constant 0 : i32
    %add3A_20 = arith.addi %mul3A_16, %add3A_19 : i32
    "tpu.region"() ({
      %run_scoped3A = tpu.sem_alloc : memref<!tpu.dma_semaphore, #tpu.memory_space<semaphore_mem>>
      %dma_start3A_54 = tpu.memref_slice %arg3[%add3A_20] : memref<327680xi32, #tpu.memory_space<hbm>> -> memref<64xi32, #tpu.memory_space<hbm>>
      %dma_start3A_55 = tpu.memref_slice %arg3[%add3A_20] : memref<327680xi32, #tpu.memory_space<hbm>> -> memref<64xi32, #tpu.memory_space<hbm>>
      tpu.enqueue_dma source(%dma_start3A_55 : memref<64xi32, #tpu.memory_space<hbm>>) target(%arg6 : memref<64xi32, #tpu.memory_space<vmem>>) target_semaphore(%run_scoped3A : memref<!tpu.dma_semaphore, #tpu.memory_space<semaphore_mem>>)
      %dma_wait3A_56 = tpu.memref_slice %arg3[%add3A_20] : memref<327680xi32, #tpu.memory_space<hbm>> -> memref<64xi32, #tpu.memory_space<hbm>>
      %dma_wait3A_57 = tpu.memref_slice %arg3[%add3A_20] : memref<327680xi32, #tpu.memory_space<hbm>> -> memref<64xi32, #tpu.memory_space<hbm>>
      tpu.wait_dma2 semaphore(%run_scoped3A : memref<!tpu.dma_semaphore, #tpu.memory_space<semaphore_mem>>) src(%dma_wait3A_57 : memref<64xi32, #tpu.memory_space<hbm>>) dst(%arg6 : memref<64xi32, #tpu.memory_space<vmem>>)
      tpu.yield
    }) : () -> ()
    "tpu.region"() ({
      %run_scoped3A = tpu.sem_alloc : memref<!tpu.dma_semaphore, #tpu.memory_space<semaphore_mem>>
      %dma_start3A_54 = tpu.memref_slice %arg4[%add3A_20] : memref<327680xi32, #tpu.memory_space<hbm>> -> memref<64xi32, #tpu.memory_space<hbm>>
      %dma_start3A_55 = tpu.memref_slice %arg4[%add3A_20] : memref<327680xi32, #tpu.memory_space<hbm>> -> memref<64xi32, #tpu.memory_space<hbm>>
      tpu.enqueue_dma source(%dma_start3A_55 : memref<64xi32, #tpu.memory_space<hbm>>) target(%arg10 : memref<64xi32, #tpu.memory_space<vmem>>) target_semaphore(%run_scoped3A : memref<!tpu.dma_semaphore, #tpu.memory_space<semaphore_mem>>)
      %dma_wait3A_56 = tpu.memref_slice %arg4[%add3A_20] : memref<327680xi32, #tpu.memory_space<hbm>> -> memref<64xi32, #tpu.memory_space<hbm>>
      %dma_wait3A_57 = tpu.memref_slice %arg4[%add3A_20] : memref<327680xi32, #tpu.memory_space<hbm>> -> memref<64xi32, #tpu.memory_space<hbm>>
      tpu.wait_dma2 semaphore(%run_scoped3A : memref<!tpu.dma_semaphore, #tpu.memory_space<semaphore_mem>>) src(%dma_wait3A_57 : memref<64xi32, #tpu.memory_space<hbm>>) dst(%arg10 : memref<64xi32, #tpu.memory_space<vmem>>)
      tpu.yield
    }) : () -> ()
    %dma_start3A = arith.constant 0 : i32
    %dma_start3A_21 = arith.constant 0 : i32
    %dma_start3A_22 = tpu.memref_slice %arg2[%dma_start3A, %dma_start3A_21] : memref<10000x128xf32, #tpu.memory_space<hbm>> -> memref<10000x128xf32, #tpu.memory_space<hbm>>
    tpu.enqueue_indirect_dma source(%dma_start3A_22 : memref<10000x128xf32, #tpu.memory_space<hbm>>) target(%arg14 : memref<64x128xf32, #tpu.memory_space<vmem>>) offsets(%arg6 : memref<64xi32, #tpu.memory_space<vmem>>) semaphore(%arg20 : memref<!tpu.dma_semaphore, #tpu.memory_space<semaphore_mem>>)
    %add3A_23 = arith.constant 64 : i32
    %add3A_24 = arith.addi %mul3A_16, %add3A_23 : i32
    "tpu.region"() ({
      %run_scoped3A = tpu.sem_alloc : memref<!tpu.dma_semaphore, #tpu.memory_space<semaphore_mem>>
      %dma_start3A_54 = tpu.memref_slice %arg3[%add3A_24] : memref<327680xi32, #tpu.memory_space<hbm>> -> memref<64xi32, #tpu.memory_space<hbm>>
      %dma_start3A_55 = tpu.memref_slice %arg3[%add3A_24] : memref<327680xi32, #tpu.memory_space<hbm>> -> memref<64xi32, #tpu.memory_space<hbm>>
      tpu.enqueue_dma source(%dma_start3A_55 : memref<64xi32, #tpu.memory_space<hbm>>) target(%arg7 : memref<64xi32, #tpu.memory_space<vmem>>) target_semaphore(%run_scoped3A : memref<!tpu.dma_semaphore, #tpu.memory_space<semaphore_mem>>)
      %dma_wait3A_56 = tpu.memref_slice %arg3[%add3A_24] : memref<327680xi32, #tpu.memory_space<hbm>> -> memref<64xi32, #tpu.memory_space<hbm>>
      %dma_wait3A_57 = tpu.memref_slice %arg3[%add3A_24] : memref<327680xi32, #tpu.memory_space<hbm>> -> memref<64xi32, #tpu.memory_space<hbm>>
      tpu.wait_dma2 semaphore(%run_scoped3A : memref<!tpu.dma_semaphore, #tpu.memory_space<semaphore_mem>>) src(%dma_wait3A_57 : memref<64xi32, #tpu.memory_space<hbm>>) dst(%arg7 : memref<64xi32, #tpu.memory_space<vmem>>)
      tpu.yield
    }) : () -> ()
    "tpu.region"() ({
      %run_scoped3A = tpu.sem_alloc : memref<!tpu.dma_semaphore, #tpu.memory_space<semaphore_mem>>
      %dma_start3A_54 = tpu.memref_slice %arg4[%add3A_24] : memref<327680xi32, #tpu.memory_space<hbm>> -> memref<64xi32, #tpu.memory_space<hbm>>
      %dma_start3A_55 = tpu.memref_slice %arg4[%add3A_24] : memref<327680xi32, #tpu.memory_space<hbm>> -> memref<64xi32, #tpu.memory_space<hbm>>
      tpu.enqueue_dma source(%dma_start3A_55 : memref<64xi32, #tpu.memory_space<hbm>>) target(%arg11 : memref<64xi32, #tpu.memory_space<vmem>>) target_semaphore(%run_scoped3A : memref<!tpu.dma_semaphore, #tpu.memory_space<semaphore_mem>>)
      %dma_wait3A_56 = tpu.memref_slice %arg4[%add3A_24] : memref<327680xi32, #tpu.memory_space<hbm>> -> memref<64xi32, #tpu.memory_space<hbm>>
      %dma_wait3A_57 = tpu.memref_slice %arg4[%add3A_24] : memref<327680xi32, #tpu.memory_space<hbm>> -> memref<64xi32, #tpu.memory_space<hbm>>
      tpu.wait_dma2 semaphore(%run_scoped3A : memref<!tpu.dma_semaphore, #tpu.memory_space<semaphore_mem>>) src(%dma_wait3A_57 : memref<64xi32, #tpu.memory_space<hbm>>) dst(%arg11 : memref<64xi32, #tpu.memory_space<vmem>>)
      tpu.yield
    }) : () -> ()
    %dma_start3A_25 = arith.constant 0 : i32
    %dma_start3A_26 = arith.constant 0 : i32
    %dma_start3A_27 = tpu.memref_slice %arg2[%dma_start3A_25, %dma_start3A_26] : memref<10000x128xf32, #tpu.memory_space<hbm>> -> memref<10000x128xf32, #tpu.memory_space<hbm>>
    tpu.enqueue_indirect_dma source(%dma_start3A_27 : memref<10000x128xf32, #tpu.memory_space<hbm>>) target(%arg15 : memref<64x128xf32, #tpu.memory_space<vmem>>) offsets(%arg7 : memref<64xi32, #tpu.memory_space<vmem>>) semaphore(%arg21 : memref<!tpu.dma_semaphore, #tpu.memory_space<semaphore_mem>>)
    %add3A_28 = arith.constant 128 : i32
    %add3A_29 = arith.addi %mul3A_16, %add3A_28 : i32
    "tpu.region"() ({
      %run_scoped3A = tpu.sem_alloc : memref<!tpu.dma_semaphore, #tpu.memory_space<semaphore_mem>>
      %dma_start3A_54 = tpu.memref_slice %arg3[%add3A_29] : memref<327680xi32, #tpu.memory_space<hbm>> -> memref<64xi32, #tpu.memory_space<hbm>>
      %dma_start3A_55 = tpu.memref_slice %arg3[%add3A_29] : memref<327680xi32, #tpu.memory_space<hbm>> -> memref<64xi32, #tpu.memory_space<hbm>>
      tpu.enqueue_dma source(%dma_start3A_55 : memref<64xi32, #tpu.memory_space<hbm>>) target(%arg8 : memref<64xi32, #tpu.memory_space<vmem>>) target_semaphore(%run_scoped3A : memref<!tpu.dma_semaphore, #tpu.memory_space<semaphore_mem>>)
      %dma_wait3A_56 = tpu.memref_slice %arg3[%add3A_29] : memref<327680xi32, #tpu.memory_space<hbm>> -> memref<64xi32, #tpu.memory_space<hbm>>
      %dma_wait3A_57 = tpu.memref_slice %arg3[%add3A_29] : memref<327680xi32, #tpu.memory_space<hbm>> -> memref<64xi32, #tpu.memory_space<hbm>>
      tpu.wait_dma2 semaphore(%run_scoped3A : memref<!tpu.dma_semaphore, #tpu.memory_space<semaphore_mem>>) src(%dma_wait3A_57 : memref<64xi32, #tpu.memory_space<hbm>>) dst(%arg8 : memref<64xi32, #tpu.memory_space<vmem>>)
      tpu.yield
    }) : () -> ()
    "tpu.region"() ({
      %run_scoped3A = tpu.sem_alloc : memref<!tpu.dma_semaphore, #tpu.memory_space<semaphore_mem>>
      %dma_start3A_54 = tpu.memref_slice %arg4[%add3A_29] : memref<327680xi32, #tpu.memory_space<hbm>> -> memref<64xi32, #tpu.memory_space<hbm>>
      %dma_start3A_55 = tpu.memref_slice %arg4[%add3A_29] : memref<327680xi32, #tpu.memory_space<hbm>> -> memref<64xi32, #tpu.memory_space<hbm>>
      tpu.enqueue_dma source(%dma_start3A_55 : memref<64xi32, #tpu.memory_space<hbm>>) target(%arg12 : memref<64xi32, #tpu.memory_space<vmem>>) target_semaphore(%run_scoped3A : memref<!tpu.dma_semaphore, #tpu.memory_space<semaphore_mem>>)
      %dma_wait3A_56 = tpu.memref_slice %arg4[%add3A_29] : memref<327680xi32, #tpu.memory_space<hbm>> -> memref<64xi32, #tpu.memory_space<hbm>>
      %dma_wait3A_57 = tpu.memref_slice %arg4[%add3A_29] : memref<327680xi32, #tpu.memory_space<hbm>> -> memref<64xi32, #tpu.memory_space<hbm>>
      tpu.wait_dma2 semaphore(%run_scoped3A : memref<!tpu.dma_semaphore, #tpu.memory_space<semaphore_mem>>) src(%dma_wait3A_57 : memref<64xi32, #tpu.memory_space<hbm>>) dst(%arg12 : memref<64xi32, #tpu.memory_space<vmem>>)
      tpu.yield
    }) : () -> ()
    %dma_start3A_30 = arith.constant 0 : i32
    %dma_start3A_31 = arith.constant 0 : i32
    %dma_start3A_32 = tpu.memref_slice %arg2[%dma_start3A_30, %dma_start3A_31] : memref<10000x128xf32, #tpu.memory_space<hbm>> -> memref<10000x128xf32, #tpu.memory_space<hbm>>
    tpu.enqueue_indirect_dma source(%dma_start3A_32 : memref<10000x128xf32, #tpu.memory_space<hbm>>) target(%arg16 : memref<64x128xf32, #tpu.memory_space<vmem>>) offsets(%arg8 : memref<64xi32, #tpu.memory_space<vmem>>) semaphore(%arg22 : memref<!tpu.dma_semaphore, #tpu.memory_space<semaphore_mem>>)
    %scan3A_33 = arith.constant 0 : i32
    %scan3A_34 = arith.constant 0 : i32
    %scan3A_35 = arith.constant 40 : i32
    %scan3A_36 = arith.addi %scan3A_34, %scan3A_35 : i32
    %scan3A_37 = arith.constant 1 : i32
    scf.for %scan3A_54 = %scan3A_34 to %scan3A_36 step %scan3A_37  : i32 {
      %mul3A_55 = arith.constant 4 : i32
      %mul3A_56 = arith.muli %scan3A_54, %mul3A_55 : i32
      %dma_wait3A_57 = arith.constant 0 : i32
      %dma_wait3A_58 = arith.constant 0 : i32
      %dma_wait3A_59 = tpu.memref_slice %arg2[%dma_wait3A_57, %dma_wait3A_58] : memref<10000x128xf32, #tpu.memory_space<hbm>> -> memref<10000x128xf32, #tpu.memory_space<hbm>>
      tpu.wait_indirect_dma semaphore(%arg20 : memref<!tpu.dma_semaphore, #tpu.memory_space<semaphore_mem>>) src(%dma_wait3A_59 : memref<10000x128xf32, #tpu.memory_space<hbm>>) dst(%arg14 : memref<64x128xf32, #tpu.memory_space<vmem>>)
      "tpu.region"() ({
        %run_scoped3A = tpu.sem_alloc : memref<!tpu.dma_semaphore, #tpu.memory_space<semaphore_mem>>
        %dma_start3A_119 = arith.constant 0 : i32
        %dma_start3A_120 = arith.constant 0 : i32
        %dma_start3A_121 = tpu.memref_slice %arg19[%dma_start3A_119, %dma_start3A_120] : memref<10240x128xf32, #tpu.memory_space<vmem_shared>> -> memref<10240x128xf32, #tpu.memory_space<vmem_shared>>
        tpu.enqueue_indirect_dma source(%arg14 : memref<64x128xf32, #tpu.memory_space<vmem>>) target(%dma_start3A_121 : memref<10240x128xf32, #tpu.memory_space<vmem_shared>>) offsets(%arg10 : memref<64xi32, #tpu.memory_space<vmem>>) semaphore(%run_scoped3A : memref<!tpu.dma_semaphore, #tpu.memory_space<semaphore_mem>>) {add = true}
        %dma_wait3A_122 = arith.constant 0 : i32
        %dma_wait3A_123 = arith.constant 0 : i32
        %dma_wait3A_124 = tpu.memref_slice %arg19[%dma_wait3A_122, %dma_wait3A_123] : memref<10240x128xf32, #tpu.memory_space<vmem_shared>> -> memref<10240x128xf32, #tpu.memory_space<vmem_shared>>
        tpu.wait_indirect_dma semaphore(%run_scoped3A : memref<!tpu.dma_semaphore, #tpu.memory_space<semaphore_mem>>) src(%arg14 : memref<64x128xf32, #tpu.memory_space<vmem>>) dst(%dma_wait3A_124 : memref<10240x128xf32, #tpu.memory_space<vmem_shared>>)
        tpu.yield
      }) : () -> ()
      %add3A_60 = arith.constant 0 : i32
      %add3A_61 = arith.addi %mul3A_56, %add3A_60 : i32
      %add3A_62 = arith.constant 4 : i32
      %add3A_63 = arith.addi %add3A_61, %add3A_62 : i32
      %sub3A = arith.constant 1 : i32
      %sub3A_64 = arith.subi %add3A_63, %sub3A : i32
      %mul3A_65 = arith.constant 64 : i32
      %mul3A_66 = arith.muli %sub3A_64, %mul3A_65 : i32
      %add3A_67 = arith.addi %mul3A_16, %mul3A_66 : i32
      %min3A = arith.minsi %add3A_67, %add3A_18 : i32
      "tpu.region"() ({
        %run_scoped3A = tpu.sem_alloc : memref<!tpu.dma_semaphore, #tpu.memory_space<semaphore_mem>>
        %dma_start3A_119 = tpu.memref_slice %arg3[%min3A] : memref<327680xi32, #tpu.memory_space<hbm>> -> memref<64xi32, #tpu.memory_space<hbm>>
        %dma_start3A_120 = tpu.memref_slice %arg3[%min3A] : memref<327680xi32, #tpu.memory_space<hbm>> -> memref<64xi32, #tpu.memory_space<hbm>>
        tpu.enqueue_dma source(%dma_start3A_120 : memref<64xi32, #tpu.memory_space<hbm>>) target(%arg9 : memref<64xi32, #tpu.memory_space<vmem>>) target_semaphore(%run_scoped3A : memref<!tpu.dma_semaphore, #tpu.memory_space<semaphore_mem>>)
        %dma_wait3A_121 = tpu.memref_slice %arg3[%min3A] : memref<327680xi32, #tpu.memory_space<hbm>> -> memref<64xi32, #tpu.memory_space<hbm>>
        %dma_wait3A_122 = tpu.memref_slice %arg3[%min3A] : memref<327680xi32, #tpu.memory_space<hbm>> -> memref<64xi32, #tpu.memory_space<hbm>>
        tpu.wait_dma2 semaphore(%run_scoped3A : memref<!tpu.dma_semaphore, #tpu.memory_space<semaphore_mem>>) src(%dma_wait3A_122 : memref<64xi32, #tpu.memory_space<hbm>>) dst(%arg9 : memref<64xi32, #tpu.memory_space<vmem>>)
        tpu.yield
      }) : () -> ()
      "tpu.region"() ({
        %run_scoped3A = tpu.sem_alloc : memref<!tpu.dma_semaphore, #tpu.memory_space<semaphore_mem>>
        %dma_start3A_119 = tpu.memref_slice %arg4[%min3A] : memref<327680xi32, #tpu.memory_space<hbm>> -> memref<64xi32, #tpu.memory_space<hbm>>
        %dma_start3A_120 = tpu.memref_slice %arg4[%min3A] : memref<327680xi32, #tpu.memory_space<hbm>> -> memref<64xi32, #tpu.memory_space<hbm>>
        tpu.enqueue_dma source(%dma_start3A_120 : memref<64xi32, #tpu.memory_space<hbm>>) target(%arg13 : memref<64xi32, #tpu.memory_space<vmem>>) target_semaphore(%run_scoped3A : memref<!tpu.dma_semaphore, #tpu.memory_space<semaphore_mem>>)
        %dma_wait3A_121 = tpu.memref_slice %arg4[%min3A] : memref<327680xi32, #tpu.memory_space<hbm>> -> memref<64xi32, #tpu.memory_space<hbm>>
        %dma_wait3A_122 = tpu.memref_slice %arg4[%min3A] : memref<327680xi32, #tpu.memory_space<hbm>> -> memref<64xi32, #tpu.memory_space<hbm>>
        tpu.wait_dma2 semaphore(%run_scoped3A : memref<!tpu.dma_semaphore, #tpu.memory_space<semaphore_mem>>) src(%dma_wait3A_122 : memref<64xi32, #tpu.memory_space<hbm>>) dst(%arg13 : memref<64xi32, #tpu.memory_space<vmem>>)
        tpu.yield
      }) : () -> ()
      %dma_start3A_68 = arith.constant 0 : i32
      %dma_start3A_69 = arith.constant 0 : i32
      %dma_start3A_70 = tpu.memref_slice %arg2[%dma_start3A_68, %dma_start3A_69] : memref<10000x128xf32, #tpu.memory_space<hbm>> -> memref<10000x128xf32, #tpu.memory_space<hbm>>
      tpu.enqueue_indirect_dma source(%dma_start3A_70 : memref<10000x128xf32, #tpu.memory_space<hbm>>) target(%arg17 : memref<64x128xf32, #tpu.memory_space<vmem>>) offsets(%arg9 : memref<64xi32, #tpu.memory_space<vmem>>) semaphore(%arg23 : memref<!tpu.dma_semaphore, #tpu.memory_space<semaphore_mem>>)
      %dma_wait3A_71 = arith.constant 0 : i32
      %dma_wait3A_72 = arith.constant 0 : i32
      %dma_wait3A_73 = tpu.memref_slice %arg2[%dma_wait3A_71, %dma_wait3A_72] : memref<10000x128xf32, #tpu.memory_space<hbm>> -> memref<10000x128xf32, #tpu.memory_space<hbm>>
      tpu.wait_indirect_dma semaphore(%arg21 : memref<!tpu.dma_semaphore, #tpu.memory_space<semaphore_mem>>) src(%dma_wait3A_73 : memref<10000x128xf32, #tpu.memory_space<hbm>>) dst(%arg15 : memref<64x128xf32, #tpu.memory_space<vmem>>)
      "tpu.region"() ({
        %run_scoped3A = tpu.sem_alloc : memref<!tpu.dma_semaphore, #tpu.memory_space<semaphore_mem>>
        %dma_start3A_119 = arith.constant 0 : i32
        %dma_start3A_120 = arith.constant 0 : i32
        %dma_start3A_121 = tpu.memref_slice %arg19[%dma_start3A_119, %dma_start3A_120] : memref<10240x128xf32, #tpu.memory_space<vmem_shared>> -> memref<10240x128xf32, #tpu.memory_space<vmem_shared>>
        tpu.enqueue_indirect_dma source(%arg15 : memref<64x128xf32, #tpu.memory_space<vmem>>) target(%dma_start3A_121 : memref<10240x128xf32, #tpu.memory_space<vmem_shared>>) offsets(%arg11 : memref<64xi32, #tpu.memory_space<vmem>>) semaphore(%run_scoped3A : memref<!tpu.dma_semaphore, #tpu.memory_space<semaphore_mem>>) {add = true}
        %dma_wait3A_122 = arith.constant 0 : i32
        %dma_wait3A_123 = arith.constant 0 : i32
        %dma_wait3A_124 = tpu.memref_slice %arg19[%dma_wait3A_122, %dma_wait3A_123] : memref<10240x128xf32, #tpu.memory_space<vmem_shared>> -> memref<10240x128xf32, #tpu.memory_space<vmem_shared>>
        tpu.wait_indirect_dma semaphore(%run_scoped3A : memref<!tpu.dma_semaphore, #tpu.memory_space<semaphore_mem>>) src(%arg15 : memref<64x128xf32, #tpu.memory_space<vmem>>) dst(%dma_wait3A_124 : memref<10240x128xf32, #tpu.memory_space<vmem_shared>>)
        tpu.yield
      }) : () -> ()
      %add3A_74 = arith.constant 1 : i32
      %add3A_75 = arith.addi %mul3A_56, %add3A_74 : i32
      %add3A_76 = arith.constant 4 : i32
      %add3A_77 = arith.addi %add3A_75, %add3A_76 : i32
      %sub3A_78 = arith.constant 1 : i32
      %sub3A_79 = arith.subi %add3A_77, %sub3A_78 : i32
      %mul3A_80 = arith.constant 64 : i32
      %mul3A_81 = arith.muli %sub3A_79, %mul3A_80 : i32
      %add3A_82 = arith.addi %mul3A_16, %mul3A_81 : i32
      %min3A_83 = arith.minsi %add3A_82, %add3A_18 : i32
      "tpu.region"() ({
        %run_scoped3A = tpu.sem_alloc : memref<!tpu.dma_semaphore, #tpu.memory_space<semaphore_mem>>
        %dma_start3A_119 = tpu.memref_slice %arg3[%min3A_83] : memref<327680xi32, #tpu.memory_space<hbm>> -> memref<64xi32, #tpu.memory_space<hbm>>
        %dma_start3A_120 = tpu.memref_slice %arg3[%min3A_83] : memref<327680xi32, #tpu.memory_space<hbm>> -> memref<64xi32, #tpu.memory_space<hbm>>
        tpu.enqueue_dma source(%dma_start3A_120 : memref<64xi32, #tpu.memory_space<hbm>>) target(%arg6 : memref<64xi32, #tpu.memory_space<vmem>>) target_semaphore(%run_scoped3A : memref<!tpu.dma_semaphore, #tpu.memory_space<semaphore_mem>>)
        %dma_wait3A_121 = tpu.memref_slice %arg3[%min3A_83] : memref<327680xi32, #tpu.memory_space<hbm>> -> memref<64xi32, #tpu.memory_space<hbm>>
        %dma_wait3A_122 = tpu.memref_slice %arg3[%min3A_83] : memref<327680xi32, #tpu.memory_space<hbm>> -> memref<64xi32, #tpu.memory_space<hbm>>
        tpu.wait_dma2 semaphore(%run_scoped3A : memref<!tpu.dma_semaphore, #tpu.memory_space<semaphore_mem>>) src(%dma_wait3A_122 : memref<64xi32, #tpu.memory_space<hbm>>) dst(%arg6 : memref<64xi32, #tpu.memory_space<vmem>>)
        tpu.yield
      }) : () -> ()
      "tpu.region"() ({
        %run_scoped3A = tpu.sem_alloc : memref<!tpu.dma_semaphore, #tpu.memory_space<semaphore_mem>>
        %dma_start3A_119 = tpu.memref_slice %arg4[%min3A_83] : memref<327680xi32, #tpu.memory_space<hbm>> -> memref<64xi32, #tpu.memory_space<hbm>>
        %dma_start3A_120 = tpu.memref_slice %arg4[%min3A_83] : memref<327680xi32, #tpu.memory_space<hbm>> -> memref<64xi32, #tpu.memory_space<hbm>>
        tpu.enqueue_dma source(%dma_start3A_120 : memref<64xi32, #tpu.memory_space<hbm>>) target(%arg10 : memref<64xi32, #tpu.memory_space<vmem>>) target_semaphore(%run_scoped3A : memref<!tpu.dma_semaphore, #tpu.memory_space<semaphore_mem>>)
        %dma_wait3A_121 = tpu.memref_slice %arg4[%min3A_83] : memref<327680xi32, #tpu.memory_space<hbm>> -> memref<64xi32, #tpu.memory_space<hbm>>
        %dma_wait3A_122 = tpu.memref_slice %arg4[%min3A_83] : memref<327680xi32, #tpu.memory_space<hbm>> -> memref<64xi32, #tpu.memory_space<hbm>>
        tpu.wait_dma2 semaphore(%run_scoped3A : memref<!tpu.dma_semaphore, #tpu.memory_space<semaphore_mem>>) src(%dma_wait3A_122 : memref<64xi32, #tpu.memory_space<hbm>>) dst(%arg10 : memref<64xi32, #tpu.memory_space<vmem>>)
        tpu.yield
      }) : () -> ()
      %dma_start3A_84 = arith.constant 0 : i32
      %dma_start3A_85 = arith.constant 0 : i32
      %dma_start3A_86 = tpu.memref_slice %arg2[%dma_start3A_84, %dma_start3A_85] : memref<10000x128xf32, #tpu.memory_space<hbm>> -> memref<10000x128xf32, #tpu.memory_space<hbm>>
      tpu.enqueue_indirect_dma source(%dma_start3A_86 : memref<10000x128xf32, #tpu.memory_space<hbm>>) target(%arg14 : memref<64x128xf32, #tpu.memory_space<vmem>>) offsets(%arg6 : memref<64xi32, #tpu.memory_space<vmem>>) semaphore(%arg20 : memref<!tpu.dma_semaphore, #tpu.memory_space<semaphore_mem>>)
      %dma_wait3A_87 = arith.constant 0 : i32
      %dma_wait3A_88 = arith.constant 0 : i32
      %dma_wait3A_89 = tpu.memref_slice %arg2[%dma_wait3A_87, %dma_wait3A_88] : memref<10000x128xf32, #tpu.memory_space<hbm>> -> memref<10000x128xf32, #tpu.memory_space<hbm>>
      tpu.wait_indirect_dma semaphore(%arg22 : memref<!tpu.dma_semaphore, #tpu.memory_space<semaphore_mem>>) src(%dma_wait3A_89 : memref<10000x128xf32, #tpu.memory_space<hbm>>) dst(%arg16 : memref<64x128xf32, #tpu.memory_space<vmem>>)
      "tpu.region"() ({
        %run_scoped3A = tpu.sem_alloc : memref<!tpu.dma_semaphore, #tpu.memory_space<semaphore_mem>>
        %dma_start3A_119 = arith.constant 0 : i32
        %dma_start3A_120 = arith.constant 0 : i32
        %dma_start3A_121 = tpu.memref_slice %arg19[%dma_start3A_119, %dma_start3A_120] : memref<10240x128xf32, #tpu.memory_space<vmem_shared>> -> memref<10240x128xf32, #tpu.memory_space<vmem_shared>>
        tpu.enqueue_indirect_dma source(%arg16 : memref<64x128xf32, #tpu.memory_space<vmem>>) target(%dma_start3A_121 : memref<10240x128xf32, #tpu.memory_space<vmem_shared>>) offsets(%arg12 : memref<64xi32, #tpu.memory_space<vmem>>) semaphore(%run_scoped3A : memref<!tpu.dma_semaphore, #tpu.memory_space<semaphore_mem>>) {add = true}
        %dma_wait3A_122 = arith.constant 0 : i32
        %dma_wait3A_123 = arith.constant 0 : i32
        %dma_wait3A_124 = tpu.memref_slice %arg19[%dma_wait3A_122, %dma_wait3A_123] : memref<10240x128xf32, #tpu.memory_space<vmem_shared>> -> memref<10240x128xf32, #tpu.memory_space<vmem_shared>>
        tpu.wait_indirect_dma semaphore(%run_scoped3A : memref<!tpu.dma_semaphore, #tpu.memory_space<semaphore_mem>>) src(%arg16 : memref<64x128xf32, #tpu.memory_space<vmem>>) dst(%dma_wait3A_124 : memref<10240x128xf32, #tpu.memory_space<vmem_shared>>)
        tpu.yield
      }) : () -> ()
      %add3A_90 = arith.constant 2 : i32
      %add3A_91 = arith.addi %mul3A_56, %add3A_90 : i32
      %add3A_92 = arith.constant 4 : i32
      %add3A_93 = arith.addi %add3A_91, %add3A_92 : i32
      %sub3A_94 = arith.constant 1 : i32
      %sub3A_95 = arith.subi %add3A_93, %sub3A_94 : i32
      %mul3A_96 = arith.constant 64 : i32
      %mul3A_97 = arith.muli %sub3A_95, %mul3A_96 : i32
      %add3A_98 = arith.addi %mul3A_16, %mul3A_97 : i32
      %min3A_99 = arith.minsi %add3A_98, %add3A_18 : i32
      "tpu.region"() ({
        %run_scoped3A = tpu.sem_alloc : memref<!tpu.dma_semaphore, #tpu.memory_space<semaphore_mem>>
        %dma_start3A_119 = tpu.memref_slice %arg3[%min3A_99] : memref<327680xi32, #tpu.memory_space<hbm>> -> memref<64xi32, #tpu.memory_space<hbm>>
        %dma_start3A_120 = tpu.memref_slice %arg3[%min3A_99] : memref<327680xi32, #tpu.memory_space<hbm>> -> memref<64xi32, #tpu.memory_space<hbm>>
        tpu.enqueue_dma source(%dma_start3A_120 : memref<64xi32, #tpu.memory_space<hbm>>) target(%arg7 : memref<64xi32, #tpu.memory_space<vmem>>) target_semaphore(%run_scoped3A : memref<!tpu.dma_semaphore, #tpu.memory_space<semaphore_mem>>)
        %dma_wait3A_121 = tpu.memref_slice %arg3[%min3A_99] : memref<327680xi32, #tpu.memory_space<hbm>> -> memref<64xi32, #tpu.memory_space<hbm>>
        %dma_wait3A_122 = tpu.memref_slice %arg3[%min3A_99] : memref<327680xi32, #tpu.memory_space<hbm>> -> memref<64xi32, #tpu.memory_space<hbm>>
        tpu.wait_dma2 semaphore(%run_scoped3A : memref<!tpu.dma_semaphore, #tpu.memory_space<semaphore_mem>>) src(%dma_wait3A_122 : memref<64xi32, #tpu.memory_space<hbm>>) dst(%arg7 : memref<64xi32, #tpu.memory_space<vmem>>)
        tpu.yield
      }) : () -> ()
      "tpu.region"() ({
        %run_scoped3A = tpu.sem_alloc : memref<!tpu.dma_semaphore, #tpu.memory_space<semaphore_mem>>
        %dma_start3A_119 = tpu.memref_slice %arg4[%min3A_99] : memref<327680xi32, #tpu.memory_space<hbm>> -> memref<64xi32, #tpu.memory_space<hbm>>
        %dma_start3A_120 = tpu.memref_slice %arg4[%min3A_99] : memref<327680xi32, #tpu.memory_space<hbm>> -> memref<64xi32, #tpu.memory_space<hbm>>
        tpu.enqueue_dma source(%dma_start3A_120 : memref<64xi32, #tpu.memory_space<hbm>>) target(%arg11 : memref<64xi32, #tpu.memory_space<vmem>>) target_semaphore(%run_scoped3A : memref<!tpu.dma_semaphore, #tpu.memory_space<semaphore_mem>>)
        %dma_wait3A_121 = tpu.memref_slice %arg4[%min3A_99] : memref<327680xi32, #tpu.memory_space<hbm>> -> memref<64xi32, #tpu.memory_space<hbm>>
        %dma_wait3A_122 = tpu.memref_slice %arg4[%min3A_99] : memref<327680xi32, #tpu.memory_space<hbm>> -> memref<64xi32, #tpu.memory_space<hbm>>
        tpu.wait_dma2 semaphore(%run_scoped3A : memref<!tpu.dma_semaphore, #tpu.memory_space<semaphore_mem>>) src(%dma_wait3A_122 : memref<64xi32, #tpu.memory_space<hbm>>) dst(%arg11 : memref<64xi32, #tpu.memory_space<vmem>>)
        tpu.yield
      }) : () -> ()
      %dma_start3A_100 = arith.constant 0 : i32
      %dma_start3A_101 = arith.constant 0 : i32
      %dma_start3A_102 = tpu.memref_slice %arg2[%dma_start3A_100, %dma_start3A_101] : memref<10000x128xf32, #tpu.memory_space<hbm>> -> memref<10000x128xf32, #tpu.memory_space<hbm>>
      tpu.enqueue_indirect_dma source(%dma_start3A_102 : memref<10000x128xf32, #tpu.memory_space<hbm>>) target(%arg15 : memref<64x128xf32, #tpu.memory_space<vmem>>) offsets(%arg7 : memref<64xi32, #tpu.memory_space<vmem>>) semaphore(%arg21 : memref<!tpu.dma_semaphore, #tpu.memory_space<semaphore_mem>>)
      %dma_wait3A_103 = arith.constant 0 : i32
      %dma_wait3A_104 = arith.constant 0 : i32
      %dma_wait3A_105 = tpu.memref_slice %arg2[%dma_wait3A_103, %dma_wait3A_104] : memref<10000x128xf32, #tpu.memory_space<hbm>> -> memref<10000x128xf32, #tpu.memory_space<hbm>>
      tpu.wait_indirect_dma semaphore(%arg23 : memref<!tpu.dma_semaphore, #tpu.memory_space<semaphore_mem>>) src(%dma_wait3A_105 : memref<10000x128xf32, #tpu.memory_space<hbm>>) dst(%arg17 : memref<64x128xf32, #tpu.memory_space<vmem>>)
      "tpu.region"() ({
        %run_scoped3A = tpu.sem_alloc : memref<!tpu.dma_semaphore, #tpu.memory_space<semaphore_mem>>
        %dma_start3A_119 = arith.constant 0 : i32
        %dma_start3A_120 = arith.constant 0 : i32
        %dma_start3A_121 = tpu.memref_slice %arg19[%dma_start3A_119, %dma_start3A_120] : memref<10240x128xf32, #tpu.memory_space<vmem_shared>> -> memref<10240x128xf32, #tpu.memory_space<vmem_shared>>
        tpu.enqueue_indirect_dma source(%arg17 : memref<64x128xf32, #tpu.memory_space<vmem>>) target(%dma_start3A_121 : memref<10240x128xf32, #tpu.memory_space<vmem_shared>>) offsets(%arg13 : memref<64xi32, #tpu.memory_space<vmem>>) semaphore(%run_scoped3A : memref<!tpu.dma_semaphore, #tpu.memory_space<semaphore_mem>>) {add = true}
        %dma_wait3A_122 = arith.constant 0 : i32
        %dma_wait3A_123 = arith.constant 0 : i32
        %dma_wait3A_124 = tpu.memref_slice %arg19[%dma_wait3A_122, %dma_wait3A_123] : memref<10240x128xf32, #tpu.memory_space<vmem_shared>> -> memref<10240x128xf32, #tpu.memory_space<vmem_shared>>
        tpu.wait_indirect_dma semaphore(%run_scoped3A : memref<!tpu.dma_semaphore, #tpu.memory_space<semaphore_mem>>) src(%arg17 : memref<64x128xf32, #tpu.memory_space<vmem>>) dst(%dma_wait3A_124 : memref<10240x128xf32, #tpu.memory_space<vmem_shared>>)
        tpu.yield
      }) : () -> ()
      %add3A_106 = arith.constant 3 : i32
      %add3A_107 = arith.addi %mul3A_56, %add3A_106 : i32
      %add3A_108 = arith.constant 4 : i32
      %add3A_109 = arith.addi %add3A_107, %add3A_108 : i32
      %sub3A_110 = arith.constant 1 : i32
      %sub3A_111 = arith.subi %add3A_109, %sub3A_110 : i32
      %mul3A_112 = arith.constant 64 : i32
      %mul3A_113 = arith.muli %sub3A_111, %mul3A_112 : i32
      %add3A_114 = arith.addi %mul3A_16, %mul3A_113 : i32
      %min3A_115 = arith.minsi %add3A_114, %add3A_18 : i32
      "tpu.region"() ({
        %run_scoped3A = tpu.sem_alloc : memref<!tpu.dma_semaphore, #tpu.memory_space<semaphore_mem>>
        %dma_start3A_119 = tpu.memref_slice %arg3[%min3A_115] : memref<327680xi32, #tpu.memory_space<hbm>> -> memref<64xi32, #tpu.memory_space<hbm>>
        %dma_start3A_120 = tpu.memref_slice %arg3[%min3A_115] : memref<327680xi32, #tpu.memory_space<hbm>> -> memref<64xi32, #tpu.memory_space<hbm>>
        tpu.enqueue_dma source(%dma_start3A_120 : memref<64xi32, #tpu.memory_space<hbm>>) target(%arg8 : memref<64xi32, #tpu.memory_space<vmem>>) target_semaphore(%run_scoped3A : memref<!tpu.dma_semaphore, #tpu.memory_space<semaphore_mem>>)
        %dma_wait3A_121 = tpu.memref_slice %arg3[%min3A_115] : memref<327680xi32, #tpu.memory_space<hbm>> -> memref<64xi32, #tpu.memory_space<hbm>>
        %dma_wait3A_122 = tpu.memref_slice %arg3[%min3A_115] : memref<327680xi32, #tpu.memory_space<hbm>> -> memref<64xi32, #tpu.memory_space<hbm>>
        tpu.wait_dma2 semaphore(%run_scoped3A : memref<!tpu.dma_semaphore, #tpu.memory_space<semaphore_mem>>) src(%dma_wait3A_122 : memref<64xi32, #tpu.memory_space<hbm>>) dst(%arg8 : memref<64xi32, #tpu.memory_space<vmem>>)
        tpu.yield
      }) : () -> ()
      "tpu.region"() ({
        %run_scoped3A = tpu.sem_alloc : memref<!tpu.dma_semaphore, #tpu.memory_space<semaphore_mem>>
        %dma_start3A_119 = tpu.memref_slice %arg4[%min3A_115] : memref<327680xi32, #tpu.memory_space<hbm>> -> memref<64xi32, #tpu.memory_space<hbm>>
        %dma_start3A_120 = tpu.memref_slice %arg4[%min3A_115] : memref<327680xi32, #tpu.memory_space<hbm>> -> memref<64xi32, #tpu.memory_space<hbm>>
        tpu.enqueue_dma source(%dma_start3A_120 : memref<64xi32, #tpu.memory_space<hbm>>) target(%arg12 : memref<64xi32, #tpu.memory_space<vmem>>) target_semaphore(%run_scoped3A : memref<!tpu.dma_semaphore, #tpu.memory_space<semaphore_mem>>)
        %dma_wait3A_121 = tpu.memref_slice %arg4[%min3A_115] : memref<327680xi32, #tpu.memory_space<hbm>> -> memref<64xi32, #tpu.memory_space<hbm>>
        %dma_wait3A_122 = tpu.memref_slice %arg4[%min3A_115] : memref<327680xi32, #tpu.memory_space<hbm>> -> memref<64xi32, #tpu.memory_space<hbm>>
        tpu.wait_dma2 semaphore(%run_scoped3A : memref<!tpu.dma_semaphore, #tpu.memory_space<semaphore_mem>>) src(%dma_wait3A_122 : memref<64xi32, #tpu.memory_space<hbm>>) dst(%arg12 : memref<64xi32, #tpu.memory_space<vmem>>)
        tpu.yield
      }) : () -> ()
      %dma_start3A_116 = arith.constant 0 : i32
      %dma_start3A_117 = arith.constant 0 : i32
      %dma_start3A_118 = tpu.memref_slice %arg2[%dma_start3A_116, %dma_start3A_117] : memref<10000x128xf32, #tpu.memory_space<hbm>> -> memref<10000x128xf32, #tpu.memory_space<hbm>>
      tpu.enqueue_indirect_dma source(%dma_start3A_118 : memref<10000x128xf32, #tpu.memory_space<hbm>>) target(%arg16 : memref<64x128xf32, #tpu.memory_space<vmem>>) offsets(%arg8 : memref<64xi32, #tpu.memory_space<vmem>>) semaphore(%arg22 : memref<!tpu.dma_semaphore, #tpu.memory_space<semaphore_mem>>)
    }
    %scan3A_38 = arith.constant 40 : i32
    %dma_wait3A = arith.constant 0 : i32
    %dma_wait3A_39 = arith.constant 0 : i32
    %dma_wait3A_40 = tpu.memref_slice %arg2[%dma_wait3A, %dma_wait3A_39] : memref<10000x128xf32, #tpu.memory_space<hbm>> -> memref<10000x128xf32, #tpu.memory_space<hbm>>
    tpu.wait_indirect_dma semaphore(%arg20 : memref<!tpu.dma_semaphore, #tpu.memory_space<semaphore_mem>>) src(%dma_wait3A_40 : memref<10000x128xf32, #tpu.memory_space<hbm>>) dst(%arg14 : memref<64x128xf32, #tpu.memory_space<vmem>>)
    %dma_wait3A_41 = arith.constant 0 : i32
    %dma_wait3A_42 = arith.constant 0 : i32
    %dma_wait3A_43 = tpu.memref_slice %arg2[%dma_wait3A_41, %dma_wait3A_42] : memref<10000x128xf32, #tpu.memory_space<hbm>> -> memref<10000x128xf32, #tpu.memory_space<hbm>>
    tpu.wait_indirect_dma semaphore(%arg21 : memref<!tpu.dma_semaphore, #tpu.memory_space<semaphore_mem>>) src(%dma_wait3A_43 : memref<10000x128xf32, #tpu.memory_space<hbm>>) dst(%arg15 : memref<64x128xf32, #tpu.memory_space<vmem>>)
    %dma_wait3A_44 = arith.constant 0 : i32
    %dma_wait3A_45 = arith.constant 0 : i32
    %dma_wait3A_46 = tpu.memref_slice %arg2[%dma_wait3A_44, %dma_wait3A_45] : memref<10000x128xf32, #tpu.memory_space<hbm>> -> memref<10000x128xf32, #tpu.memory_space<hbm>>
    tpu.wait_indirect_dma semaphore(%arg22 : memref<!tpu.dma_semaphore, #tpu.memory_space<semaphore_mem>>) src(%dma_wait3A_46 : memref<10000x128xf32, #tpu.memory_space<hbm>>) dst(%arg16 : memref<64x128xf32, #tpu.memory_space<vmem>>)
    %barrier3A_47 = arith.constant 0 : index
    tpu.barrier barrier_id(%barrier3A_47)
    %scan3A_48 = arith.constant 0 : i32
    %scan3A_49 = arith.constant 0 : i32
    %scan3A_50 = arith.constant 10 : i32
    %scan3A_51 = arith.addi %scan3A_49, %scan3A_50 : i32
    %scan3A_52 = arith.constant 1 : i32
    scf.for %scan3A_54 = %scan3A_49 to %scan3A_51 step %scan3A_52  : i32 {
      %mul3A_55 = arith.constant 64 : i32
      %mul3A_56 = arith.muli %scan3A_54, %mul3A_55 : i32
      %add3A_57 = arith.addi %mul3A_0, %mul3A_56 : i32
      %add3A_58 = arith.constant 0 : i32
      %add3A_59 = arith.addi %add3A_57, %add3A_58 : i32
      %add3A_60 = vector.broadcast %add3A_59 : i32 to vector<16xi32>
      %add3A_61 = arith.addi %iota3A, %add3A_60 : vector<16xi32>
      %swap3A = arith.constant 0 : index
      %swap3A_62 = tpu.vector_load %arg18[%swap3A] {strides = array<i32>} : memref<64xi32, #tpu.memory_space<vmem>>, vector<16xi32>,
      %swap3A_63 = vector.shape_cast %swap3A_62 : vector<16xi32> to vector<16xi32>
      %swap3A_64 = vector.shape_cast %add3A_61 : vector<16xi32> to vector<16xi32>
      tpu.vector_store %arg18[%swap3A], %swap3A_64 {strides = array<i32>} : memref<64xi32, #tpu.memory_space<vmem>>, vector<16xi32>,
      %add3A_65 = arith.constant 16 : i32
      %add3A_66 = arith.addi %add3A_57, %add3A_65 : i32
      %add3A_67 = vector.broadcast %add3A_66 : i32 to vector<16xi32>
      %add3A_68 = arith.addi %iota3A, %add3A_67 : vector<16xi32>
      %swap3A_69 = arith.constant 16 : index
      %swap3A_70 = tpu.vector_load %arg18[%swap3A_69] {strides = array<i32>} : memref<64xi32, #tpu.memory_space<vmem>>, vector<16xi32>,
      %swap3A_71 = vector.shape_cast %swap3A_70 : vector<16xi32> to vector<16xi32>
      %swap3A_72 = vector.shape_cast %add3A_68 : vector<16xi32> to vector<16xi32>
      tpu.vector_store %arg18[%swap3A_69], %swap3A_72 {strides = array<i32>} : memref<64xi32, #tpu.memory_space<vmem>>, vector<16xi32>,
      %add3A_73 = arith.constant 32 : i32
      %add3A_74 = arith.addi %add3A_57, %add3A_73 : i32
      %add3A_75 = vector.broadcast %add3A_74 : i32 to vector<16xi32>
      %add3A_76 = arith.addi %iota3A, %add3A_75 : vector<16xi32>
      %swap3A_77 = arith.constant 32 : index
      %swap3A_78 = tpu.vector_load %arg18[%swap3A_77] {strides = array<i32>} : memref<64xi32, #tpu.memory_space<vmem>>, vector<16xi32>,
      %swap3A_79 = vector.shape_cast %swap3A_78 : vector<16xi32> to vector<16xi32>
      %swap3A_80 = vector.shape_cast %add3A_76 : vector<16xi32> to vector<16xi32>
      tpu.vector_store %arg18[%swap3A_77], %swap3A_80 {strides = array<i32>} : memref<64xi32, #tpu.memory_space<vmem>>, vector<16xi32>,
      %add3A_81 = arith.constant 48 : i32
      %add3A_82 = arith.addi %add3A_57, %add3A_81 : i32
      %add3A_83 = vector.broadcast %add3A_82 : i32 to vector<16xi32>
      %add3A_84 = arith.addi %iota3A, %add3A_83 : vector<16xi32>
      %swap3A_85 = arith.constant 48 : index
      %swap3A_86 = tpu.vector_load %arg18[%swap3A_85] {strides = array<i32>} : memref<64xi32, #tpu.memory_space<vmem>>, vector<16xi32>,
      %swap3A_87 = vector.shape_cast %swap3A_86 : vector<16xi32> to vector<16xi32>
      %swap3A_88 = vector.shape_cast %add3A_84 : vector<16xi32> to vector<16xi32>
      tpu.vector_store %arg18[%swap3A_85], %swap3A_88 {strides = array<i32>} : memref<64xi32, #tpu.memory_space<vmem>>, vector<16xi32>,
      %dma_start3A_89 = arith.constant 0 : i32
      %dma_start3A_90 = arith.constant 0 : i32
      %dma_start3A_91 = tpu.memref_slice %arg19[%dma_start3A_89, %dma_start3A_90] : memref<10240x128xf32, #tpu.memory_space<vmem_shared>> -> memref<10240x128xf32, #tpu.memory_space<vmem_shared>>
      tpu.enqueue_indirect_dma source(%dma_start3A_91 : memref<10240x128xf32, #tpu.memory_space<vmem_shared>>) target(%arg14 : memref<64x128xf32, #tpu.memory_space<vmem>>) offsets(%arg18 : memref<64xi32, #tpu.memory_space<vmem>>) semaphore(%arg20 : memref<!tpu.dma_semaphore, #tpu.memory_space<semaphore_mem>>)
      %dma_wait3A_92 = arith.constant 0 : i32
      %dma_wait3A_93 = arith.constant 0 : i32
      %dma_wait3A_94 = tpu.memref_slice %arg19[%dma_wait3A_92, %dma_wait3A_93] : memref<10240x128xf32, #tpu.memory_space<vmem_shared>> -> memref<10240x128xf32, #tpu.memory_space<vmem_shared>>
      tpu.wait_indirect_dma semaphore(%arg20 : memref<!tpu.dma_semaphore, #tpu.memory_space<semaphore_mem>>) src(%dma_wait3A_94 : memref<10240x128xf32, #tpu.memory_space<vmem_shared>>) dst(%arg14 : memref<64x128xf32, #tpu.memory_space<vmem>>)
      %mul3A_95 = arith.constant 64 : i32
      %mul3A_96 = arith.muli %scan3A_54, %mul3A_95 : i32
      %add3A_97 = arith.addi %mul3A_0, %mul3A_96 : i32
      "tpu.region"() ({
        %run_scoped3A = tpu.sem_alloc : memref<!tpu.dma_semaphore, #tpu.memory_space<semaphore_mem>>
        %dma_start3A_98 = arith.constant 0 : i32
        %dma_start3A_99 = tpu.memref_slice %arg5[%arg0, %add3A_97, %dma_start3A_98] : memref<2x10240x128xf32, #tpu.memory_space<hbm>> -> memref<1x64x128xf32, #tpu.memory_space<hbm>>
        %dma_start3A_100 = tpu.memref_squeeze %dma_start3A_99 : memref<1x64x128xf32, #tpu.memory_space<hbm>> -> memref<64x128xf32, #tpu.memory_space<hbm>>
        %dma_start3A_101 = arith.constant 0 : i32
        %dma_start3A_102 = tpu.memref_slice %arg5[%arg0, %add3A_97, %dma_start3A_101] : memref<2x10240x128xf32, #tpu.memory_space<hbm>> -> memref<1x64x128xf32, #tpu.memory_space<hbm>>
        %dma_start3A_103 = tpu.memref_squeeze %dma_start3A_102 : memref<1x64x128xf32, #tpu.memory_space<hbm>> -> memref<64x128xf32, #tpu.memory_space<hbm>>
        tpu.enqueue_dma source(%arg14 : memref<64x128xf32, #tpu.memory_space<vmem>>) target(%dma_start3A_103 : memref<64x128xf32, #tpu.memory_space<hbm>>) target_semaphore(%run_scoped3A : memref<!tpu.dma_semaphore, #tpu.memory_space<semaphore_mem>>)
        %dma_wait3A_104 = arith.constant 0 : i32
        %dma_wait3A_105 = tpu.memref_slice %arg5[%arg0, %add3A_97, %dma_wait3A_104] : memref<2x10240x128xf32, #tpu.memory_space<hbm>> -> memref<1x64x128xf32, #tpu.memory_space<hbm>>
        %dma_wait3A_106 = tpu.memref_squeeze %dma_wait3A_105 : memref<1x64x128xf32, #tpu.memory_space<hbm>> -> memref<64x128xf32, #tpu.memory_space<hbm>>
        %dma_wait3A_107 = arith.constant 0 : i32
        %dma_wait3A_108 = tpu.memref_slice %arg5[%arg0, %add3A_97, %dma_wait3A_107] : memref<2x10240x128xf32, #tpu.memory_space<hbm>> -> memref<1x64x128xf32, #tpu.memory_space<hbm>>
        %dma_wait3A_109 = tpu.memref_squeeze %dma_wait3A_108 : memref<1x64x128xf32, #tpu.memory_space<hbm>> -> memref<64x128xf32, #tpu.memory_space<hbm>>
        tpu.wait_dma2 semaphore(%run_scoped3A : memref<!tpu.dma_semaphore, #tpu.memory_space<semaphore_mem>>) src(%arg14 : memref<64x128xf32, #tpu.memory_space<vmem>>) dst(%dma_wait3A_109 : memref<64x128xf32, #tpu.memory_space<hbm>>)
        tpu.yield
      }) : () -> ()
    }
    %scan3A_53 = arith.constant 10 : i32
    return
  }
}

module attributes {stable_mosaic.version = 14 : i64} {
  func.func @body(%arg0: i32, %arg1: memref<2x400x128xf32, #tpu.memory_space<vmem>>, %arg2: memref<2x400x128xf32, #tpu.memory_space<vmem>>, %arg3: memref<128x128xf32, #tpu.memory_space<vmem>>, %arg4: memref<400x128xf32, #tpu.memory_space<vmem>>, %arg5: memref<400x1xf32, #tpu.memory_space<vmem>>) attributes {dimension_semantics = [#tpu.dimension_semantics<arbitrary>], iteration_bounds = array<i64: 25>, scalar_prefetch = 0 : i64, scratch_operands = 0 : i64, tpu.core_type = #tpu.core_type<tc>, window_params = [{transform_indices = @transform_0, window_bounds = array<i64: 2, 400, 128>}, {transform_indices = @transform_1, window_bounds = array<i64: 2, 400, 128>}, {pipeline_mode = #tpu.pipeline_mode<synchronous>, transform_indices = @transform_2, window_bounds = array<i64: 128, 128>}, {transform_indices = @transform_3, window_bounds = array<i64: 400, 128>}, {transform_indices = @transform_4, window_bounds = array<i64: 400, 1>}]} {
    %get3A = arith.constant 0 : index
    %get3A_0 = arith.constant 0 : index
    %get3A_1 = arith.constant 0 : index
    %get3A_2 = vector.load %arg1[%get3A, %get3A_0, %get3A_1] : memref<2x400x128xf32, #tpu.memory_space<vmem>>, vector<1x400x128xf32>
    %get3A_3 = vector.shape_cast %get3A_2 : vector<1x400x128xf32> to vector<400x128xf32>
    %get3A_4 = arith.constant 1 : index
    %get3A_5 = arith.constant 0 : index
    %get3A_6 = arith.constant 0 : index
    %get3A_7 = vector.load %arg1[%get3A_4, %get3A_5, %get3A_6] : memref<2x400x128xf32, #tpu.memory_space<vmem>>, vector<1x400x128xf32>
    %get3A_8 = vector.shape_cast %get3A_7 : vector<1x400x128xf32> to vector<400x128xf32>
    %add3A = arith.addf %get3A_3, %get3A_8 : vector<400x128xf32>
    %get3A_9 = arith.constant 0 : index
    %get3A_10 = arith.constant 0 : index
    %get3A_11 = arith.constant 0 : index
    %get3A_12 = vector.load %arg2[%get3A_9, %get3A_10, %get3A_11] : memref<2x400x128xf32, #tpu.memory_space<vmem>>, vector<1x400x128xf32>
    %get3A_13 = vector.shape_cast %get3A_12 : vector<1x400x128xf32> to vector<400x128xf32>
    %slice3A = vector.extract_strided_slice %get3A_13 {offsets = [0, 0], sizes = [400, 1], strides = [1, 1]} : vector<400x128xf32> to vector<400x1xf32>
    %get3A_14 = arith.constant 1 : index
    %get3A_15 = arith.constant 0 : index
    %get3A_16 = arith.constant 0 : index
    %get3A_17 = vector.load %arg2[%get3A_14, %get3A_15, %get3A_16] : memref<2x400x128xf32, #tpu.memory_space<vmem>>, vector<1x400x128xf32>
    %get3A_18 = vector.shape_cast %get3A_17 : vector<1x400x128xf32> to vector<400x128xf32>
    %slice3A_19 = vector.extract_strided_slice %get3A_18 {offsets = [0, 0], sizes = [400, 1], strides = [1, 1]} : vector<400x128xf32> to vector<400x1xf32>
    %add3A_20 = arith.addf %slice3A, %slice3A_19 : vector<400x1xf32>
    %max3A = arith.constant 1.000000e+00 : f32
    %max3A_21 = vector.broadcast %max3A : f32 to vector<400x1xf32>
    %max3A_22 = arith.maximumf %add3A_20, %max3A_21 : vector<400x1xf32>
    %div3A = arith.constant 1.000000e+00 : f32
    %div3A_23 = vector.broadcast %div3A : f32 to vector<400x1xf32>
    %div3A_24 = arith.divf %div3A_23, %max3A_22 : vector<400x1xf32>
    %mul3A = vector.broadcast %div3A_24 : vector<400x1xf32> to vector<400x128xf32>
    %mul3A_25 = arith.mulf %add3A, %mul3A : vector<400x128xf32>
    %get3A_26 = arith.constant 0 : index
    %get3A_27 = arith.constant 0 : index
    %get3A_28 = vector.load %arg3[%get3A_26, %get3A_27] : memref<128x128xf32, #tpu.memory_space<vmem>>, vector<128x128xf32>
    %dot_general3A = arith.constant dense<0.000000e+00> : vector<400x128xf32>
    %dot_general3A_29 = tpu.matmul %mul3A_25, %get3A_28, %dot_general3A {dimension_numbers = #tpu.dot_dimension_numbers<[1], [0], [0], [1], [0, 0, 1, 1], [], []>, transpose_lhs_hint = false} : vector<400x128xf32>, vector<128x128xf32>, vector<400x128xf32> -> vector<400x128xf32>
    %max3A_30 = arith.constant 0.000000e+00 : f32
    %max3A_31 = vector.broadcast %max3A_30 : f32 to vector<400x128xf32>
    %max3A_32 = arith.maximumf %dot_general3A_29, %max3A_31 : vector<400x128xf32>
    %swap3A = arith.constant 0 : index
    %swap3A_33 = arith.constant 0 : index
    %swap3A_34 = vector.load %arg4[%swap3A, %swap3A_33] : memref<400x128xf32, #tpu.memory_space<vmem>>, vector<400x128xf32>
    tpu.vector_store %arg4[%swap3A, %swap3A_33], %max3A_32 {strides = array<i32>} : memref<400x128xf32, #tpu.memory_space<vmem>>, vector<400x128xf32>,
    %swap3A_35 = arith.constant 0 : index
    %swap3A_36 = arith.constant 0 : index
    %swap3A_37 = vector.load %arg5[%swap3A_35, %swap3A_36] : memref<400x1xf32, #tpu.memory_space<vmem>>, vector<400x1xf32>
    tpu.vector_store %arg5[%swap3A_35, %swap3A_36], %div3A_24 {strides = array<i32>} : memref<400x1xf32, #tpu.memory_space<vmem>>, vector<400x1xf32>,
    return
  }
  func.func @transform_0(%arg0: i32) -> (i32, i32, i32) {
    %c0_i32 = arith.constant 0 : i32
    %c0_i32_0 = arith.constant 0 : i32
    %c0_i32_1 = arith.constant 0 : i32
    return %c0_i32, %arg0, %c0_i32_0 : i32, i32, i32
  }
  func.func @transform_1(%arg0: i32) -> (i32, i32, i32) {
    %c0_i32 = arith.constant 0 : i32
    %c0_i32_0 = arith.constant 0 : i32
    %c0_i32_1 = arith.constant 0 : i32
    return %c0_i32, %arg0, %c0_i32_0 : i32, i32, i32
  }
  func.func @transform_2(%arg0: i32) -> (i32, i32) {
    %c0_i32 = arith.constant 0 : i32
    %c0_i32_0 = arith.constant 0 : i32
    %c0_i32_1 = arith.constant 0 : i32
    return %c0_i32, %c0_i32_0 : i32, i32
  }
  func.func @transform_3(%arg0: i32) -> (i32, i32) {
    %c0_i32 = arith.constant 0 : i32
    %c0_i32_0 = arith.constant 0 : i32
    return %arg0, %c0_i32 : i32, i32
  }
  func.func @transform_4(%arg0: i32) -> (i32, i32) {
    %c0_i32 = arith.constant 0 : i32
    %c0_i32_0 = arith.constant 0 : i32
    return %arg0, %c0_i32 : i32, i32
  }
}

module attributes {stable_mosaic.version = 14 : i64} {
  func.func @body(%arg0: i32, %arg1: memref<2x400x128xf32, #tpu.memory_space<vmem>>, %arg2: memref<400x1xf32, #tpu.memory_space<vmem>>, %arg3: memref<128x128xf32, #tpu.memory_space<vmem>>, %arg4: memref<128x384xf32, #tpu.memory_space<vmem>>, %arg5: memref<1x384xf32, #tpu.memory_space<vmem>>, %arg6: memref<128x384xf32, #tpu.memory_space<vmem>>, %arg7: memref<1x384xf32, #tpu.memory_space<vmem>>, %arg8: memref<1x128xf32, #tpu.memory_space<vmem>>, %arg9: memref<1x1xf32, #tpu.memory_space<vmem>>, %arg10: memref<400x1xf32, #tpu.memory_space<vmem>>) attributes {dimension_semantics = [#tpu.dimension_semantics<arbitrary>], iteration_bounds = array<i64: 25>, scalar_prefetch = 0 : i64, scratch_operands = 0 : i64, tpu.core_type = #tpu.core_type<tc>, window_params = [{transform_indices = @transform_0, window_bounds = array<i64: 2, 400, 128>}, {transform_indices = @transform_1, window_bounds = array<i64: 400, 1>}, {pipeline_mode = #tpu.pipeline_mode<synchronous>, transform_indices = @transform_2, window_bounds = array<i64: 128, 128>}, {pipeline_mode = #tpu.pipeline_mode<synchronous>, transform_indices = @transform_3, window_bounds = array<i64: 128, 384>}, {pipeline_mode = #tpu.pipeline_mode<synchronous>, transform_indices = @transform_4, window_bounds = array<i64: 1, 384>}, {pipeline_mode = #tpu.pipeline_mode<synchronous>, transform_indices = @transform_5, window_bounds = array<i64: 128, 384>}, {pipeline_mode = #tpu.pipeline_mode<synchronous>, transform_indices = @transform_6, window_bounds = array<i64: 1, 384>}, {pipeline_mode = #tpu.pipeline_mode<synchronous>, transform_indices = @transform_7, window_bounds = array<i64: 1, 128>}, {pipeline_mode = #tpu.pipeline_mode<synchronous>, transform_indices = @transform_8, window_bounds = array<i64: 1, 1>}, {transform_indices = @transform_9, window_bounds = array<i64: 400, 1>}]} {
    %get3A = arith.constant 0 : index
    %get3A_0 = arith.constant 0 : index
    %get3A_1 = arith.constant 0 : index
    %get3A_2 = vector.load %arg1[%get3A, %get3A_0, %get3A_1] : memref<2x400x128xf32, #tpu.memory_space<vmem>>, vector<1x400x128xf32>
    %get3A_3 = vector.shape_cast %get3A_2 : vector<1x400x128xf32> to vector<400x128xf32>
    %get3A_4 = arith.constant 1 : index
    %get3A_5 = arith.constant 0 : index
    %get3A_6 = arith.constant 0 : index
    %get3A_7 = vector.load %arg1[%get3A_4, %get3A_5, %get3A_6] : memref<2x400x128xf32, #tpu.memory_space<vmem>>, vector<1x400x128xf32>
    %get3A_8 = vector.shape_cast %get3A_7 : vector<1x400x128xf32> to vector<400x128xf32>
    %add3A = arith.addf %get3A_3, %get3A_8 : vector<400x128xf32>
    %get3A_9 = arith.constant 0 : index
    %get3A_10 = arith.constant 0 : index
    %get3A_11 = vector.load %arg2[%get3A_9, %get3A_10] : memref<400x1xf32, #tpu.memory_space<vmem>>, vector<400x1xf32>
    %mul3A = vector.broadcast %get3A_11 : vector<400x1xf32> to vector<400x128xf32>
    %mul3A_12 = arith.mulf %add3A, %mul3A : vector<400x128xf32>
    %get3A_13 = arith.constant 0 : index
    %get3A_14 = arith.constant 0 : index
    %get3A_15 = vector.load %arg3[%get3A_13, %get3A_14] : memref<128x128xf32, #tpu.memory_space<vmem>>, vector<128x128xf32>
    %dot_general3A = arith.constant dense<0.000000e+00> : vector<400x128xf32>
    %dot_general3A_16 = tpu.matmul %mul3A_12, %get3A_15, %dot_general3A {dimension_numbers = #tpu.dot_dimension_numbers<[1], [0], [0], [1], [0, 0, 1, 1], [], []>, transpose_lhs_hint = false} : vector<400x128xf32>, vector<128x128xf32>, vector<400x128xf32> -> vector<400x128xf32>
    %get3A_17 = arith.constant 0 : index
    %get3A_18 = arith.constant 0 : index
    %get3A_19 = vector.load %arg4[%get3A_17, %get3A_18] : memref<128x384xf32, #tpu.memory_space<vmem>>, vector<128x384xf32>
    %dot_general3A_20 = arith.constant dense<0.000000e+00> : vector<400x384xf32>
    %dot_general3A_21 = tpu.matmul %dot_general3A_16, %get3A_19, %dot_general3A_20 {dimension_numbers = #tpu.dot_dimension_numbers<[1], [0], [0], [1], [0, 0, 1, 1], [], []>, transpose_lhs_hint = false} : vector<400x128xf32>, vector<128x384xf32>, vector<400x384xf32> -> vector<400x384xf32>
    %get3A_22 = arith.constant 0 : index
    %get3A_23 = arith.constant 0 : index
    %get3A_24 = vector.load %arg5[%get3A_22, %get3A_23] : memref<1x384xf32, #tpu.memory_space<vmem>>, vector<1x384xf32>
    %add3A_25 = vector.broadcast %get3A_24 : vector<1x384xf32> to vector<400x384xf32>
    %add3A_26 = arith.addf %dot_general3A_21, %add3A_25 : vector<400x384xf32>
    %slice3A = vector.extract_strided_slice %add3A_26 {offsets = [0, 256], sizes = [400, 128], strides = [1, 1]} : vector<400x384xf32> to vector<400x128xf32>
    %neg3A = arith.constant 0.000000e+00 : f32
    %neg3A_27 = vector.broadcast %neg3A : f32 to vector<400x128xf32>
    %neg3A_28 = arith.subf %neg3A_27, %slice3A : vector<400x128xf32>
    %exp3A = math.exp %neg3A_28 : vector<400x128xf32>
    %add3A_29 = arith.constant 1.000000e+00 : f32
    %add3A_30 = vector.broadcast %add3A_29 : f32 to vector<400x128xf32>
    %add3A_31 = arith.addf %add3A_30, %exp3A : vector<400x128xf32>
    %div3A = arith.constant 1.000000e+00 : f32
    %div3A_32 = vector.broadcast %div3A : f32 to vector<400x128xf32>
    %div3A_33 = arith.divf %div3A_32, %add3A_31 : vector<400x128xf32>
    %slice3A_34 = vector.extract_strided_slice %add3A_26 {offsets = [0, 0], sizes = [400, 128], strides = [1, 1]} : vector<400x384xf32> to vector<400x128xf32>
    %neg3A_35 = arith.constant 0.000000e+00 : f32
    %neg3A_36 = vector.broadcast %neg3A_35 : f32 to vector<400x128xf32>
    %neg3A_37 = arith.subf %neg3A_36, %slice3A_34 : vector<400x128xf32>
    %exp3A_38 = math.exp %neg3A_37 : vector<400x128xf32>
    %add3A_39 = arith.constant 1.000000e+00 : f32
    %add3A_40 = vector.broadcast %add3A_39 : f32 to vector<400x128xf32>
    %add3A_41 = arith.addf %add3A_40, %exp3A_38 : vector<400x128xf32>
    %div3A_42 = arith.constant 1.000000e+00 : f32
    %div3A_43 = vector.broadcast %div3A_42 : f32 to vector<400x128xf32>
    %div3A_44 = arith.divf %div3A_43, %add3A_41 : vector<400x128xf32>
    %slice3A_45 = vector.extract_strided_slice %add3A_26 {offsets = [0, 128], sizes = [400, 128], strides = [1, 1]} : vector<400x384xf32> to vector<400x128xf32>
    %tanh3A = math.tanh %slice3A_45 : vector<400x128xf32>
    %mul3A_46 = arith.mulf %div3A_44, %tanh3A : vector<400x128xf32>
    %tanh3A_47 = math.tanh %mul3A_46 : vector<400x128xf32>
    %mul3A_48 = arith.mulf %div3A_33, %tanh3A_47 : vector<400x128xf32>
    %get3A_49 = arith.constant 0 : index
    %get3A_50 = arith.constant 0 : index
    %get3A_51 = vector.load %arg6[%get3A_49, %get3A_50] : memref<128x384xf32, #tpu.memory_space<vmem>>, vector<128x384xf32>
    %dot_general3A_52 = arith.constant dense<0.000000e+00> : vector<400x384xf32>
    %dot_general3A_53 = tpu.matmul %mul3A_48, %get3A_51, %dot_general3A_52 {dimension_numbers = #tpu.dot_dimension_numbers<[1], [0], [0], [1], [0, 0, 1, 1], [], []>, transpose_lhs_hint = false} : vector<400x128xf32>, vector<128x384xf32>, vector<400x384xf32> -> vector<400x384xf32>
    %get3A_54 = arith.constant 0 : index
    %get3A_55 = arith.constant 0 : index
    %get3A_56 = vector.load %arg7[%get3A_54, %get3A_55] : memref<1x384xf32, #tpu.memory_space<vmem>>, vector<1x384xf32>
    %add3A_57 = vector.broadcast %get3A_56 : vector<1x384xf32> to vector<400x384xf32>
    %add3A_58 = arith.addf %dot_general3A_53, %add3A_57 : vector<400x384xf32>
    %slice3A_59 = vector.extract_strided_slice %add3A_58 {offsets = [0, 256], sizes = [400, 128], strides = [1, 1]} : vector<400x384xf32> to vector<400x128xf32>
    %neg3A_60 = arith.constant 0.000000e+00 : f32
    %neg3A_61 = vector.broadcast %neg3A_60 : f32 to vector<400x128xf32>
    %neg3A_62 = arith.subf %neg3A_61, %slice3A_59 : vector<400x128xf32>
    %exp3A_63 = math.exp %neg3A_62 : vector<400x128xf32>
    %add3A_64 = arith.constant 1.000000e+00 : f32
    %add3A_65 = vector.broadcast %add3A_64 : f32 to vector<400x128xf32>
    %add3A_66 = arith.addf %add3A_65, %exp3A_63 : vector<400x128xf32>
    %div3A_67 = arith.constant 1.000000e+00 : f32
    %div3A_68 = vector.broadcast %div3A_67 : f32 to vector<400x128xf32>
    %div3A_69 = arith.divf %div3A_68, %add3A_66 : vector<400x128xf32>
    %slice3A_70 = vector.extract_strided_slice %add3A_58 {offsets = [0, 0], sizes = [400, 128], strides = [1, 1]} : vector<400x384xf32> to vector<400x128xf32>
    %neg3A_71 = arith.constant 0.000000e+00 : f32
    %neg3A_72 = vector.broadcast %neg3A_71 : f32 to vector<400x128xf32>
    %neg3A_73 = arith.subf %neg3A_72, %slice3A_70 : vector<400x128xf32>
    %exp3A_74 = math.exp %neg3A_73 : vector<400x128xf32>
    %add3A_75 = arith.constant 1.000000e+00 : f32
    %add3A_76 = vector.broadcast %add3A_75 : f32 to vector<400x128xf32>
    %add3A_77 = arith.addf %add3A_76, %exp3A_74 : vector<400x128xf32>
    %div3A_78 = arith.constant 1.000000e+00 : f32
    %div3A_79 = vector.broadcast %div3A_78 : f32 to vector<400x128xf32>
    %div3A_80 = arith.divf %div3A_79, %add3A_77 : vector<400x128xf32>
    %slice3A_81 = vector.extract_strided_slice %add3A_58 {offsets = [0, 128], sizes = [400, 128], strides = [1, 1]} : vector<400x384xf32> to vector<400x128xf32>
    %tanh3A_82 = math.tanh %slice3A_81 : vector<400x128xf32>
    %mul3A_83 = arith.mulf %div3A_80, %tanh3A_82 : vector<400x128xf32>
    %tanh3A_84 = math.tanh %mul3A_83 : vector<400x128xf32>
    %mul3A_85 = arith.mulf %div3A_69, %tanh3A_84 : vector<400x128xf32>
    %get3A_86 = arith.constant 0 : index
    %get3A_87 = arith.constant 0 : index
    %get3A_88 = vector.load %arg8[%get3A_86, %get3A_87] : memref<1x128xf32, #tpu.memory_space<vmem>>, vector<1x128xf32>
    %mul3A_89 = vector.broadcast %get3A_88 : vector<1x128xf32> to vector<400x128xf32>
    %mul3A_90 = arith.mulf %mul3A_85, %mul3A_89 : vector<400x128xf32>
    %reduce_sum3A = arith.constant dense<0.000000e+00> : vector<400xf32>
    %reduce_sum3A_91 = vector.multi_reduction <add>, %mul3A_90, %reduce_sum3A [1] : vector<400x128xf32> to vector<400xf32>
    %broadcast_in_dim3A = vector.shape_cast %reduce_sum3A_91 : vector<400xf32> to vector<400x1xf32>
    %get3A_92 = arith.constant 0 : index
    %get3A_93 = arith.constant 0 : index
    %get3A_94 = vector.load %arg9[%get3A_92, %get3A_93] : memref<1x1xf32, #tpu.memory_space<vmem>>, vector<1x1xf32>
    %get3A_95 = vector.extract %get3A_94[0, 0] : f32 from vector<1x1xf32>
    %add3A_96 = vector.broadcast %get3A_95 : f32 to vector<400x1xf32>
    %add3A_97 = arith.addf %broadcast_in_dim3A, %add3A_96 : vector<400x1xf32>
    %swap3A = arith.constant 0 : index
    %swap3A_98 = arith.constant 0 : index
    %swap3A_99 = vector.load %arg10[%swap3A, %swap3A_98] : memref<400x1xf32, #tpu.memory_space<vmem>>, vector<400x1xf32>
    tpu.vector_store %arg10[%swap3A, %swap3A_98], %add3A_97 {strides = array<i32>} : memref<400x1xf32, #tpu.memory_space<vmem>>, vector<400x1xf32>,
    return
  }
  func.func @transform_0(%arg0: i32) -> (i32, i32, i32) {
    %c0_i32 = arith.constant 0 : i32
    %c0_i32_0 = arith.constant 0 : i32
    %c0_i32_1 = arith.constant 0 : i32
    return %c0_i32, %arg0, %c0_i32_0 : i32, i32, i32
  }
  func.func @transform_1(%arg0: i32) -> (i32, i32) {
    %c0_i32 = arith.constant 0 : i32
    %c0_i32_0 = arith.constant 0 : i32
    return %arg0, %c0_i32 : i32, i32
  }
  func.func @transform_2(%arg0: i32) -> (i32, i32) {
    %c0_i32 = arith.constant 0 : i32
    %c0_i32_0 = arith.constant 0 : i32
    %c0_i32_1 = arith.constant 0 : i32
    return %c0_i32, %c0_i32_0 : i32, i32
  }
  func.func @transform_3(%arg0: i32) -> (i32, i32) {
    %c0_i32 = arith.constant 0 : i32
    %c0_i32_0 = arith.constant 0 : i32
    %c0_i32_1 = arith.constant 0 : i32
    return %c0_i32, %c0_i32_0 : i32, i32
  }
  func.func @transform_4(%arg0: i32) -> (i32, i32) {
    %c0_i32 = arith.constant 0 : i32
    %c0_i32_0 = arith.constant 0 : i32
    %c0_i32_1 = arith.constant 0 : i32
    return %c0_i32, %c0_i32_0 : i32, i32
  }
  func.func @transform_5(%arg0: i32) -> (i32, i32) {
    %c0_i32 = arith.constant 0 : i32
    %c0_i32_0 = arith.constant 0 : i32
    %c0_i32_1 = arith.constant 0 : i32
    return %c0_i32, %c0_i32_0 : i32, i32
  }
  func.func @transform_6(%arg0: i32) -> (i32, i32) {
    %c0_i32 = arith.constant 0 : i32
    %c0_i32_0 = arith.constant 0 : i32
    %c0_i32_1 = arith.constant 0 : i32
    return %c0_i32, %c0_i32_0 : i32, i32
  }
  func.func @transform_7(%arg0: i32) -> (i32, i32) {
    %c0_i32 = arith.constant 0 : i32
    %c0_i32_0 = arith.constant 0 : i32
    %c0_i32_1 = arith.constant 0 : i32
    return %c0_i32, %c0_i32_0 : i32, i32
  }
  func.func @transform_8(%arg0: i32) -> (i32, i32) {
    %c0_i32 = arith.constant 0 : i32
    %c0_i32_0 = arith.constant 0 : i32
    %c0_i32_1 = arith.constant 0 : i32
    return %c0_i32, %c0_i32_0 : i32, i32
  }
  func.func @transform_9(%arg0: i32) -> (i32, i32) {
    %c0_i32 = arith.constant 0 : i32
    %c0_i32_0 = arith.constant 0 : i32
    return %arg0, %c0_i32 : i32, i32
  }
}

</mosaic_0001>

<sc_bundles>
// kernel: kernel.10.cloned.1.call-start
scs
__scs_entry_jumppad:
0x0: {  	(pc) =	sbr.rel $0x88, $3  }
0x1: {  	(tag) =	ssettag $0x0;
	lr =	simm.s32 $0x1  }
0x2: {  	[smem:$0x3F97] =	sst lr;
	_ =	strace $0xD0000000  }
0x3: {  	_ = 	snop  }
0x4: {  	_ = 	snop  }
0x5: {  	_ = 	snop  }
0x6: {  	_ = 	snop  }
0x7: {  	_ = 	snop  }
__scs_overlays_trampoline_lowered:
0x8: {  	[smem:$0x3FA6] =	sst s0  }
0x9: {  	[smem:$0x3FA7] =	sst s1  }
0xa: {  	[smem:$0x3FA8] =	sst s2  }
0xb: {  	[smem:$0x3FA9] =	sst s3  }
0xc: {  	[smem:$0x3FAA] =	sst s4  }
0xd: {  	[smem:$0x3FAB] =	sst s5  }
0xe: {  	[smem:$0x3FAC] =	sst s6  }
0xf: {  	[smem:$0x3FAD] =	sst s7  }
0x10: {  	[smem:$0x3FAE] =	sst s8  }
0x11: {  	[smem:$0x3FAF] =	sst s9;
	s0 =	simm.s32 @!p0 $0x0  }
0x12: {  	s1 =	sld [smem:$0x3F95];
	s0 =	simm.s32 @p0 $0x1  }
0x13: {  	[smem:$0x3FB0] =	sst s0;
	s0 =	simm.s32 @!p1 $0x0  }
0x14: {  	s2 =	sld [smem:$0x3F94];
	s0 =	simm.s32 @p1 $0x1  }
0x15: {  	[smem:$0x3FB1] =	sst s0;
	s0 =	simm.s32 @!p2 $0x0  }
0x16: {  	s3 =	sld [smem:$0x3FDB];
	s0 =	simm.s32 @p2 $0x1  }
0x17: {  	s4 =	simm.s32 $0x1BF5;
	[smem:$0x3FB3] =	sst s0  }
0x18: {  	s0 =	sld [smem:$0x3F96];
	_ =	swait.ge [sflag:s4], $0x0  }
0x19: {  	s7 =	sld [smem:$0x3F97]  }
0x1a: {  	s8 =	sadd.s32 $0xFFFFE003, lr  }
0x1b: {  	s9 =	sadd.s32 $0xFFFFFEF7, lr;
	s5 =	simm.s32 $0xFFFFFFFF;
	p2 =	slt.u32 s8, $0xFFFFF086  }
0x1c: {  	p1 =	slt.u32 s9, $0xF7A;
	s5 =	simm.s32 @!p2 $0x0  }
0x1d: {  	s5 =	simm.s32 @p1 $0x1;
	p0 =	seq.s32 s7, s2  }
0x1e: {  	s7 =	smul.u32 @!p0 $0xF7A, s2;
	p2 =	seq.s32 @!p0 s5, $0x0  }
0x1f: {  	s9 =	smul.u32 $0xF7A, s1;
	s8 =	simm.s32 @!p0 $0x1BF5;
	p2 =	por !p2, p0  }
0x20: {  	[sflag:s8] =	ssyncset.s32 @!p0 $0xFFFFF086;
	s6 =	sadd.s32 @!p0 s3, s7;
	s7 =	simm.s32 @!p0 $0x108  }
0x21: {  	s3 =	sadd.s32 s3, s9;
	s6 =	sadd.s32 @!p0 $0x88, s6;
	s7 =	simm.s32 @p2 $0x1082  }
0x22: {  	[simem:s7], [sflag:s8] =	dma.local @!p0 [hbm:s6], $0xF7A  }
0x23: {  	s9 =	sor.u32 $0xD0000000, s2;
	s6 =	simm.s32 $0x108;
	_ =	swait.ge @!p0 [sflag:s8], $0x0  }
0x24: {  	s3 =	sadd.s32 $0x88, s3;
	s6 =	simm.s32 @!p1 $0x1082;
	[sflag:s4] =	ssyncset.s32 $0xFFFFF086  }
0x25: {  	[simem:s6], [sflag:s4] =	dma.local [hbm:s3], $0xF7A  }
0x26: {  	[smem:$0x3F97] =	sst s1;
	(tag) =	ssettag s2;
	_ =	strace s9  }
0x27: {  	s1 =	sld [smem:$0x3FA7]  }
0x28: {  	s2 =	sld [smem:$0x3FA8]  }
0x29: {  	s4 =	sld [smem:$0x3FAA]  }
0x2a: {  	p0 =	seq.s32 s5, $0x0;
	s5 =	sld [smem:$0x3FAB]  }
0x2b: {  	s6 =	sld [smem:$0x3FAC]  }
0x2c: {  	s7 =	sld [smem:$0x3FAD]  }
0x2d: {  	s3 =	simm.s32 $0x108;
	s8 =	sld [smem:$0x3FAE]  }
0x2e: {  	s3 =	simm.s32 @!p0 $0x1082;
	s9 =	sld [smem:$0x3FAF]  }
0x2f: {  	lr =	sadd.s32 s0, s3;
	s0 =	sld [smem:$0x3FA6]  }
0x30: {  	s3 =	sld [smem:$0x3FA9]  }
0x31: {  	[smem:$0x3FB2] =	sst s10  }
0x32: {  	s10 =	sld [smem:$0x3FB0];
	_ =	sdelay $0x3  }
0x33: {  	p0 =	seq.s32 s10, $0x1;
	s10 =	sld [smem:$0x3FB2];
	_ =	sdelay $0x3  }
0x34: {  	[smem:$0x3FB2] =	sst s10  }
0x35: {  	s10 =	sld [smem:$0x3FB1];
	_ =	sdelay $0x3  }
0x36: {  	p1 =	seq.s32 s10, $0x1;
	s10 =	sld [smem:$0x3FB2];
	_ =	sdelay $0x3  }
0x37: {  	[smem:$0x3FB2] =	sst s10  }
0x38: {  	s10 =	sld [smem:$0x3FB3]  }
0x39: {  	_ = 	snop;
	(pc) =	sbr.ind lr, $3  }
0x3a: {  	_ = 	snop  }
0x3b: {  	_ = 	snop  }
0x3c: {  	p2 =	seq.s32 s10, $0x1;
	s10 =	sld [smem:$0x3FB2]  }
0x3d: {  	_ =	shalt  }
0x3e: {  	_ =	shalt  }
0x3f: {  	_ =	shalt  }
0x40: {  	_ =	shalt  }
0x41: {  	_ =	shalt  }
0x42: {  	_ =	shalt  }
0x43: {  	_ =	shalt  }
0x44: {  	_ =	shalt  }
0x45: {  	_ =	shalt  }
0x46: {  	_ =	shalt  }
0x47: {  	_ =	shalt  }
0x48: {  	_ =	shalt  }
0x49: {  	_ =	shalt  }
0x4a: {  	_ =	shalt  }
0x4b: {  	_ =	shalt  }
0x4c: {  	_ =	shalt  }
0x4d: {  	_ =	shalt  }
0x4e: {  	_ =	shalt  }
0x4f: {  	_ =	shalt  }
0x50: {  	_ =	shalt  }
0x51: {  	_ =	shalt  }
0x52: {  	_ =	shalt  }
0x53: {  	_ =	shalt  }
0x54: {  	_ =	shalt  }
0x55: {  	_ =	shalt  }
0x56: {  	_ =	shalt  }
0x57: {  	_ =	shalt  }
0x58: {  	_ =	shalt  }
0x59: {  	_ =	shalt  }
0x5a: {  	_ =	shalt  }
0x5b: {  	_ =	shalt  }
0x5c: {  	_ =	shalt  }
0x5d: {  	_ =	shalt  }
0x5e: {  	_ =	shalt  }
0x5f: {  	_ =	shalt  }
0x60: {  	_ =	shalt  }
0x61: {  	_ =	shalt  }
0x62: {  	_ =	shalt  }
0x63: {  	_ =	shalt  }
0x64: {  	_ =	shalt  }
0x65: {  	_ =	shalt  }
0x66: {  	_ =	shalt  }
0x67: {  	_ =	shalt  }
0x68: {  	_ =	shalt  }
0x69: {  	_ =	shalt  }
0x6a: {  	_ =	shalt  }
0x6b: {  	_ =	shalt  }
0x6c: {  	_ =	shalt  }
0x6d: {  	_ =	shalt  }
0x6e: {  	_ =	shalt  }
0x6f: {  	_ =	shalt  }
0x70: {  	_ =	shalt  }
0x71: {  	_ =	shalt  }
0x72: {  	_ =	shalt  }
0x73: {  	_ =	shalt  }
0x74: {  	_ =	shalt  }
0x75: {  	_ =	shalt  }
0x76: {  	_ =	shalt  }
0x77: {  	_ =	shalt  }
0x78: {  	_ =	shalt  }
0x79: {  	_ =	shalt  }
0x7a: {  	_ =	shalt  }
0x7b: {  	_ =	shalt  }
0x7c: {  	_ =	shalt  }
0x7d: {  	_ =	shalt  }
0x7e: {  	_ =	shalt  }
0x7f: {  	_ =	shalt  }
0x80: {  	_ =	shalt  }
0x81: {  	_ =	shalt  }
0x82: {  	_ =	shalt  }
0x83: {  	_ =	shalt  }
0x84: {  	_ =	shalt  }
0x85: {  	_ =	shalt  }
0x86: {  	_ =	shalt  }
0x87: {  	_ =	shalt  }
.Lfunc_end0:
.L_simem_size_0:
called_computation.1_lowered:
.L_overlay_start_0:
0x88: {  	s2 =	sld [smem:$0x3FD9]  }
0x89: {  	s3 =	sld [smem:$0x3FFE];
	_ =	sdelay $0x1  }
0x8a: {  	s1 =	srdreg.scid  }
0x8b: {  	s0 =	sand.u32 $0x1, s1  }
0x8c: {  	s17 =	sshll.u32 s0, $0xA;
	s2 =	sadd.s32 s3, s2  }
0x8d: {  	s2 =	sadd.s32 s2, s17  }
0x8e: {  	[smem:$0x3FBE] =	sst s2  }
0x8f: {  	_ = 	snop  }
0x90: {  	s2 =	sld [smem:$0x3FC9];
	(tm) =	ssettm $0x1  }
0x91: {  	s18 =	sld [smem:$0x3FFB];
	_ =	sdelay $0x3  }
0x92: {  	_ =	strace s18  }
0x93: {  	s3 =	sld [smem:$0x3FFC];
	_ =	sdelay $0x3  }
0x94: {  	_ =	strace s3  }
0x95: {  	s3 =	sld [smem:$0x3FFD];
	_ =	sdelay $0x3  }
0x96: {  	_ =	strace s3  }
0x97: {  	_ =	strace $0x8FFFFFFF  }
0x98: {  	s19 =	sld [smem:$0x3FDB];
	_ =	sdelay $0x1  }
0x99: {  	s4 =	simm.s32 $_scs_section_size  }
0x9a: {  	s5 =	simm.s32 $_size__tile_overlayer_lowered;
	s6 =	simm.s32 $_tile_overlayer_lowered  }
0x9b: {  	s22 =	simm.s32 $0x1BFF;
	s21 =	sshll.u32 s6, $0x1;
	s3 =	sadd.s32 s4, s19  }
0x9c: {  	s7 =	simm.s32 $0x0;
	s20 =	sshll.u32 s5, $0x1;
	s5 =	sadd.s32 s21, s3  }
0x9d: {  	[timem:s7], [sflag:s22] =	dma.local [hbm:s5], s20  }
0x9e: {  	_ =	swait.ge [sflag:s22], s20  }
0x9f: {  	s4 =	ssub.s32 $0x0, s20;
	[sflag:s22] =	ssyncset.done $0x0  }
0xa0: {  	[sflag:s22] =	ssyncadd.s32 s4;
	_ =	sdelay $0x1  }
0xa1: {  	s23 =	simm.s32 $0x1B8B  }
0xa2: {  	_ =	swait.ge [sflag:s23], $0x1  }
0xa3: {  	[sflag:s23] =	ssyncset.done $0x0  }
0xa4: {  	s25 =	simm.s32 $0x1B8E;
	s24 =	sld [smem:$0x3FFE];
	[sflag:s23] =	ssyncadd.s32 $0xFFFFFFFF  }
0xa5: {  	s26 =	simm.s32 $execute0_lowered;
	[smem:$0x3FD2] =	sst s25  }
0xa6: {  	s5 =	sshll.u32 s26, $0x1;
	_ =	strace $0x80000046;
	[dreg:$0x1] =	wrdreg $0xFFFFFFFF  }
0xa7: {  	s28 =	simm.s32 $_size_execute0_lowered;
	s3 =	sadd.s32 s3, s5;
	[dreg:$0x0] =	wrdreg $0x0  }
0xa8: {  	s5 =	sshll.u32 s28, $0x1;
	[dreg:$0x2] =	wrdreg s3  }
0xa9: {  	[dreg:$0x3] =	wrdreg s5  }
0xaa: {  	[dreg:$0x4] =	wrdreg $0xC0  }
0xab: {  	_ =	task [dreg:s7], $0x5FFFF  }
0xac: {  	[dreg:$0x1] =	wrdreg $0xFFFFFFFF  }
0xad: {  	[dreg:$0x0] =	wrdreg $0x60  }
0xae: {  	[dreg:$0x2] =	wrdreg s2  }
0xaf: {  	[dreg:$0x3] =	wrdreg s24  }
0xb0: {  	[dreg:$0x4] =	wrdreg $0x84800  }
0xb1: {  	[dreg:$0x5] =	wrdreg $0xA  }
0xb2: {  	_ =	task.clear_ibuf [dreg:s7], $0x6FFFF;
	_ =	strace $0x90000046  }
0xb3: {  	s29 =	simm.s32 $0xA;
	_ =	strace $0x80000048  }
0xb4: {  	_ =	swait.ge [sflag:s29], $0x1  }
0xb5: {  	[sflag:s29] =	ssyncadd.s32 $0xFFFFFFFF  }
0xb6: {  	_ =	strace $0x90000048  }
0xb7: {  	_ =	sfence  }
0xb8: {  	s30 =	sld [smem:$0x0];
	_ =	sdelay $0x2  }
0xb9: {  	s31 =	sshll.u32 s1, $0xD;
	s1 =	sshrl.u32 s1, $0x2  }
0xba: {  	s3 =	sand.u32 $0x4000, s31;
	s1 =	sadd.s32 s1, s30  }
0xbb: {  	s0 =	sor.u32 s3, s0;
	s1 =	sshll.u32 s1, $0x11  }
0xbc: {  	s0 =	sor.u32 s1, s0  }
0xbd: {  	s0 =	sadd.s32 $0x8F2B, s0  }
0xbe: {  	[sflag:s0] =	ssyncadd.remote.s32 $0x1  }
0xbf: {  	_ =	sfence.sel $0xFFFF  }
0xc0: {  	[dreg:$0x0] =	wrdreg $0xFFFFFFFF;
	(pc) =	sbr.abs _section_cstart, $3  }
0xc1: {  	[dreg:$0x1] =	wrdreg $0xFFFFFFFF  }
0xc2: {  	_ =	task.clear_ibuf [dreg:s7], $0x2FFFF;
	_ =	strace $0x9FFFFFFF  }
0xc3: {  	(tm) =	ssettm $0x7FFFFFFF  }
tec
execute0_lowered:
.L_overlay_start_1:
0x0: {  	(tag) =	ssettag $0x1  }
0x1: {  	s1 =	rddreg [dreg:$0x0]  }
0x2: {  	s0 =	rddreg [dreg:$0x1]  }
0x3: {  	s2 =	rddreg [dreg:$0x2];
	s4 =	simm.s32 $0x0;
	s3 =	srdreg.scid  }
0x4: {  	s11 =	stileid.u32;
	s28 =	simm.s32 $0x280;
	s29 =	simm.s32 $0x2400  }
0x5: {  	s30 =	simm.s32 $0x100;
	s3 =	sand.u32 $0x1, s3;
	s8 =	smul.u32 $0x14000, s11  }
0x6: {  	s31 =	simm.s32 $0x300;
	s9 =	sshll.u32 s11, $0x1;
	s7 =	smul.u32 $0x140000, s3  }
0x7: {  	s9 =	sor.u32 s3, s9;
	s10 =	ssub.s32 $0x2, s3;
	s3 =	smul.u32 $0x2800, s3  }
0x8: {  	[smem:$0x7FF] =	sst s4;
	s5 =	sadd.s32 $0xCA00, s0;
	s9 =	smul.u32 $0x2800, s9  }
0x9: {  	s6 =	sadd.s32 $0x2A00, s0;
	s8 =	sadd.s32 s8, s7;
	s7 =	smul.u32 $0x280, s11  }
0xa: {  	_ =	strace $0x80000047;
	s26 =	sshrl.u32 s10, $0x1;
	s11 =	smul.u32 $0x5000, s11  }
0xb: {  	s10 =	ssub.s32 s10, s26;
	s8 =	sshrl.u32 s8, $0x3;
	s13 =	sshrl.u32 s9, $0x3  }
0xc: {  	s19 =	sadd.s32 $0x27C0, s9;
	s24 =	smax.u32 s10, $0x1;
	s9 =	simm.s32 $0x180  }
0xd: {  	s10 =	simm.s32 $0x380;
	s0 =	sadd.s32 s8, s0;
	s12 =	sadd.s32 s5, s13  }
0xe: {  	s14 =	sor.u32 $0x8, s13;
	s15 =	sadd.s32 s6, s13;
	[dreg:$0xb] =	wrdreg s24  }
0xf: {  	s22 =	sadd.s32 s3, s11;
	s18 =	sor.u32 $0x10, s13;
	[dreg:$0x4] =	wrdreg s7  }
0x10: {  	s26 =	sor.u32 $0x30, s7;
	s24 =	simm.s32 $0x5;
	[dreg:$0x5] =	wrdreg s12  }
0x11: {  	s11 =	simm.s32 $0x6400;
	s13 =	simm.s32 $0x2;
	[dreg:$0x6] =	wrdreg s15  }
0x12: {  	s16 =	sadd.s32 s5, s14;
	s17 =	sadd.s32 s6, s14;
	[dreg:$0xf] =	wrdreg s26  }
0x13: {  	s20 =	sor.u32 $0xC0, s22;
	s21 =	sadd.s32 s5, s18;
	[dreg:$0x7] =	wrdreg s16  }
0x14: {  	s3 =	sadd.s32 s6, s18;
	s12 =	simm.s32 $0x8400;
	[dreg:$0x8] =	wrdreg s17  }
0x15: {  	s26 =	simm.s32 $0x80;
	s14 =	simm.s32 $0x3;
	[dreg:$0x9] =	wrdreg s21  }
0x16: {  	s15 =	simm.s32 $0x4;
	[dreg:$0xa] =	wrdreg s3;
	s23 =	sshrl.u32 s20, $0x3  }
0x17: {  	s20 =	sadd.s32 $0x16A00, s0;
	s21 =	simm.s32 $0x40;
	s0 =	simm.s32 $0x4400  }
0x18: {  	s16 =	simm.s32 $0x0;
	s25 =	sadd.s32 s23, s6;
	[dreg:$0xe] =	wrdreg s20  }
0x19: {  	s3 =	sadd.s32 s23, s5;
	s23 =	simm.s32 $0x400;
	[dreg:$0xc] =	wrdreg s25  }
0x1a: {  	v0 =	vimm.f32 $0.0e+00;
	v1 =	vlaneseq.u32;
	[dreg:$0xd] =	wrdreg s3;
	s25 =	simm.s32 $0x200;
	s3 =	simm.s32 $0x1  }
.LBB2_1:
0x1b: {  	[dreg:$0x10] =	wrdreg s16;
	s16 =	simm.s32 $0x0;
	s17 =	simm.s32 $0x200  }
.LBB2_2:
0x1c: {  	p0 =	sne.s32 s17, $0x7E00;
	[tilespmem:s16+$0x470] =	vst v0  }
0x1d: {  	[tilespmem:s16+$0x400] =	vst v0  }
0x1e: {  	[tilespmem:s16+$0x410] =	vst v0  }
.Ltmp0:
0x1f: {  	[tilespmem:s16+$0x420] =	vst v0;
	(pc) =	sbr.rel @p0 .LBB2_2-.Ltmp0, $4  }
0x20: {  	[tilespmem:s16+$0x430] =	vst v0  }
0x21: {  	[tilespmem:s16+$0x440] =	vst v0  }
0x22: {  	[tilespmem:s16+$0x450] =	vst v0  }
0x23: {  	[tilespmem:s16+$0x460] =	vst v0;
	s16 =	sshra.s32 s17, $0x2;
	s17 =	sadd.s32 $0x200, s17  }
0x24: {  	[tilespmem:s16+$0x470] =	vst v0  }
0x25: {  	[tilespmem:s16+$0x400] =	vst v0  }
0x26: {  	[tilespmem:s16+$0x410] =	vst v0  }
0x27: {  	[tilespmem:s16+$0x420] =	vst v0  }
0x28: {  	[tilespmem:s16+$0x430] =	vst v0  }
0x29: {  	[tilespmem:s16+$0x440] =	vst v0  }
0x2a: {  	[tilespmem:s16+$0x450] =	vst v0;
	s17 =	sadd.s32 $0x0, s7  }
0x2b: {  	[tilespmem:s16+$0x460] =	vst v0;
	v2 =	vor.u32 s17, v1;
	s20 =	sadd.s32 $0x30, s17  }
0x2c: {  	s18 =	sadd.s32 $0x20, s17;
	[tilespmem:$0x8400] =	vst v2;
	v3 =	vor.u32 s20, v1  }
0x2d: {  	s16 =	simm.s32 $0x40;
	s17 =	sadd.s32 $0x10, s17;
	v2 =	vor.u32 s18, v1;
	[tilespmem:$0x8430] =	vst v3  }
.LBB2_4:
0x2e: {  	p0 =	sne.s32 s16, $0x240;
	v3 =	vor.u32 s17, v1;
	[tilespmem:$0x8420] =	vst v2  }
0x2f: {  	[tilespmem:$0x8410] =	vst v3;
	[spmem:s2] =	stream.indirect.scatter [tilespmem:s23], [sflag:$0x5], $0x80, s12, s21, $0xb8  }
.Ltmp1:
0x30: {  	_ =	swait.ge [sflag:s24], $0x2000;
	(pc) =	sbr.rel @p0 .LBB2_4-.Ltmp1, $4  }
0x31: {  	s17 =	sadd.s32 s16, s7;
	[sflag:s24] =	ssyncset.done $0x0  }
0x32: {  	v2 =	vor.u32 s17, v1;
	s18 =	sadd.s32 $0x30, s17;
	[sflag:s24] =	ssyncadd.s32 $0xFFFFE000  }
0x33: {  	s20 =	sadd.s32 $0x20, s17;
	v3 =	vor.u32 s18, v1;
	[tilespmem:$0x8400] =	vst v2  }
0x34: {  	s16 =	sadd.s32 $0x40, s16;
	s17 =	sadd.s32 $0x10, s17;
	v2 =	vor.u32 s20, v1;
	[tilespmem:$0x8430] =	vst v3  }
0x35: {  	v3 =	vor.u32 s17, v1;
	[tilespmem:$0x8420] =	vst v2  }
0x36: {  	[tilespmem:$0x8410] =	vst v3  }
0x37: {  	[spmem:s2] =	stream.indirect.scatter [tilespmem:s23], [sflag:$0x5], $0x80, s12, s21, $0xb8;
	[tilespmem:$0x1C480] =	vst v63  }
0x38: {  	_ =	swait.ge [sflag:s24], $0x2000  }
0x39: {  	[sflag:s24] =	ssyncset.done $0x0  }
0x3a: {  	[sflag:s24] =	ssyncadd.s32 $0xFFFFE000  }
0x3b: {  	[bflag:$0x0] =	sbarrier.arrive $0xFFFF  }
0x3c: {  	s16 =	simm.s32 $0x0;
	s7 =	rddreg [dreg:$0x5]  }
0x3d: {  	[tilespmem:s16], [sflag:$0x5] =	stream.linear.gather [hbm4b:s7+s16], $0x40, $0x38;
	[tilespmem:$0x1C480] =	vst v63  }
0x3e: {  	_ =	swait.ge [sflag:s24], $0x40  }
0x3f: {  	[sflag:s24] =	ssyncset.done $0x0  }
0x40: {  	s8 =	rddreg [dreg:$0x6];
	[sflag:s24] =	ssyncadd.s32 $0xFFFFFFC0  }
0x41: {  	[tilespmem:s25], [sflag:$0x5] =	stream.linear.gather [hbm4b:s8+s16], $0x40, $0x38;
	[tilespmem:$0x1C480] =	vst v63  }
0x42: {  	_ =	swait.ge [sflag:s24], $0x40  }
0x43: {  	[sflag:s24] =	ssyncset.done $0x0  }
0x44: {  	[sflag:s24] =	ssyncadd.s32 $0xFFFFFFC0  }
0x45: {  	[tilespmem:s23], [sflag:$0x1] =	stream.indirect.gather [hbm4b:s1+s21], $0x80, s16, s21, $0xb8;
	[tilespmem:$0x1C480] =	vst v63  }
0x46: {  	s12 =	rddreg [dreg:$0x7]  }
0x47: {  	[tilespmem:s26], [sflag:$0x5] =	stream.linear.gather [hbm4b:s12+s16], $0x40, $0x38;
	[tilespmem:$0x1C480] =	vst v63  }
0x48: {  	_ =	swait.ge [sflag:s24], $0x40  }
0x49: {  	[sflag:s24] =	ssyncset.done $0x0  }
0x4a: {  	s17 =	rddreg [dreg:$0x8];
	[sflag:s24] =	ssyncadd.s32 $0xFFFFFFC0  }
0x4b: {  	[tilespmem:s28], [sflag:$0x5] =	stream.linear.gather [hbm4b:s17+s16], $0x40, $0x38;
	[tilespmem:$0x1C480] =	vst v63  }
0x4c: {  	_ =	swait.ge [sflag:s24], $0x40  }
0x4d: {  	[sflag:s24] =	ssyncset.done $0x0  }
0x4e: {  	[sflag:s24] =	ssyncadd.s32 $0xFFFFFFC0  }
0x4f: {  	[tilespmem:s29], [sflag:$0x2] =	stream.indirect.gather [hbm4b:s1+s21], $0x80, s26, s21, $0xb8;
	[tilespmem:$0x1C480] =	vst v63  }
0x50: {  	s18 =	rddreg [dreg:$0x9]  }
0x51: {  	[tilespmem:s30], [sflag:$0x5] =	stream.linear.gather [hbm4b:s18+s16], $0x40, $0x38;
	[tilespmem:$0x1C480] =	vst v63  }
0x52: {  	_ =	swait.ge [sflag:s24], $0x40  }
0x53: {  	[sflag:s24] =	ssyncset.done $0x0  }
0x54: {  	s20 =	rddreg [dreg:$0xa];
	[sflag:s24] =	ssyncadd.s32 $0xFFFFFFC0  }
0x55: {  	[tilespmem:s31], [sflag:$0x5] =	stream.linear.gather [hbm4b:s20+s16], $0x40, $0x38;
	[tilespmem:$0x1C480] =	vst v63  }
0x56: {  	_ =	swait.ge [sflag:s24], $0x40  }
0x57: {  	[sflag:s24] =	ssyncset.done $0x0  }
0x58: {  	[sflag:s24] =	ssyncadd.s32 $0xFFFFFFC0  }
0x59: {  	[tilespmem:s0], [sflag:$0x3] =	stream.indirect.gather [hbm4b:s1+s21], $0x80, s30, s21, $0xb8;
	[tilespmem:$0x1C480] =	vst v63  }
0x5a: {  	_ =	swait.ge [sflag:s3], $0x2000  }
0x5b: {  	[sflag:s3] =	ssyncset.done $0x0  }
0x5c: {  	[sflag:s3] =	ssyncadd.s32 $0xFFFFE000  }
0x5d: {  	[spmem:s2] =	stream.indirect.scatter.add.f32 [tilespmem:s23], [sflag:$0x5], $0x80, s25, s21, $0xb8;
	[tilespmem:$0x1C480] =	vst v63  }
0x5e: {  	_ =	swait.ge [sflag:s24], $0x2000  }
0x5f: {  	[sflag:s24] =	ssyncset.done $0x0  }
0x60: {  	s20 =	rddreg [dreg:$0xd];
	[sflag:s24] =	ssyncadd.s32 $0xFFFFE000  }
0x61: {  	[tilespmem:s9], [sflag:$0x5] =	stream.linear.gather [hbm4b:s20+s4], $0x40, $0x38;
	[tilespmem:$0x1C480] =	vst v63  }
0x62: {  	_ =	swait.ge [sflag:s24], $0x40  }
0x63: {  	[sflag:s24] =	ssyncset.done $0x0  }
0x64: {  	s8 =	rddreg [dreg:$0xc];
	[sflag:s24] =	ssyncadd.s32 $0xFFFFFFC0  }
0x65: {  	[tilespmem:s10], [sflag:$0x5] =	stream.linear.gather [hbm4b:s8+s4], $0x40, $0x38;
	[tilespmem:$0x1C480] =	vst v63  }
0x66: {  	_ =	swait.ge [sflag:s24], $0x40  }
0x67: {  	[sflag:s24] =	ssyncset.done $0x0  }
0x68: {  	[sflag:s24] =	ssyncadd.s32 $0xFFFFFFC0  }
0x69: {  	[tilespmem:s11], [sflag:$0x4] =	stream.indirect.gather [hbm4b:s1+s21], $0x80, s9, s21, $0xb8;
	[tilespmem:$0x1C480] =	vst v63  }
0x6a: {  	s12 =	sadd.s32 $0x0, s22;
	_ =	swait.ge [sflag:s13], $0x2000  }
0x6b: {  	s17 =	sadd.s32 $0x100, s12;
	[sflag:s13] =	ssyncset.done $0x0  }
0x6c: {  	p0 =	slt.s32 s17, s19;
	s18 =	smov.u32 s19;
	[sflag:s13] =	ssyncadd.s32 $0xFFFFE000  }
0x6d: {  	[spmem:s2] =	stream.indirect.scatter.add.f32 [tilespmem:s29], [sflag:$0x5], $0x80, s28, s21, $0xb8;
	[tilespmem:$0x1C480] =	vst v63  }
0x6e: {  	s18 =	smov.u32 @p0 s17;
	_ =	swait.ge [sflag:s24], $0x2000  }
0x6f: {  	s17 =	sshrl.u32 s18, $0x3;
	[sflag:s24] =	ssyncset.done $0x0  }
0x70: {  	s18 =	sadd.s32 s5, s17;
	[sflag:s24] =	ssyncadd.s32 $0xFFFFE000  }
0x71: {  	[tilespmem:s4], [sflag:$0x5] =	stream.linear.gather [hbm4b:s18+s4], $0x40, $0x38;
	[tilespmem:$0x1C480] =	vst v63  }
0x72: {  	_ =	swait.ge [sflag:s24], $0x40  }
0x73: {  	[sflag:s24] =	ssyncset.done $0x0  }
0x74: {  	s17 =	sadd.s32 s6, s17;
	[sflag:s24] =	ssyncadd.s32 $0xFFFFFFC0  }
0x75: {  	[tilespmem:s25], [sflag:$0x5] =	stream.linear.gather [hbm4b:s17+s4], $0x40, $0x38;
	[tilespmem:$0x1C480] =	vst v63  }
0x76: {  	_ =	swait.ge [sflag:s24], $0x40  }
0x77: {  	[sflag:s24] =	ssyncset.done $0x0  }
0x78: {  	[sflag:s24] =	ssyncadd.s32 $0xFFFFFFC0  }
0x79: {  	[tilespmem:s23], [sflag:$0x1] =	stream.indirect.gather [hbm4b:s1+s21], $0x80, s4, s21, $0xb8;
	[tilespmem:$0x1C480] =	vst v63  }
0x7a: {  	_ =	swait.ge [sflag:s14], $0x2000  }
0x7b: {  	s17 =	sadd.s32 $0x140, s12;
	[sflag:s14] =	ssyncset.done $0x0  }
0x7c: {  	s18 =	smov.u32 s19;
	p0 =	slt.s32 s17, s19;
	[sflag:s14] =	ssyncadd.s32 $0xFFFFE000  }
0x7d: {  	[spmem:s2] =	stream.indirect.scatter.add.f32 [tilespmem:s0], [sflag:$0x5], $0x80, s31, s21, $0xb8;
	[tilespmem:$0x1C480] =	vst v63  }
0x7e: {  	s18 =	smov.u32 @p0 s17;
	_ =	swait.ge [sflag:s24], $0x2000  }
0x7f: {  	s17 =	sshrl.u32 s18, $0x3;
	[sflag:s24] =	ssyncset.done $0x0  }
0x80: {  	s18 =	sadd.s32 s5, s17;
	[sflag:s24] =	ssyncadd.s32 $0xFFFFE000  }
0x81: {  	[tilespmem:s26], [sflag:$0x5] =	stream.linear.gather [hbm4b:s18+s4], $0x40, $0x38;
	[tilespmem:$0x1C480] =	vst v63  }
0x82: {  	_ =	swait.ge [sflag:s24], $0x40  }
0x83: {  	[sflag:s24] =	ssyncset.done $0x0  }
0x84: {  	s17 =	sadd.s32 s6, s17;
	[sflag:s24] =	ssyncadd.s32 $0xFFFFFFC0  }
0x85: {  	[tilespmem:s28], [sflag:$0x5] =	stream.linear.gather [hbm4b:s17+s4], $0x40, $0x38;
	[tilespmem:$0x1C480] =	vst v63  }
0x86: {  	_ =	swait.ge [sflag:s24], $0x40  }
0x87: {  	[sflag:s24] =	ssyncset.done $0x0  }
0x88: {  	[sflag:s24] =	ssyncadd.s32 $0xFFFFFFC0  }
0x89: {  	[tilespmem:s29], [sflag:$0x2] =	stream.indirect.gather [hbm4b:s1+s21], $0x80, s26, s21, $0xb8;
	[tilespmem:$0x1C480] =	vst v63  }
0x8a: {  	_ =	swait.ge [sflag:s15], $0x2000  }
0x8b: {  	s16 =	sadd.s32 $0x180, s12;
	[sflag:s15] =	ssyncset.done $0x0  }
0x8c: {  	p0 =	slt.s32 s16, s19;
	s17 =	smov.u32 s19;
	[sflag:s15] =	ssyncadd.s32 $0xFFFFE000  }
0x8d: {  	[spmem:s2] =	stream.indirect.scatter.add.f32 [tilespmem:s11], [sflag:$0x5], $0x80, s10, s21, $0xb8;
	[tilespmem:$0x1C480] =	vst v63  }
0x8e: {  	s17 =	smov.u32 @p0 s16;
	_ =	swait.ge [sflag:s24], $0x2000  }
0x8f: {  	s16 =	sshrl.u32 s17, $0x3;
	[sflag:s24] =	ssyncset.done $0x0  }
0x90: {  	s17 =	sadd.s32 s5, s16;
	[sflag:s24] =	ssyncadd.s32 $0xFFFFE000  }
0x91: {  	[tilespmem:s30], [sflag:$0x5] =	stream.linear.gather [hbm4b:s17+s4], $0x40, $0x38;
	[tilespmem:$0x1C480] =	vst v63  }
0x92: {  	_ =	swait.ge [sflag:s24], $0x40  }
0x93: {  	[sflag:s24] =	ssyncset.done $0x0  }
0x94: {  	s16 =	sadd.s32 s6, s16;
	[sflag:s24] =	ssyncadd.s32 $0xFFFFFFC0  }
0x95: {  	[tilespmem:s31], [sflag:$0x5] =	stream.linear.gather [hbm4b:s16+s4], $0x40, $0x38;
	[tilespmem:$0x1C480] =	vst v63  }
0x96: {  	_ =	swait.ge [sflag:s24], $0x40  }
0x97: {  	s18 =	smov.u32 s8;
	s17 =	simm.s32 $0x100;
	[sflag:s24] =	ssyncset.done $0x0  }
.LBB2_6:
0x98: {  	[sflag:s24] =	ssyncadd.s32 $0xFFFFFFC0  }
0x99: {  	s18 =	sadd.s32 $0x20, s18;
	s20 =	sadd.s32 $0x20, s20;
	s16 =	smov.u32 s17  }
0x9a: {  	[tilespmem:s0], [sflag:$0x3] =	stream.indirect.gather [hbm4b:s1+s21], $0x80, s30, s21, $0xb8;
	[tilespmem:$0x1C480] =	vst v63  }
0x9b: {  	p0 =	sne.s32 s17, $0x2700;
	s17 =	sadd.s32 $0x100, s17;
	_ =	swait.ge [sflag:s3], $0x2000  }
0x9c: {  	[sflag:s3] =	ssyncset.done $0x0  }
0x9d: {  	[sflag:s3] =	ssyncadd.s32 $0xFFFFE000  }
0x9e: {  	[spmem:s2] =	stream.indirect.scatter.add.f32 [tilespmem:s23], [sflag:$0x5], $0x80, s25, s21, $0xb8;
	[tilespmem:$0x1C480] =	vst v63  }
0x9f: {  	_ =	swait.ge [sflag:s24], $0x2000  }
0xa0: {  	[sflag:s24] =	ssyncset.done $0x0  }
0xa1: {  	[sflag:s24] =	ssyncadd.s32 $0xFFFFE000  }
0xa2: {  	[tilespmem:s9], [sflag:$0x5] =	stream.linear.gather [hbm4b:s20+s4], $0x40, $0x38;
	[tilespmem:$0x1C480] =	vst v63  }
0xa3: {  	_ =	swait.ge [sflag:s24], $0x40  }
0xa4: {  	[sflag:s24] =	ssyncset.done $0x0  }
0xa5: {  	[sflag:s24] =	ssyncadd.s32 $0xFFFFFFC0  }
0xa6: {  	[tilespmem:s10], [sflag:$0x5] =	stream.linear.gather [hbm4b:s18+s4], $0x40, $0x38;
	[tilespmem:$0x1C480] =	vst v63  }
0xa7: {  	_ =	swait.ge [sflag:s24], $0x40  }
0xa8: {  	[sflag:s24] =	ssyncset.done $0x0  }
0xa9: {  	[sflag:s24] =	ssyncadd.s32 $0xFFFFFFC0  }
0xaa: {  	[tilespmem:s11], [sflag:$0x4] =	stream.indirect.gather [hbm4b:s1+s21], $0x80, s9, s21, $0xb8;
	[tilespmem:$0x1C480] =	vst v63  }
0xab: {  	s8 =	smov.u32 s19;
	s16 =	sadd.s32 s16, s22;
	_ =	swait.ge [sflag:s13], $0x2000  }
0xac: {  	s7 =	sadd.s32 $0x100, s16;
	s12 =	sadd.s32 $0x140, s16;
	[sflag:s13] =	ssyncset.done $0x0  }
0xad: {  	p1 =	slt.s32 s7, s19;
	p2 =	slt.s32 s12, s19;
	[sflag:s13] =	ssyncadd.s32 $0xFFFFE000  }
0xae: {  	[spmem:s2] =	stream.indirect.scatter.add.f32 [tilespmem:s29], [sflag:$0x5], $0x80, s28, s21, $0xb8;
	[tilespmem:$0x1C480] =	vst v63  }
0xaf: {  	s8 =	smov.u32 @p1 s7;
	s7 =	smov.u32 s19;
	_ =	swait.ge [sflag:s24], $0x2000  }
0xb0: {  	s7 =	smov.u32 @p2 s12;
	[sflag:s24] =	ssyncset.done $0x0  }
0xb1: {  	s8 =	sshrl.u32 s8, $0x3;
	s7 =	sshrl.u32 s7, $0x3;
	[sflag:s24] =	ssyncadd.s32 $0xFFFFE000  }
0xb2: {  	s16 =	sadd.s32 $0x180, s16;
	s12 =	sadd.s32 s5, s8  }
0xb3: {  	[tilespmem:s4], [sflag:$0x5] =	stream.linear.gather [hbm4b:s12+s4], $0x40, $0x38;
	[tilespmem:$0x1C480] =	vst v63  }
0xb4: {  	p1 =	slt.s32 s16, s19;
	s12 =	smov.u32 s19;
	_ =	swait.ge [sflag:s24], $0x40  }
0xb5: {  	s8 =	sadd.s32 s6, s8;
	s12 =	smov.u32 @p1 s16;
	[sflag:s24] =	ssyncset.done $0x0  }
0xb6: {  	s16 =	sshrl.u32 s12, $0x3;
	[sflag:s24] =	ssyncadd.s32 $0xFFFFFFC0  }
0xb7: {  	[tilespmem:s25], [sflag:$0x5] =	stream.linear.gather [hbm4b:s8+s4], $0x40, $0x38;
	[tilespmem:$0x1C480] =	vst v63  }
0xb8: {  	_ =	swait.ge [sflag:s24], $0x40  }
0xb9: {  	[sflag:s24] =	ssyncset.done $0x0  }
0xba: {  	[sflag:s24] =	ssyncadd.s32 $0xFFFFFFC0  }
0xbb: {  	[tilespmem:s23], [sflag:$0x1] =	stream.indirect.gather [hbm4b:s1+s21], $0x80, s4, s21, $0xb8;
	[tilespmem:$0x1C480] =	vst v63  }
0xbc: {  	_ =	swait.ge [sflag:s14], $0x2000  }
0xbd: {  	[sflag:s14] =	ssyncset.done $0x0  }
0xbe: {  	[sflag:s14] =	ssyncadd.s32 $0xFFFFE000  }
0xbf: {  	[spmem:s2] =	stream.indirect.scatter.add.f32 [tilespmem:s0], [sflag:$0x5], $0x80, s31, s21, $0xb8;
	[tilespmem:$0x1C480] =	vst v63  }
0xc0: {  	_ =	swait.ge [sflag:s24], $0x2000  }
0xc1: {  	s8 =	sadd.s32 s5, s7;
	[sflag:s24] =	ssyncset.done $0x0  }
0xc2: {  	[sflag:s24] =	ssyncadd.s32 $0xFFFFE000  }
0xc3: {  	[tilespmem:s26], [sflag:$0x5] =	stream.linear.gather [hbm4b:s8+s4], $0x40, $0x38;
	[tilespmem:$0x1C480] =	vst v63  }
0xc4: {  	_ =	swait.ge [sflag:s24], $0x40  }
0xc5: {  	s7 =	sadd.s32 s6, s7;
	[sflag:s24] =	ssyncset.done $0x0  }
0xc6: {  	[sflag:s24] =	ssyncadd.s32 $0xFFFFFFC0  }
0xc7: {  	[tilespmem:s28], [sflag:$0x5] =	stream.linear.gather [hbm4b:s7+s4], $0x40, $0x38;
	[tilespmem:$0x1C480] =	vst v63  }
0xc8: {  	_ =	swait.ge [sflag:s24], $0x40  }
0xc9: {  	[sflag:s24] =	ssyncset.done $0x0  }
0xca: {  	[sflag:s24] =	ssyncadd.s32 $0xFFFFFFC0  }
0xcb: {  	[tilespmem:s29], [sflag:$0x2] =	stream.indirect.gather [hbm4b:s1+s21], $0x80, s26, s21, $0xb8;
	[tilespmem:$0x1C480] =	vst v63  }
0xcc: {  	_ =	swait.ge [sflag:s15], $0x2000  }
0xcd: {  	[sflag:s15] =	ssyncset.done $0x0  }
0xce: {  	[sflag:s15] =	ssyncadd.s32 $0xFFFFE000  }
0xcf: {  	[spmem:s2] =	stream.indirect.scatter.add.f32 [tilespmem:s11], [sflag:$0x5], $0x80, s10, s21, $0xb8;
	[tilespmem:$0x1C480] =	vst v63  }
0xd0: {  	_ =	swait.ge [sflag:s24], $0x2000  }
0xd1: {  	s7 =	sadd.s32 s5, s16;
	[sflag:s24] =	ssyncset.done $0x0  }
0xd2: {  	[sflag:s24] =	ssyncadd.s32 $0xFFFFE000  }
0xd3: {  	[tilespmem:s30], [sflag:$0x5] =	stream.linear.gather [hbm4b:s7+s4], $0x40, $0x38;
	[tilespmem:$0x1C480] =	vst v63  }
0xd4: {  	_ =	swait.ge [sflag:s24], $0x40  }
.Ltmp2:
0xd5: {  	s7 =	sadd.s32 s6, s16;
	[sflag:s24] =	ssyncset.done $0x0;
	(pc) =	sbr.rel @p0 .LBB2_6-.Ltmp2, $4  }
0xd6: {  	[sflag:s24] =	ssyncadd.s32 $0xFFFFFFC0  }
0xd7: {  	[tilespmem:s31], [sflag:$0x5] =	stream.linear.gather [hbm4b:s7+s4], $0x40, $0x38;
	[tilespmem:$0x1C480] =	vst v63  }
0xd8: {  	_ =	swait.ge [sflag:s24], $0x40  }
0xd9: {  	[sflag:s24] =	ssyncset.done $0x0  }
0xda: {  	[sflag:s24] =	ssyncadd.s32 $0xFFFFFFC0  }
0xdb: {  	[tilespmem:s0], [sflag:$0x3] =	stream.indirect.gather [hbm4b:s1+s21], $0x80, s30, s21, $0xb8;
	[tilespmem:$0x1C480] =	vst v63  }
0xdc: {  	_ =	swait.ge [sflag:s3], $0x2000  }
0xdd: {  	[sflag:s3] =	ssyncset.done $0x0  }
0xde: {  	[sflag:s3] =	ssyncadd.s32 $0xFFFFE000  }
0xdf: {  	_ =	swait.ge [sflag:s13], $0x2000  }
0xe0: {  	[sflag:s13] =	ssyncset.done $0x0  }
0xe1: {  	[sflag:s13] =	ssyncadd.s32 $0xFFFFE000  }
0xe2: {  	_ =	swait.ge [sflag:s14], $0x2000  }
0xe3: {  	[sflag:s14] =	ssyncset.done $0x0  }
0xe4: {  	[sflag:s14] =	ssyncadd.s32 $0xFFFFE000  }
0xe5: {  	[bflag:$0x0] =	sbarrier.arrive $0xFFFF  }
0xe6: {  	s17 =	rddreg [dreg:$0xf]  }
0xe7: {  	s7 =	sadd.s32 $0xFFFFFFF0, s17;
	v2 =	vor.u32 s17, v1  }
0xe8: {  	s8 =	sadd.s32 $0xFFFFFFE0, s17;
	v3 =	vor.u32 s7, v1;
	[tilespmem:$0x8430] =	vst v2  }
0xe9: {  	s12 =	sadd.s32 $0xFFFFFFD0, s17;
	v2 =	vor.u32 s8, v1;
	[tilespmem:$0x8420] =	vst v3  }
0xea: {  	v3 =	vor.u32 s12, v1;
	[tilespmem:$0x8410] =	vst v2  }
0xeb: {  	s16 =	simm.s32 $0x8400;
	[tilespmem:$0x8400] =	vst v3  }
0xec: {  	[tilespmem:s23], [sflag:$0x1] =	stream.indirect.gather [spmem:s2], $0x80, s16, s21, $0xb8;
	[tilespmem:$0x1C480] =	vst v63  }
0xed: {  	_ =	swait.ge [sflag:s3], $0x2000  }
0xee: {  	[sflag:s3] =	ssyncset.done $0x0;
	s20 =	rddreg [dreg:$0xe]  }
0xef: {  	s16 =	simm.s32 $0x400;
	s18 =	sadd.s32 $0x0, s20;
	[sflag:s3] =	ssyncadd.s32 $0xFFFFE000  }
0xf0: {  	[hbm4b:s18+s4] =	stream.linear.scatter [tilespmem:s23], [sflag:$0x5], $0x2000, $0x38;
	[tilespmem:$0x1C480] =	vst v63  }
.LBB2_8:
0xf1: {  	p0 =	sne.s32 s16, $0x2400  }
0xf2: {  	_ =	swait.ge [sflag:s24], $0x2000;
	s17 =	sadd.s32 $0x40, s17;
	s7 =	smov.u32 s16  }
0xf3: {  	s16 =	sadd.s32 $0x400, s16;
	s8 =	sadd.s32 $0xFFFFFFD0, s17;
	[sflag:s24] =	ssyncset.done $0x0  }
0xf4: {  	s12 =	sadd.s32 $0xFFFFFFE0, s17;
	s18 =	sadd.s32 $0xFFFFFFF0, s17;
	v2 =	vor.u32 s17, v1;
	[sflag:s24] =	ssyncadd.s32 $0xFFFFE000  }
0xf5: {  	v3 =	vor.u32 s8, v1;
	v4 =	vor.u32 s12, v1;
	s12 =	simm.s32 $0x8400;
	v5 =	vor.u32 s18, v1;
	[tilespmem:$0x8430] =	vst v2  }
0xf6: {  	[tilespmem:$0x8420] =	vst v5  }
0xf7: {  	[tilespmem:$0x8410] =	vst v4  }
0xf8: {  	[tilespmem:$0x8400] =	vst v3  }
0xf9: {  	[tilespmem:s23], [sflag:$0x1] =	stream.indirect.gather [spmem:s2], $0x80, s12, s21, $0xb8;
	[tilespmem:$0x1C480] =	vst v63  }
.Ltmp3:
0xfa: {  	_ = 	snop;
	(pc) =	sbr.rel @p0 .LBB2_8-.Ltmp3, $4  }
0xfb: {  	_ =	swait.ge [sflag:s3], $0x2000  }
0xfc: {  	s7 =	sadd.s32 s7, s20;
	[sflag:s3] =	ssyncset.done $0x0  }
0xfd: {  	[sflag:s3] =	ssyncadd.s32 $0xFFFFE000  }
0xfe: {  	[hbm4b:s7+s4] =	stream.linear.scatter [tilespmem:s23], [sflag:$0x5], $0x2000, $0x38;
	[tilespmem:$0x1C480] =	vst v63  }
0xff: {  	_ =	swait.ge [sflag:s24], $0x2000  }
0x100: {  	s16 =	rddreg [dreg:$0x10]  }
0x101: {  	s7 =	rddreg [dreg:$0xb];
	s16 =	sadd.s32 $0x1, s16  }
0x102: {  	p0 =	sne.s32 s16, s7  }
.Ltmp4:
0x103: {  	_ = 	snop;
	(pc) =	sbr.rel @p0 .LBB2_1-.Ltmp4, $3  }
0x104: {  	_ =	sdelay $0x1  }
0x105: {  	[sflag:s24] =	ssyncset.done $0x0  }
0x106: {  	[sflag:s24] =	ssyncadd.s32 $0xFFFFE000;
	s7 =	rddreg [dreg:$0x4]  }
0x107: {  	_ =	sfence.sel $0x180000  }
0x108: {  	[bflag:$0x0] =	sbarrier.arrive $0xFFFF  }
0x109: {  	_ =	strace $0x90000047  }
0x10a: {  	s0 =	stileid.u32;
	[bflag:$0x2] =	sbarrier.arrive $0xFFFF  }
0x10b: {  	p0 =	sne.s32 s0, $0x0;
	s0 =	rddreg [dreg:$0x3]  }
0x10c: {  	s0 =	sadd.s32 @!p0 $0x100000, s0  }
0x10d: {  	[sflag:s0] =	ssyncadd.tile.s32 @!p0 $0x1;
	_ =	shalt  }
.Lfunc_end2:
_tile_overlayer_lowered:
.L_overlay_start_2:
0x10e: {  	(tag) =	ssettag $0x2  }
0x10f: {  	s0 =	rddreg [dreg:$0x0];
	s2 =	stileid.u32  }
0x110: {  	s1 =	rddreg [dreg:$0x1];
	p0 =	sne.s32 s2, $0x0  }
0x111: {  	s3 =	rddreg [dreg:$0x2];
	[bflag:$0x3] =	sbarrier.arrive $0xFFFF;
	s2 =	simm.s32 @!p0 $0x1C05  }
0x112: {  	[timem:s3], [sflag:s2] =	dma.local @!p0 [hbm:s0], s1  }
0x113: {  	s0 =	simm.s32 @!p0 $0x5  }
0x114: {  	_ =	swait.ge @!p0 [sflag:s0], s1  }
0x115: {  	s1 =	ssub.s32 @!p0 $0x0, s1;
	[sflag:s0] =	ssyncset.done @!p0 $0x0  }
0x116: {  	[sflag:s0] =	ssyncadd.s32 @!p0 s1  }
0x117: {  	[bflag:$0x3] =	sbarrier.arrive $0xFFFF  }
0x118: {  	_ =	shalt  }

// kernel: kernel.13.cloned.1.call-start
scs
__scs_entry_jumppad:
0x0: {  	(pc) =	sbr.rel $0x88, $3  }
0x1: {  	(tag) =	ssettag $0x0;
	lr =	simm.s32 $0x1  }
0x2: {  	[smem:$0x3F97] =	sst lr;
	_ =	strace $0xD0000000  }
0x3: {  	_ = 	snop  }
0x4: {  	_ = 	snop  }
0x5: {  	_ = 	snop  }
0x6: {  	_ = 	snop  }
0x7: {  	_ = 	snop  }
__scs_overlays_trampoline_lowered:
0x8: {  	[smem:$0x3FA6] =	sst s0  }
0x9: {  	[smem:$0x3FA7] =	sst s1  }
0xa: {  	[smem:$0x3FA8] =	sst s2  }
0xb: {  	[smem:$0x3FA9] =	sst s3  }
0xc: {  	[smem:$0x3FAA] =	sst s4  }
0xd: {  	[smem:$0x3FAB] =	sst s5  }
0xe: {  	[smem:$0x3FAC] =	sst s6  }
0xf: {  	[smem:$0x3FAD] =	sst s7  }
0x10: {  	[smem:$0x3FAE] =	sst s8  }
0x11: {  	[smem:$0x3FAF] =	sst s9;
	s0 =	simm.s32 @!p0 $0x0  }
0x12: {  	s1 =	sld [smem:$0x3F95];
	s0 =	simm.s32 @p0 $0x1  }
0x13: {  	[smem:$0x3FB0] =	sst s0;
	s0 =	simm.s32 @!p1 $0x0  }
0x14: {  	s2 =	sld [smem:$0x3F94];
	s0 =	simm.s32 @p1 $0x1  }
0x15: {  	[smem:$0x3FB1] =	sst s0;
	s0 =	simm.s32 @!p2 $0x0  }
0x16: {  	s3 =	sld [smem:$0x3FDB];
	s0 =	simm.s32 @p2 $0x1  }
0x17: {  	s4 =	simm.s32 $0x1BF5;
	[smem:$0x3FB3] =	sst s0  }
0x18: {  	s0 =	sld [smem:$0x3F96];
	_ =	swait.ge [sflag:s4], $0x0  }
0x19: {  	s7 =	sld [smem:$0x3F97]  }
0x1a: {  	s8 =	sadd.s32 $0xFFFFE003, lr  }
0x1b: {  	s9 =	sadd.s32 $0xFFFFFEF7, lr;
	s5 =	simm.s32 $0xFFFFFFFF;
	p2 =	slt.u32 s8, $0xFFFFF086  }
0x1c: {  	p1 =	slt.u32 s9, $0xF7A;
	s5 =	simm.s32 @!p2 $0x0  }
0x1d: {  	s5 =	simm.s32 @p1 $0x1;
	p0 =	seq.s32 s7, s2  }
0x1e: {  	s7 =	smul.u32 @!p0 $0xF7A, s2;
	p2 =	seq.s32 @!p0 s5, $0x0  }
0x1f: {  	s9 =	smul.u32 $0xF7A, s1;
	s8 =	simm.s32 @!p0 $0x1BF5;
	p2 =	por !p2, p0  }
0x20: {  	[sflag:s8] =	ssyncset.s32 @!p0 $0xFFFFF086;
	s6 =	sadd.s32 @!p0 s3, s7;
	s7 =	simm.s32 @!p0 $0x108  }
0x21: {  	s3 =	sadd.s32 s3, s9;
	s6 =	sadd.s32 @!p0 $0x88, s6;
	s7 =	simm.s32 @p2 $0x1082  }
0x22: {  	[simem:s7], [sflag:s8] =	dma.local @!p0 [hbm:s6], $0xF7A  }
0x23: {  	s9 =	sor.u32 $0xD0000000, s2;
	s6 =	simm.s32 $0x108;
	_ =	swait.ge @!p0 [sflag:s8], $0x0  }
0x24: {  	s3 =	sadd.s32 $0x88, s3;
	s6 =	simm.s32 @!p1 $0x1082;
	[sflag:s4] =	ssyncset.s32 $0xFFFFF086  }
0x25: {  	[simem:s6], [sflag:s4] =	dma.local [hbm:s3], $0xF7A  }
0x26: {  	[smem:$0x3F97] =	sst s1;
	(tag) =	ssettag s2;
	_ =	strace s9  }
0x27: {  	s1 =	sld [smem:$0x3FA7]  }
0x28: {  	s2 =	sld [smem:$0x3FA8]  }
0x29: {  	s4 =	sld [smem:$0x3FAA]  }
0x2a: {  	p0 =	seq.s32 s5, $0x0;
	s5 =	sld [smem:$0x3FAB]  }
0x2b: {  	s6 =	sld [smem:$0x3FAC]  }
0x2c: {  	s7 =	sld [smem:$0x3FAD]  }
0x2d: {  	s3 =	simm.s32 $0x108;
	s8 =	sld [smem:$0x3FAE]  }
0x2e: {  	s3 =	simm.s32 @!p0 $0x1082;
	s9 =	sld [smem:$0x3FAF]  }
0x2f: {  	lr =	sadd.s32 s0, s3;
	s0 =	sld [smem:$0x3FA6]  }
0x30: {  	s3 =	sld [smem:$0x3FA9]  }
0x31: {  	[smem:$0x3FB2] =	sst s10  }
0x32: {  	s10 =	sld [smem:$0x3FB0];
	_ =	sdelay $0x3  }
0x33: {  	p0 =	seq.s32 s10, $0x1;
	s10 =	sld [smem:$0x3FB2];
	_ =	sdelay $0x3  }
0x34: {  	[smem:$0x3FB2] =	sst s10  }
0x35: {  	s10 =	sld [smem:$0x3FB1];
	_ =	sdelay $0x3  }
0x36: {  	p1 =	seq.s32 s10, $0x1;
	s10 =	sld [smem:$0x3FB2];
	_ =	sdelay $0x3  }
0x37: {  	[smem:$0x3FB2] =	sst s10  }
0x38: {  	s10 =	sld [smem:$0x3FB3]  }
0x39: {  	_ = 	snop;
	(pc) =	sbr.ind lr, $3  }
0x3a: {  	_ = 	snop  }
0x3b: {  	_ = 	snop  }
0x3c: {  	p2 =	seq.s32 s10, $0x1;
	s10 =	sld [smem:$0x3FB2]  }
0x3d: {  	_ =	shalt  }
0x3e: {  	_ =	shalt  }
0x3f: {  	_ =	shalt  }
0x40: {  	_ =	shalt  }
0x41: {  	_ =	shalt  }
0x42: {  	_ =	shalt  }
0x43: {  	_ =	shalt  }
0x44: {  	_ =	shalt  }
0x45: {  	_ =	shalt  }
0x46: {  	_ =	shalt  }
0x47: {  	_ =	shalt  }
0x48: {  	_ =	shalt  }
0x49: {  	_ =	shalt  }
0x4a: {  	_ =	shalt  }
0x4b: {  	_ =	shalt  }
0x4c: {  	_ =	shalt  }
0x4d: {  	_ =	shalt  }
0x4e: {  	_ =	shalt  }
0x4f: {  	_ =	shalt  }
0x50: {  	_ =	shalt  }
0x51: {  	_ =	shalt  }
0x52: {  	_ =	shalt  }
0x53: {  	_ =	shalt  }
0x54: {  	_ =	shalt  }
0x55: {  	_ =	shalt  }
0x56: {  	_ =	shalt  }
0x57: {  	_ =	shalt  }
0x58: {  	_ =	shalt  }
0x59: {  	_ =	shalt  }
0x5a: {  	_ =	shalt  }
0x5b: {  	_ =	shalt  }
0x5c: {  	_ =	shalt  }
0x5d: {  	_ =	shalt  }
0x5e: {  	_ =	shalt  }
0x5f: {  	_ =	shalt  }
0x60: {  	_ =	shalt  }
0x61: {  	_ =	shalt  }
0x62: {  	_ =	shalt  }
0x63: {  	_ =	shalt  }
0x64: {  	_ =	shalt  }
0x65: {  	_ =	shalt  }
0x66: {  	_ =	shalt  }
0x67: {  	_ =	shalt  }
0x68: {  	_ =	shalt  }
0x69: {  	_ =	shalt  }
0x6a: {  	_ =	shalt  }
0x6b: {  	_ =	shalt  }
0x6c: {  	_ =	shalt  }
0x6d: {  	_ =	shalt  }
0x6e: {  	_ =	shalt  }
0x6f: {  	_ =	shalt  }
0x70: {  	_ =	shalt  }
0x71: {  	_ =	shalt  }
0x72: {  	_ =	shalt  }
0x73: {  	_ =	shalt  }
0x74: {  	_ =	shalt  }
0x75: {  	_ =	shalt  }
0x76: {  	_ =	shalt  }
0x77: {  	_ =	shalt  }
0x78: {  	_ =	shalt  }
0x79: {  	_ =	shalt  }
0x7a: {  	_ =	shalt  }
0x7b: {  	_ =	shalt  }
0x7c: {  	_ =	shalt  }
0x7d: {  	_ =	shalt  }
0x7e: {  	_ =	shalt  }
0x7f: {  	_ =	shalt  }
0x80: {  	_ =	shalt  }
0x81: {  	_ =	shalt  }
0x82: {  	_ =	shalt  }
0x83: {  	_ =	shalt  }
0x84: {  	_ =	shalt  }
0x85: {  	_ =	shalt  }
0x86: {  	_ =	shalt  }
0x87: {  	_ =	shalt  }
.Lfunc_end0:
.L_simem_size_0:
called_computation.2_lowered:
.L_overlay_start_0:
0x88: {  	s2 =	sld [smem:$0x3FD9]  }
0x89: {  	s3 =	sld [smem:$0x3FFE];
	_ =	sdelay $0x1  }
0x8a: {  	s1 =	srdreg.scid  }
0x8b: {  	s0 =	sand.u32 $0x1, s1  }
0x8c: {  	s16 =	sshll.u32 s0, $0xA;
	s2 =	sadd.s32 s3, s2  }
0x8d: {  	s2 =	sadd.s32 s2, s16  }
0x8e: {  	[smem:$0x3FBE] =	sst s2  }
0x8f: {  	_ = 	snop  }
0x90: {  	(tm) =	ssettm $0x1  }
0x91: {  	s17 =	sld [smem:$0x3FFB];
	_ =	sdelay $0x3  }
0x92: {  	_ =	strace s17  }
0x93: {  	s2 =	sld [smem:$0x3FFC];
	_ =	sdelay $0x3  }
0x94: {  	_ =	strace s2  }
0x95: {  	s2 =	sld [smem:$0x3FFD];
	_ =	sdelay $0x3  }
0x96: {  	_ =	strace s2  }
0x97: {  	_ =	strace $0x8FFFFFFF  }
0x98: {  	s18 =	sld [smem:$0x3FDB];
	_ =	sdelay $0x1  }
0x99: {  	s19 =	simm.s32 $_scs_section_size  }
0x9a: {  	s4 =	simm.s32 $_size__tile_overlayer_lowered;
	s5 =	simm.s32 $_tile_overlayer_lowered  }
0x9b: {  	s22 =	simm.s32 $0x1BFF;
	s21 =	sshll.u32 s5, $0x1;
	s2 =	sadd.s32 s19, s18  }
0x9c: {  	s6 =	simm.s32 $0x0;
	s20 =	sshll.u32 s4, $0x1;
	s4 =	sadd.s32 s21, s2  }
0x9d: {  	[timem:s6], [sflag:s22] =	dma.local [hbm:s4], s20  }
0x9e: {  	_ =	swait.ge [sflag:s22], s20  }
0x9f: {  	s3 =	ssub.s32 $0x0, s20;
	[sflag:s22] =	ssyncset.done $0x0  }
0xa0: {  	[sflag:s22] =	ssyncadd.s32 s3;
	_ =	sdelay $0x1  }
0xa1: {  	s23 =	simm.s32 $0x1B8B  }
0xa2: {  	_ =	swait.ge [sflag:s23], $0x1  }
0xa3: {  	[sflag:s23] =	ssyncset.done $0x0  }
0xa4: {  	s25 =	simm.s32 $0x1B8E;
	s24 =	sld [smem:$0x3FFE];
	[sflag:s23] =	ssyncadd.s32 $0xFFFFFFFF  }
0xa5: {  	s26 =	simm.s32 $execute0_lowered;
	[smem:$0x3FD2] =	sst s25  }
0xa6: {  	s4 =	sshll.u32 s26, $0x1;
	_ =	strace $0x8000004C;
	[dreg:$0x1] =	wrdreg $0xFFFFFFFF  }
0xa7: {  	s28 =	simm.s32 $_size_execute0_lowered;
	s2 =	sadd.s32 s2, s4;
	[dreg:$0x0] =	wrdreg $0x0  }
0xa8: {  	s4 =	sshll.u32 s28, $0x1;
	[dreg:$0x2] =	wrdreg s2  }
0xa9: {  	[dreg:$0x3] =	wrdreg s4  }
0xaa: {  	[dreg:$0x4] =	wrdreg $0xC0  }
0xab: {  	_ =	task [dreg:s6], $0x5FFFF  }
0xac: {  	[dreg:$0x1] =	wrdreg $0xFFFFFFFF  }
0xad: {  	[dreg:$0x0] =	wrdreg $0x60  }
0xae: {  	[dreg:$0x2] =	wrdreg s24  }
0xaf: {  	[dreg:$0x3] =	wrdreg $0x84800  }
0xb0: {  	[dreg:$0x4] =	wrdreg $0x9  }
0xb1: {  	_ =	task.clear_ibuf [dreg:s6], $0x5FFFF;
	_ =	strace $0x9000004C  }
0xb2: {  	s29 =	simm.s32 $0x9;
	_ =	strace $0x8000004E  }
0xb3: {  	_ =	swait.ge [sflag:s29], $0x1  }
0xb4: {  	[sflag:s29] =	ssyncadd.s32 $0xFFFFFFFF  }
0xb5: {  	_ =	strace $0x9000004E  }
0xb6: {  	_ =	sfence  }
0xb7: {  	s30 =	sld [smem:$0x0];
	_ =	sdelay $0x2  }
0xb8: {  	s31 =	sshll.u32 s1, $0xD;
	s1 =	sshrl.u32 s1, $0x2  }
0xb9: {  	s3 =	sand.u32 $0x4000, s31;
	s1 =	sadd.s32 s1, s30  }
0xba: {  	s0 =	sor.u32 s3, s0;
	s1 =	sshll.u32 s1, $0x11  }
0xbb: {  	s0 =	sor.u32 s1, s0  }
0xbc: {  	s0 =	sadd.s32 $0x8F2B, s0  }
0xbd: {  	[sflag:s0] =	ssyncadd.remote.s32 $0x1  }
0xbe: {  	_ =	sfence.sel $0xFFFF  }
0xbf: {  	[dreg:$0x0] =	wrdreg $0xFFFFFFFF;
	(pc) =	sbr.abs _section_cstart, $3  }
0xc0: {  	[dreg:$0x1] =	wrdreg $0xFFFFFFFF  }
0xc1: {  	_ =	task.clear_ibuf [dreg:s6], $0x2FFFF;
	_ =	strace $0x9FFFFFFF  }
0xc2: {  	(tm) =	ssettm $0x7FFFFFFF  }
0xc3: {  	_ =	shalt  }
tec
execute0_lowered:
.L_overlay_start_1:
0x0: {  	(tag) =	ssettag $0x1  }
0x1: {  	s0 =	rddreg [dreg:$0x0]  }
0x2: {  	s1 =	rddreg [dreg:$0x1]  }
0x3: {  	s3 =	simm.s32 $0x0;
	s2 =	srdreg.scid;
	s11 =	stileid.u32  }
0x4: {  	s28 =	simm.s32 $0x280;
	s29 =	simm.s32 $0x2400;
	s30 =	simm.s32 $0x100  }
0x5: {  	s31 =	simm.s32 $0x300;
	s2 =	sand.u32 $0x1, s2;
	s8 =	smul.u32 $0x14000, s11  }
0x6: {  	[smem:$0x7FF] =	sst s3;
	s9 =	sshll.u32 s11, $0x1;
	s7 =	smul.u32 $0x140000, s2  }
0x7: {  	s9 =	sor.u32 s2, s9;
	s10 =	ssub.s32 $0x2, s2;
	s2 =	smul.u32 $0x2800, s2  }
0x8: {  	s4 =	sadd.s32 $0x16A00, s0;
	s5 =	sadd.s32 $0xCA00, s0;
	s9 =	smul.u32 $0x2800, s9  }
0x9: {  	s6 =	sadd.s32 $0x2A00, s0;
	s8 =	sadd.s32 s8, s7;
	s7 =	smul.u32 $0x280, s11  }
0xa: {  	_ =	strace $0x8000004D;
	s26 =	sshrl.u32 s10, $0x1;
	s11 =	smul.u32 $0x5000, s11  }
0xb: {  	s10 =	ssub.s32 s10, s26;
	s8 =	sshrl.u32 s8, $0x3;
	s13 =	sshrl.u32 s9, $0x3  }
0xc: {  	s19 =	sadd.s32 $0x27C0, s9;
	s24 =	smax.u32 s10, $0x1;
	s9 =	simm.s32 $0x180  }
0xd: {  	s10 =	simm.s32 $0x380;
	s0 =	sadd.s32 s8, s0;
	s12 =	sadd.s32 s5, s13  }
0xe: {  	s14 =	sor.u32 $0x8, s13;
	s15 =	sadd.s32 s6, s13;
	[dreg:$0xa] =	wrdreg s24  }
0xf: {  	s22 =	sadd.s32 s2, s11;
	s18 =	sor.u32 $0x10, s13;
	[dreg:$0x3] =	wrdreg s7  }
0x10: {  	s26 =	sor.u32 $0x30, s7;
	s24 =	simm.s32 $0x5;
	[dreg:$0x4] =	wrdreg s12  }
0x11: {  	s11 =	simm.s32 $0x6400;
	s13 =	simm.s32 $0x2;
	[dreg:$0x5] =	wrdreg s15  }
0x12: {  	s16 =	sadd.s32 s5, s14;
	s17 =	sadd.s32 s6, s14;
	[dreg:$0xe] =	wrdreg s26  }
0x13: {  	s20 =	sor.u32 $0xC0, s22;
	s21 =	sadd.s32 s5, s18;
	[dreg:$0x6] =	wrdreg s16  }
0x14: {  	s2 =	sadd.s32 s6, s18;
	s12 =	simm.s32 $0x8400;
	[dreg:$0x7] =	wrdreg s17  }
0x15: {  	s26 =	simm.s32 $0x80;
	s14 =	simm.s32 $0x3;
	[dreg:$0x8] =	wrdreg s21  }
0x16: {  	s15 =	simm.s32 $0x4;
	[dreg:$0x9] =	wrdreg s2;
	s23 =	sshrl.u32 s20, $0x3  }
0x17: {  	s20 =	sadd.s32 $0x3DC00, s0;
	s21 =	simm.s32 $0x40;
	s0 =	simm.s32 $0x4400  }
0x18: {  	s16 =	simm.s32 $0x0;
	s25 =	sadd.s32 s23, s6;
	[dreg:$0xd] =	wrdreg s20  }
0x19: {  	s2 =	sadd.s32 s23, s5;
	s23 =	simm.s32 $0x400;
	[dreg:$0xb] =	wrdreg s25  }
0x1a: {  	v0 =	vimm.f32 $0.0e+00;
	v1 =	vlaneseq.u32;
	[dreg:$0xc] =	wrdreg s2;
	s25 =	simm.s32 $0x200;
	s2 =	simm.s32 $0x1  }
.LBB2_1:
0x1b: {  	[dreg:$0xf] =	wrdreg s16;
	s16 =	simm.s32 $0x0;
	s17 =	simm.s32 $0x200  }
.LBB2_2:
0x1c: {  	p0 =	sne.s32 s17, $0x7E00;
	[tilespmem:s16+$0x470] =	vst v0  }
0x1d: {  	[tilespmem:s16+$0x400] =	vst v0  }
0x1e: {  	[tilespmem:s16+$0x410] =	vst v0  }
.Ltmp0:
0x1f: {  	[tilespmem:s16+$0x420] =	vst v0;
	(pc) =	sbr.rel @p0 .LBB2_2-.Ltmp0, $4  }
0x20: {  	[tilespmem:s16+$0x430] =	vst v0  }
0x21: {  	[tilespmem:s16+$0x440] =	vst v0  }
0x22: {  	[tilespmem:s16+$0x450] =	vst v0  }
0x23: {  	[tilespmem:s16+$0x460] =	vst v0;
	s16 =	sshra.s32 s17, $0x2;
	s17 =	sadd.s32 $0x200, s17  }
0x24: {  	[tilespmem:s16+$0x470] =	vst v0  }
0x25: {  	[tilespmem:s16+$0x400] =	vst v0  }
0x26: {  	[tilespmem:s16+$0x410] =	vst v0  }
0x27: {  	[tilespmem:s16+$0x420] =	vst v0  }
0x28: {  	[tilespmem:s16+$0x430] =	vst v0  }
0x29: {  	[tilespmem:s16+$0x440] =	vst v0  }
0x2a: {  	[tilespmem:s16+$0x450] =	vst v0;
	s17 =	sadd.s32 $0x0, s7  }
0x2b: {  	[tilespmem:s16+$0x460] =	vst v0;
	v2 =	vor.u32 s17, v1;
	s20 =	sadd.s32 $0x30, s17  }
0x2c: {  	s18 =	sadd.s32 $0x20, s17;
	[tilespmem:$0x8400] =	vst v2;
	v3 =	vor.u32 s20, v1  }
0x2d: {  	s16 =	simm.s32 $0x40;
	s17 =	sadd.s32 $0x10, s17;
	v2 =	vor.u32 s18, v1;
	[tilespmem:$0x8430] =	vst v3  }
.LBB2_4:
0x2e: {  	p0 =	sne.s32 s16, $0x240;
	v3 =	vor.u32 s17, v1;
	[tilespmem:$0x8420] =	vst v2  }
0x2f: {  	[tilespmem:$0x8410] =	vst v3;
	[spmem:s1] =	stream.indirect.scatter [tilespmem:s23], [sflag:$0x5], $0x80, s12, s21, $0xb8  }
.Ltmp1:
0x30: {  	_ =	swait.ge [sflag:s24], $0x2000;
	(pc) =	sbr.rel @p0 .LBB2_4-.Ltmp1, $4  }
0x31: {  	s17 =	sadd.s32 s16, s7;
	[sflag:s24] =	ssyncset.done $0x0  }
0x32: {  	v2 =	vor.u32 s17, v1;
	s18 =	sadd.s32 $0x30, s17;
	[sflag:s24] =	ssyncadd.s32 $0xFFFFE000  }
0x33: {  	s20 =	sadd.s32 $0x20, s17;
	v3 =	vor.u32 s18, v1;
	[tilespmem:$0x8400] =	vst v2  }
0x34: {  	s16 =	sadd.s32 $0x40, s16;
	s17 =	sadd.s32 $0x10, s17;
	v2 =	vor.u32 s20, v1;
	[tilespmem:$0x8430] =	vst v3  }
0x35: {  	v3 =	vor.u32 s17, v1;
	[tilespmem:$0x8420] =	vst v2  }
0x36: {  	[tilespmem:$0x8410] =	vst v3  }
0x37: {  	[spmem:s1] =	stream.indirect.scatter [tilespmem:s23], [sflag:$0x5], $0x80, s12, s21, $0xb8;
	[tilespmem:$0x1C480] =	vst v63  }
0x38: {  	_ =	swait.ge [sflag:s24], $0x2000  }
0x39: {  	[sflag:s24] =	ssyncset.done $0x0  }
0x3a: {  	[sflag:s24] =	ssyncadd.s32 $0xFFFFE000  }
0x3b: {  	[bflag:$0x0] =	sbarrier.arrive $0xFFFF  }
0x3c: {  	s16 =	simm.s32 $0x0;
	s7 =	rddreg [dreg:$0x4]  }
0x3d: {  	[tilespmem:s16], [sflag:$0x5] =	stream.linear.gather [hbm4b:s7+s16], $0x40, $0x38;
	[tilespmem:$0x1C480] =	vst v63  }
0x3e: {  	_ =	swait.ge [sflag:s24], $0x40  }
0x3f: {  	[sflag:s24] =	ssyncset.done $0x0  }
0x40: {  	s8 =	rddreg [dreg:$0x5];
	[sflag:s24] =	ssyncadd.s32 $0xFFFFFFC0  }
0x41: {  	[tilespmem:s25], [sflag:$0x5] =	stream.linear.gather [hbm4b:s8+s16], $0x40, $0x38;
	[tilespmem:$0x1C480] =	vst v63  }
0x42: {  	_ =	swait.ge [sflag:s24], $0x40  }
0x43: {  	[sflag:s24] =	ssyncset.done $0x0  }
0x44: {  	[sflag:s24] =	ssyncadd.s32 $0xFFFFFFC0  }
0x45: {  	[tilespmem:s23], [sflag:$0x1] =	stream.indirect.gather [hbm4b:s4+s21], $0x80, s16, s21, $0xb8;
	[tilespmem:$0x1C480] =	vst v63  }
0x46: {  	s12 =	rddreg [dreg:$0x6]  }
0x47: {  	[tilespmem:s26], [sflag:$0x5] =	stream.linear.gather [hbm4b:s12+s16], $0x40, $0x38;
	[tilespmem:$0x1C480] =	vst v63  }
0x48: {  	_ =	swait.ge [sflag:s24], $0x40  }
0x49: {  	[sflag:s24] =	ssyncset.done $0x0  }
0x4a: {  	s17 =	rddreg [dreg:$0x7];
	[sflag:s24] =	ssyncadd.s32 $0xFFFFFFC0  }
0x4b: {  	[tilespmem:s28], [sflag:$0x5] =	stream.linear.gather [hbm4b:s17+s16], $0x40, $0x38;
	[tilespmem:$0x1C480] =	vst v63  }
0x4c: {  	_ =	swait.ge [sflag:s24], $0x40  }
0x4d: {  	[sflag:s24] =	ssyncset.done $0x0  }
0x4e: {  	[sflag:s24] =	ssyncadd.s32 $0xFFFFFFC0  }
0x4f: {  	[tilespmem:s29], [sflag:$0x2] =	stream.indirect.gather [hbm4b:s4+s21], $0x80, s26, s21, $0xb8;
	[tilespmem:$0x1C480] =	vst v63  }
0x50: {  	s18 =	rddreg [dreg:$0x8]  }
0x51: {  	[tilespmem:s30], [sflag:$0x5] =	stream.linear.gather [hbm4b:s18+s16], $0x40, $0x38;
	[tilespmem:$0x1C480] =	vst v63  }
0x52: {  	_ =	swait.ge [sflag:s24], $0x40  }
0x53: {  	[sflag:s24] =	ssyncset.done $0x0  }
0x54: {  	s20 =	rddreg [dreg:$0x9];
	[sflag:s24] =	ssyncadd.s32 $0xFFFFFFC0  }
0x55: {  	[tilespmem:s31], [sflag:$0x5] =	stream.linear.gather [hbm4b:s20+s16], $0x40, $0x38;
	[tilespmem:$0x1C480] =	vst v63  }
0x56: {  	_ =	swait.ge [sflag:s24], $0x40  }
0x57: {  	[sflag:s24] =	ssyncset.done $0x0  }
0x58: {  	[sflag:s24] =	ssyncadd.s32 $0xFFFFFFC0  }
0x59: {  	[tilespmem:s0], [sflag:$0x3] =	stream.indirect.gather [hbm4b:s4+s21], $0x80, s30, s21, $0xb8;
	[tilespmem:$0x1C480] =	vst v63  }
0x5a: {  	_ =	swait.ge [sflag:s2], $0x2000  }
0x5b: {  	[sflag:s2] =	ssyncset.done $0x0  }
0x5c: {  	[sflag:s2] =	ssyncadd.s32 $0xFFFFE000  }
0x5d: {  	[spmem:s1] =	stream.indirect.scatter.add.f32 [tilespmem:s23], [sflag:$0x5], $0x80, s25, s21, $0xb8;
	[tilespmem:$0x1C480] =	vst v63  }
0x5e: {  	_ =	swait.ge [sflag:s24], $0x2000  }
0x5f: {  	[sflag:s24] =	ssyncset.done $0x0  }
0x60: {  	s20 =	rddreg [dreg:$0xc];
	[sflag:s24] =	ssyncadd.s32 $0xFFFFE000  }
0x61: {  	[tilespmem:s9], [sflag:$0x5] =	stream.linear.gather [hbm4b:s20+s3], $0x40, $0x38;
	[tilespmem:$0x1C480] =	vst v63  }
0x62: {  	_ =	swait.ge [sflag:s24], $0x40  }
0x63: {  	[sflag:s24] =	ssyncset.done $0x0  }
0x64: {  	s8 =	rddreg [dreg:$0xb];
	[sflag:s24] =	ssyncadd.s32 $0xFFFFFFC0  }
0x65: {  	[tilespmem:s10], [sflag:$0x5] =	stream.linear.gather [hbm4b:s8+s3], $0x40, $0x38;
	[tilespmem:$0x1C480] =	vst v63  }
0x66: {  	_ =	swait.ge [sflag:s24], $0x40  }
0x67: {  	[sflag:s24] =	ssyncset.done $0x0  }
0x68: {  	[sflag:s24] =	ssyncadd.s32 $0xFFFFFFC0  }
0x69: {  	[tilespmem:s11], [sflag:$0x4] =	stream.indirect.gather [hbm4b:s4+s21], $0x80, s9, s21, $0xb8;
	[tilespmem:$0x1C480] =	vst v63  }
0x6a: {  	s12 =	sadd.s32 $0x0, s22;
	_ =	swait.ge [sflag:s13], $0x2000  }
0x6b: {  	s17 =	sadd.s32 $0x100, s12;
	[sflag:s13] =	ssyncset.done $0x0  }
0x6c: {  	p0 =	slt.s32 s17, s19;
	s18 =	smov.u32 s19;
	[sflag:s13] =	ssyncadd.s32 $0xFFFFE000  }
0x6d: {  	[spmem:s1] =	stream.indirect.scatter.add.f32 [tilespmem:s29], [sflag:$0x5], $0x80, s28, s21, $0xb8;
	[tilespmem:$0x1C480] =	vst v63  }
0x6e: {  	s18 =	smov.u32 @p0 s17;
	_ =	swait.ge [sflag:s24], $0x2000  }
0x6f: {  	s17 =	sshrl.u32 s18, $0x3;
	[sflag:s24] =	ssyncset.done $0x0  }
0x70: {  	s18 =	sadd.s32 s5, s17;
	[sflag:s24] =	ssyncadd.s32 $0xFFFFE000  }
0x71: {  	[tilespmem:s3], [sflag:$0x5] =	stream.linear.gather [hbm4b:s18+s3], $0x40, $0x38;
	[tilespmem:$0x1C480] =	vst v63  }
0x72: {  	_ =	swait.ge [sflag:s24], $0x40  }
0x73: {  	[sflag:s24] =	ssyncset.done $0x0  }
0x74: {  	s17 =	sadd.s32 s6, s17;
	[sflag:s24] =	ssyncadd.s32 $0xFFFFFFC0  }
0x75: {  	[tilespmem:s25], [sflag:$0x5] =	stream.linear.gather [hbm4b:s17+s3], $0x40, $0x38;
	[tilespmem:$0x1C480] =	vst v63  }
0x76: {  	_ =	swait.ge [sflag:s24], $0x40  }
0x77: {  	[sflag:s24] =	ssyncset.done $0x0  }
0x78: {  	[sflag:s24] =	ssyncadd.s32 $0xFFFFFFC0  }
0x79: {  	[tilespmem:s23], [sflag:$0x1] =	stream.indirect.gather [hbm4b:s4+s21], $0x80, s3, s21, $0xb8;
	[tilespmem:$0x1C480] =	vst v63  }
0x7a: {  	_ =	swait.ge [sflag:s14], $0x2000  }
0x7b: {  	s17 =	sadd.s32 $0x140, s12;
	[sflag:s14] =	ssyncset.done $0x0  }
0x7c: {  	s18 =	smov.u32 s19;
	p0 =	slt.s32 s17, s19;
	[sflag:s14] =	ssyncadd.s32 $0xFFFFE000  }
0x7d: {  	[spmem:s1] =	stream.indirect.scatter.add.f32 [tilespmem:s0], [sflag:$0x5], $0x80, s31, s21, $0xb8;
	[tilespmem:$0x1C480] =	vst v63  }
0x7e: {  	s18 =	smov.u32 @p0 s17;
	_ =	swait.ge [sflag:s24], $0x2000  }
0x7f: {  	s17 =	sshrl.u32 s18, $0x3;
	[sflag:s24] =	ssyncset.done $0x0  }
0x80: {  	s18 =	sadd.s32 s5, s17;
	[sflag:s24] =	ssyncadd.s32 $0xFFFFE000  }
0x81: {  	[tilespmem:s26], [sflag:$0x5] =	stream.linear.gather [hbm4b:s18+s3], $0x40, $0x38;
	[tilespmem:$0x1C480] =	vst v63  }
0x82: {  	_ =	swait.ge [sflag:s24], $0x40  }
0x83: {  	[sflag:s24] =	ssyncset.done $0x0  }
0x84: {  	s17 =	sadd.s32 s6, s17;
	[sflag:s24] =	ssyncadd.s32 $0xFFFFFFC0  }
0x85: {  	[tilespmem:s28], [sflag:$0x5] =	stream.linear.gather [hbm4b:s17+s3], $0x40, $0x38;
	[tilespmem:$0x1C480] =	vst v63  }
0x86: {  	_ =	swait.ge [sflag:s24], $0x40  }
0x87: {  	[sflag:s24] =	ssyncset.done $0x0  }
0x88: {  	[sflag:s24] =	ssyncadd.s32 $0xFFFFFFC0  }
0x89: {  	[tilespmem:s29], [sflag:$0x2] =	stream.indirect.gather [hbm4b:s4+s21], $0x80, s26, s21, $0xb8;
	[tilespmem:$0x1C480] =	vst v63  }
0x8a: {  	_ =	swait.ge [sflag:s15], $0x2000  }
0x8b: {  	s16 =	sadd.s32 $0x180, s12;
	[sflag:s15] =	ssyncset.done $0x0  }
0x8c: {  	p0 =	slt.s32 s16, s19;
	s17 =	smov.u32 s19;
	[sflag:s15] =	ssyncadd.s32 $0xFFFFE000  }
0x8d: {  	[spmem:s1] =	stream.indirect.scatter.add.f32 [tilespmem:s11], [sflag:$0x5], $0x80, s10, s21, $0xb8;
	[tilespmem:$0x1C480] =	vst v63  }
0x8e: {  	s17 =	smov.u32 @p0 s16;
	_ =	swait.ge [sflag:s24], $0x2000  }
0x8f: {  	s16 =	sshrl.u32 s17, $0x3;
	[sflag:s24] =	ssyncset.done $0x0  }
0x90: {  	s17 =	sadd.s32 s5, s16;
	[sflag:s24] =	ssyncadd.s32 $0xFFFFE000  }
0x91: {  	[tilespmem:s30], [sflag:$0x5] =	stream.linear.gather [hbm4b:s17+s3], $0x40, $0x38;
	[tilespmem:$0x1C480] =	vst v63  }
0x92: {  	_ =	swait.ge [sflag:s24], $0x40  }
0x93: {  	[sflag:s24] =	ssyncset.done $0x0  }
0x94: {  	s16 =	sadd.s32 s6, s16;
	[sflag:s24] =	ssyncadd.s32 $0xFFFFFFC0  }
0x95: {  	[tilespmem:s31], [sflag:$0x5] =	stream.linear.gather [hbm4b:s16+s3], $0x40, $0x38;
	[tilespmem:$0x1C480] =	vst v63  }
0x96: {  	_ =	swait.ge [sflag:s24], $0x40  }
0x97: {  	s18 =	smov.u32 s8;
	s17 =	simm.s32 $0x100;
	[sflag:s24] =	ssyncset.done $0x0  }
.LBB2_6:
0x98: {  	[sflag:s24] =	ssyncadd.s32 $0xFFFFFFC0  }
0x99: {  	s18 =	sadd.s32 $0x20, s18;
	s20 =	sadd.s32 $0x20, s20;
	s16 =	smov.u32 s17  }
0x9a: {  	[tilespmem:s0], [sflag:$0x3] =	stream.indirect.gather [hbm4b:s4+s21], $0x80, s30, s21, $0xb8;
	[tilespmem:$0x1C480] =	vst v63  }
0x9b: {  	p0 =	sne.s32 s17, $0x2700;
	s17 =	sadd.s32 $0x100, s17;
	_ =	swait.ge [sflag:s2], $0x2000  }
0x9c: {  	[sflag:s2] =	ssyncset.done $0x0  }
0x9d: {  	[sflag:s2] =	ssyncadd.s32 $0xFFFFE000  }
0x9e: {  	[spmem:s1] =	stream.indirect.scatter.add.f32 [tilespmem:s23], [sflag:$0x5], $0x80, s25, s21, $0xb8;
	[tilespmem:$0x1C480] =	vst v63  }
0x9f: {  	_ =	swait.ge [sflag:s24], $0x2000  }
0xa0: {  	[sflag:s24] =	ssyncset.done $0x0  }
0xa1: {  	[sflag:s24] =	ssyncadd.s32 $0xFFFFE000  }
0xa2: {  	[tilespmem:s9], [sflag:$0x5] =	stream.linear.gather [hbm4b:s20+s3], $0x40, $0x38;
	[tilespmem:$0x1C480] =	vst v63  }
0xa3: {  	_ =	swait.ge [sflag:s24], $0x40  }
0xa4: {  	[sflag:s24] =	ssyncset.done $0x0  }
0xa5: {  	[sflag:s24] =	ssyncadd.s32 $0xFFFFFFC0  }
0xa6: {  	[tilespmem:s10], [sflag:$0x5] =	stream.linear.gather [hbm4b:s18+s3], $0x40, $0x38;
	[tilespmem:$0x1C480] =	vst v63  }
0xa7: {  	_ =	swait.ge [sflag:s24], $0x40  }
0xa8: {  	[sflag:s24] =	ssyncset.done $0x0  }
0xa9: {  	[sflag:s24] =	ssyncadd.s32 $0xFFFFFFC0  }
0xaa: {  	[tilespmem:s11], [sflag:$0x4] =	stream.indirect.gather [hbm4b:s4+s21], $0x80, s9, s21, $0xb8;
	[tilespmem:$0x1C480] =	vst v63  }
0xab: {  	s8 =	smov.u32 s19;
	s16 =	sadd.s32 s16, s22;
	_ =	swait.ge [sflag:s13], $0x2000  }
0xac: {  	s7 =	sadd.s32 $0x100, s16;
	s12 =	sadd.s32 $0x140, s16;
	[sflag:s13] =	ssyncset.done $0x0  }
0xad: {  	p1 =	slt.s32 s7, s19;
	p2 =	slt.s32 s12, s19;
	[sflag:s13] =	ssyncadd.s32 $0xFFFFE000  }
0xae: {  	[spmem:s1] =	stream.indirect.scatter.add.f32 [tilespmem:s29], [sflag:$0x5], $0x80, s28, s21, $0xb8;
	[tilespmem:$0x1C480] =	vst v63  }
0xaf: {  	s8 =	smov.u32 @p1 s7;
	s7 =	smov.u32 s19;
	_ =	swait.ge [sflag:s24], $0x2000  }
0xb0: {  	s7 =	smov.u32 @p2 s12;
	[sflag:s24] =	ssyncset.done $0x0  }
0xb1: {  	s8 =	sshrl.u32 s8, $0x3;
	s7 =	sshrl.u32 s7, $0x3;
	[sflag:s24] =	ssyncadd.s32 $0xFFFFE000  }
0xb2: {  	s16 =	sadd.s32 $0x180, s16;
	s12 =	sadd.s32 s5, s8  }
0xb3: {  	[tilespmem:s3], [sflag:$0x5] =	stream.linear.gather [hbm4b:s12+s3], $0x40, $0x38;
	[tilespmem:$0x1C480] =	vst v63  }
0xb4: {  	p1 =	slt.s32 s16, s19;
	s12 =	smov.u32 s19;
	_ =	swait.ge [sflag:s24], $0x40  }
0xb5: {  	s8 =	sadd.s32 s6, s8;
	s12 =	smov.u32 @p1 s16;
	[sflag:s24] =	ssyncset.done $0x0  }
0xb6: {  	s16 =	sshrl.u32 s12, $0x3;
	[sflag:s24] =	ssyncadd.s32 $0xFFFFFFC0  }
0xb7: {  	[tilespmem:s25], [sflag:$0x5] =	stream.linear.gather [hbm4b:s8+s3], $0x40, $0x38;
	[tilespmem:$0x1C480] =	vst v63  }
0xb8: {  	_ =	swait.ge [sflag:s24], $0x40  }
0xb9: {  	[sflag:s24] =	ssyncset.done $0x0  }
0xba: {  	[sflag:s24] =	ssyncadd.s32 $0xFFFFFFC0  }
0xbb: {  	[tilespmem:s23], [sflag:$0x1] =	stream.indirect.gather [hbm4b:s4+s21], $0x80, s3, s21, $0xb8;
	[tilespmem:$0x1C480] =	vst v63  }
0xbc: {  	_ =	swait.ge [sflag:s14], $0x2000  }
0xbd: {  	[sflag:s14] =	ssyncset.done $0x0  }
0xbe: {  	[sflag:s14] =	ssyncadd.s32 $0xFFFFE000  }
0xbf: {  	[spmem:s1] =	stream.indirect.scatter.add.f32 [tilespmem:s0], [sflag:$0x5], $0x80, s31, s21, $0xb8;
	[tilespmem:$0x1C480] =	vst v63  }
0xc0: {  	_ =	swait.ge [sflag:s24], $0x2000  }
0xc1: {  	s8 =	sadd.s32 s5, s7;
	[sflag:s24] =	ssyncset.done $0x0  }
0xc2: {  	[sflag:s24] =	ssyncadd.s32 $0xFFFFE000  }
0xc3: {  	[tilespmem:s26], [sflag:$0x5] =	stream.linear.gather [hbm4b:s8+s3], $0x40, $0x38;
	[tilespmem:$0x1C480] =	vst v63  }
0xc4: {  	_ =	swait.ge [sflag:s24], $0x40  }
0xc5: {  	s7 =	sadd.s32 s6, s7;
	[sflag:s24] =	ssyncset.done $0x0  }
0xc6: {  	[sflag:s24] =	ssyncadd.s32 $0xFFFFFFC0  }
0xc7: {  	[tilespmem:s28], [sflag:$0x5] =	stream.linear.gather [hbm4b:s7+s3], $0x40, $0x38;
	[tilespmem:$0x1C480] =	vst v63  }
0xc8: {  	_ =	swait.ge [sflag:s24], $0x40  }
0xc9: {  	[sflag:s24] =	ssyncset.done $0x0  }
0xca: {  	[sflag:s24] =	ssyncadd.s32 $0xFFFFFFC0  }
0xcb: {  	[tilespmem:s29], [sflag:$0x2] =	stream.indirect.gather [hbm4b:s4+s21], $0x80, s26, s21, $0xb8;
	[tilespmem:$0x1C480] =	vst v63  }
0xcc: {  	_ =	swait.ge [sflag:s15], $0x2000  }
0xcd: {  	[sflag:s15] =	ssyncset.done $0x0  }
0xce: {  	[sflag:s15] =	ssyncadd.s32 $0xFFFFE000  }
0xcf: {  	[spmem:s1] =	stream.indirect.scatter.add.f32 [tilespmem:s11], [sflag:$0x5], $0x80, s10, s21, $0xb8;
	[tilespmem:$0x1C480] =	vst v63  }
0xd0: {  	_ =	swait.ge [sflag:s24], $0x2000  }
0xd1: {  	s7 =	sadd.s32 s5, s16;
	[sflag:s24] =	ssyncset.done $0x0  }
0xd2: {  	[sflag:s24] =	ssyncadd.s32 $0xFFFFE000  }
0xd3: {  	[tilespmem:s30], [sflag:$0x5] =	stream.linear.gather [hbm4b:s7+s3], $0x40, $0x38;
	[tilespmem:$0x1C480] =	vst v63  }
0xd4: {  	_ =	swait.ge [sflag:s24], $0x40  }
.Ltmp2:
0xd5: {  	s7 =	sadd.s32 s6, s16;
	[sflag:s24] =	ssyncset.done $0x0;
	(pc) =	sbr.rel @p0 .LBB2_6-.Ltmp2, $4  }
0xd6: {  	[sflag:s24] =	ssyncadd.s32 $0xFFFFFFC0  }
0xd7: {  	[tilespmem:s31], [sflag:$0x5] =	stream.linear.gather [hbm4b:s7+s3], $0x40, $0x38;
	[tilespmem:$0x1C480] =	vst v63  }
0xd8: {  	_ =	swait.ge [sflag:s24], $0x40  }
0xd9: {  	[sflag:s24] =	ssyncset.done $0x0  }
0xda: {  	[sflag:s24] =	ssyncadd.s32 $0xFFFFFFC0  }
0xdb: {  	[tilespmem:s0], [sflag:$0x3] =	stream.indirect.gather [hbm4b:s4+s21], $0x80, s30, s21, $0xb8;
	[tilespmem:$0x1C480] =	vst v63  }
0xdc: {  	_ =	swait.ge [sflag:s2], $0x2000  }
0xdd: {  	[sflag:s2] =	ssyncset.done $0x0  }
0xde: {  	[sflag:s2] =	ssyncadd.s32 $0xFFFFE000  }
0xdf: {  	_ =	swait.ge [sflag:s13], $0x2000  }
0xe0: {  	[sflag:s13] =	ssyncset.done $0x0  }
0xe1: {  	[sflag:s13] =	ssyncadd.s32 $0xFFFFE000  }
0xe2: {  	_ =	swait.ge [sflag:s14], $0x2000  }
0xe3: {  	[sflag:s14] =	ssyncset.done $0x0  }
0xe4: {  	[sflag:s14] =	ssyncadd.s32 $0xFFFFE000  }
0xe5: {  	[bflag:$0x0] =	sbarrier.arrive $0xFFFF  }
0xe6: {  	s17 =	rddreg [dreg:$0xe]  }
0xe7: {  	s7 =	sadd.s32 $0xFFFFFFF0, s17;
	v2 =	vor.u32 s17, v1  }
0xe8: {  	s8 =	sadd.s32 $0xFFFFFFE0, s17;
	v3 =	vor.u32 s7, v1;
	[tilespmem:$0x8430] =	vst v2  }
0xe9: {  	s12 =	sadd.s32 $0xFFFFFFD0, s17;
	v2 =	vor.u32 s8, v1;
	[tilespmem:$0x8420] =	vst v3  }
0xea: {  	v3 =	vor.u32 s12, v1;
	[tilespmem:$0x8410] =	vst v2  }
0xeb: {  	s16 =	simm.s32 $0x8400;
	[tilespmem:$0x8400] =	vst v3  }
0xec: {  	[tilespmem:s23], [sflag:$0x1] =	stream.indirect.gather [spmem:s1], $0x80, s16, s21, $0xb8;
	[tilespmem:$0x1C480] =	vst v63  }
0xed: {  	_ =	swait.ge [sflag:s2], $0x2000  }
0xee: {  	[sflag:s2] =	ssyncset.done $0x0;
	s20 =	rddreg [dreg:$0xd]  }
0xef: {  	s16 =	simm.s32 $0x400;
	s18 =	sadd.s32 $0x0, s20;
	[sflag:s2] =	ssyncadd.s32 $0xFFFFE000  }
0xf0: {  	[hbm4b:s18+s3] =	stream.linear.scatter [tilespmem:s23], [sflag:$0x5], $0x2000, $0x38;
	[tilespmem:$0x1C480] =	vst v63  }
.LBB2_8:
0xf1: {  	p0 =	sne.s32 s16, $0x2400  }
0xf2: {  	_ =	swait.ge [sflag:s24], $0x2000;
	s17 =	sadd.s32 $0x40, s17;
	s7 =	smov.u32 s16  }
0xf3: {  	s16 =	sadd.s32 $0x400, s16;
	s8 =	sadd.s32 $0xFFFFFFD0, s17;
	[sflag:s24] =	ssyncset.done $0x0  }
0xf4: {  	s12 =	sadd.s32 $0xFFFFFFE0, s17;
	s18 =	sadd.s32 $0xFFFFFFF0, s17;
	v2 =	vor.u32 s17, v1;
	[sflag:s24] =	ssyncadd.s32 $0xFFFFE000  }
0xf5: {  	v3 =	vor.u32 s8, v1;
	v4 =	vor.u32 s12, v1;
	s12 =	simm.s32 $0x8400;
	v5 =	vor.u32 s18, v1;
	[tilespmem:$0x8430] =	vst v2  }
0xf6: {  	[tilespmem:$0x8420] =	vst v5  }
0xf7: {  	[tilespmem:$0x8410] =	vst v4  }
0xf8: {  	[tilespmem:$0x8400] =	vst v3  }
0xf9: {  	[tilespmem:s23], [sflag:$0x1] =	stream.indirect.gather [spmem:s1], $0x80, s12, s21, $0xb8;
	[tilespmem:$0x1C480] =	vst v63  }
.Ltmp3:
0xfa: {  	_ = 	snop;
	(pc) =	sbr.rel @p0 .LBB2_8-.Ltmp3, $4  }
0xfb: {  	_ =	swait.ge [sflag:s2], $0x2000  }
0xfc: {  	s7 =	sadd.s32 s7, s20;
	[sflag:s2] =	ssyncset.done $0x0  }
0xfd: {  	[sflag:s2] =	ssyncadd.s32 $0xFFFFE000  }
0xfe: {  	[hbm4b:s7+s3] =	stream.linear.scatter [tilespmem:s23], [sflag:$0x5], $0x2000, $0x38;
	[tilespmem:$0x1C480] =	vst v63  }
0xff: {  	_ =	swait.ge [sflag:s24], $0x2000  }
0x100: {  	s16 =	rddreg [dreg:$0xf]  }
0x101: {  	s7 =	rddreg [dreg:$0xa];
	s16 =	sadd.s32 $0x1, s16  }
0x102: {  	p0 =	sne.s32 s16, s7  }
.Ltmp4:
0x103: {  	_ = 	snop;
	(pc) =	sbr.rel @p0 .LBB2_1-.Ltmp4, $3  }
0x104: {  	_ =	sdelay $0x1  }
0x105: {  	[sflag:s24] =	ssyncset.done $0x0  }
0x106: {  	[sflag:s24] =	ssyncadd.s32 $0xFFFFE000;
	s7 =	rddreg [dreg:$0x3]  }
0x107: {  	_ =	sfence.sel $0x180000  }
0x108: {  	[bflag:$0x0] =	sbarrier.arrive $0xFFFF  }
0x109: {  	_ =	strace $0x9000004D  }
0x10a: {  	s0 =	stileid.u32;
	[bflag:$0x2] =	sbarrier.arrive $0xFFFF  }
0x10b: {  	p0 =	sne.s32 s0, $0x0;
	s0 =	rddreg [dreg:$0x2]  }
0x10c: {  	s0 =	sadd.s32 @!p0 $0x100000, s0  }
0x10d: {  	[sflag:s0] =	ssyncadd.tile.s32 @!p0 $0x1;
	_ =	shalt  }
.Lfunc_end2:
_tile_overlayer_lowered:
.L_overlay_start_2:
0x10e: {  	(tag) =	ssettag $0x2  }
0x10f: {  	s0 =	rddreg [dreg:$0x0];
	s2 =	stileid.u32  }
0x110: {  	s1 =	rddreg [dreg:$0x1];
	p0 =	sne.s32 s2, $0x0  }
0x111: {  	s3 =	rddreg [dreg:$0x2];
	[bflag:$0x3] =	sbarrier.arrive $0xFFFF;
	s2 =	simm.s32 @!p0 $0x1C05  }
0x112: {  	[timem:s3], [sflag:s2] =	dma.local @!p0 [hbm:s0], s1  }
0x113: {  	s0 =	simm.s32 @!p0 $0x5  }
0x114: {  	_ =	swait.ge @!p0 [sflag:s0], s1  }
0x115: {  	s1 =	ssub.s32 @!p0 $0x0, s1;
	[sflag:s0] =	ssyncset.done @!p0 $0x0  }
0x116: {  	[sflag:s0] =	ssyncadd.s32 @!p0 s1  }
0x117: {  	[bflag:$0x3] =	sbarrier.arrive $0xFFFF  }
0x118: {  	_ =	shalt  }

// kernel: kernel.7.cloned.1.call-start
scs
__scs_entry_jumppad:
0x0: {  	(pc) =	sbr.rel $0x88, $3  }
0x1: {  	(tag) =	ssettag $0x0;
	lr =	simm.s32 $0x1  }
0x2: {  	[smem:$0x3F97] =	sst lr;
	_ =	strace $0xD0000000  }
0x3: {  	_ = 	snop  }
0x4: {  	_ = 	snop  }
0x5: {  	_ = 	snop  }
0x6: {  	_ = 	snop  }
0x7: {  	_ = 	snop  }
__scs_overlays_trampoline_lowered:
0x8: {  	[smem:$0x3FA6] =	sst s0  }
0x9: {  	[smem:$0x3FA7] =	sst s1  }
0xa: {  	[smem:$0x3FA8] =	sst s2  }
0xb: {  	[smem:$0x3FA9] =	sst s3  }
0xc: {  	[smem:$0x3FAA] =	sst s4  }
0xd: {  	[smem:$0x3FAB] =	sst s5  }
0xe: {  	[smem:$0x3FAC] =	sst s6  }
0xf: {  	[smem:$0x3FAD] =	sst s7  }
0x10: {  	[smem:$0x3FAE] =	sst s8  }
0x11: {  	[smem:$0x3FAF] =	sst s9;
	s0 =	simm.s32 @!p0 $0x0  }
0x12: {  	s1 =	sld [smem:$0x3F95];
	s0 =	simm.s32 @p0 $0x1  }
0x13: {  	[smem:$0x3FB0] =	sst s0;
	s0 =	simm.s32 @!p1 $0x0  }
0x14: {  	s2 =	sld [smem:$0x3F94];
	s0 =	simm.s32 @p1 $0x1  }
0x15: {  	[smem:$0x3FB1] =	sst s0;
	s0 =	simm.s32 @!p2 $0x0  }
0x16: {  	s3 =	sld [smem:$0x3FDB];
	s0 =	simm.s32 @p2 $0x1  }
0x17: {  	s4 =	simm.s32 $0x1BF5;
	[smem:$0x3FB3] =	sst s0  }
0x18: {  	s0 =	sld [smem:$0x3F96];
	_ =	swait.ge [sflag:s4], $0x0  }
0x19: {  	s7 =	sld [smem:$0x3F97]  }
0x1a: {  	s8 =	sadd.s32 $0xFFFFE003, lr  }
0x1b: {  	s9 =	sadd.s32 $0xFFFFFEF7, lr;
	s5 =	simm.s32 $0xFFFFFFFF;
	p2 =	slt.u32 s8, $0xFFFFF086  }
0x1c: {  	p1 =	slt.u32 s9, $0xF7A;
	s5 =	simm.s32 @!p2 $0x0  }
0x1d: {  	s5 =	simm.s32 @p1 $0x1;
	p0 =	seq.s32 s7, s2  }
0x1e: {  	s7 =	smul.u32 @!p0 $0xF7A, s2;
	p2 =	seq.s32 @!p0 s5, $0x0  }
0x1f: {  	s9 =	smul.u32 $0xF7A, s1;
	s8 =	simm.s32 @!p0 $0x1BF5;
	p2 =	por !p2, p0  }
0x20: {  	[sflag:s8] =	ssyncset.s32 @!p0 $0xFFFFF086;
	s6 =	sadd.s32 @!p0 s3, s7;
	s7 =	simm.s32 @!p0 $0x108  }
0x21: {  	s3 =	sadd.s32 s3, s9;
	s6 =	sadd.s32 @!p0 $0x88, s6;
	s7 =	simm.s32 @p2 $0x1082  }
0x22: {  	[simem:s7], [sflag:s8] =	dma.local @!p0 [hbm:s6], $0xF7A  }
0x23: {  	s9 =	sor.u32 $0xD0000000, s2;
	s6 =	simm.s32 $0x108;
	_ =	swait.ge @!p0 [sflag:s8], $0x0  }
0x24: {  	s3 =	sadd.s32 $0x88, s3;
	s6 =	simm.s32 @!p1 $0x1082;
	[sflag:s4] =	ssyncset.s32 $0xFFFFF086  }
0x25: {  	[simem:s6], [sflag:s4] =	dma.local [hbm:s3], $0xF7A  }
0x26: {  	[smem:$0x3F97] =	sst s1;
	(tag) =	ssettag s2;
	_ =	strace s9  }
0x27: {  	s1 =	sld [smem:$0x3FA7]  }
0x28: {  	s2 =	sld [smem:$0x3FA8]  }
0x29: {  	s4 =	sld [smem:$0x3FAA]  }
0x2a: {  	p0 =	seq.s32 s5, $0x0;
	s5 =	sld [smem:$0x3FAB]  }
0x2b: {  	s6 =	sld [smem:$0x3FAC]  }
0x2c: {  	s7 =	sld [smem:$0x3FAD]  }
0x2d: {  	s3 =	simm.s32 $0x108;
	s8 =	sld [smem:$0x3FAE]  }
0x2e: {  	s3 =	simm.s32 @!p0 $0x1082;
	s9 =	sld [smem:$0x3FAF]  }
0x2f: {  	lr =	sadd.s32 s0, s3;
	s0 =	sld [smem:$0x3FA6]  }
0x30: {  	s3 =	sld [smem:$0x3FA9]  }
0x31: {  	[smem:$0x3FB2] =	sst s10  }
0x32: {  	s10 =	sld [smem:$0x3FB0];
	_ =	sdelay $0x3  }
0x33: {  	p0 =	seq.s32 s10, $0x1;
	s10 =	sld [smem:$0x3FB2];
	_ =	sdelay $0x3  }
0x34: {  	[smem:$0x3FB2] =	sst s10  }
0x35: {  	s10 =	sld [smem:$0x3FB1];
	_ =	sdelay $0x3  }
0x36: {  	p1 =	seq.s32 s10, $0x1;
	s10 =	sld [smem:$0x3FB2];
	_ =	sdelay $0x3  }
0x37: {  	[smem:$0x3FB2] =	sst s10  }
0x38: {  	s10 =	sld [smem:$0x3FB3]  }
0x39: {  	_ = 	snop;
	(pc) =	sbr.ind lr, $3  }
0x3a: {  	_ = 	snop  }
0x3b: {  	_ = 	snop  }
0x3c: {  	p2 =	seq.s32 s10, $0x1;
	s10 =	sld [smem:$0x3FB2]  }
0x3d: {  	_ =	shalt  }
0x3e: {  	_ =	shalt  }
0x3f: {  	_ =	shalt  }
0x40: {  	_ =	shalt  }
0x41: {  	_ =	shalt  }
0x42: {  	_ =	shalt  }
0x43: {  	_ =	shalt  }
0x44: {  	_ =	shalt  }
0x45: {  	_ =	shalt  }
0x46: {  	_ =	shalt  }
0x47: {  	_ =	shalt  }
0x48: {  	_ =	shalt  }
0x49: {  	_ =	shalt  }
0x4a: {  	_ =	shalt  }
0x4b: {  	_ =	shalt  }
0x4c: {  	_ =	shalt  }
0x4d: {  	_ =	shalt  }
0x4e: {  	_ =	shalt  }
0x4f: {  	_ =	shalt  }
0x50: {  	_ =	shalt  }
0x51: {  	_ =	shalt  }
0x52: {  	_ =	shalt  }
0x53: {  	_ =	shalt  }
0x54: {  	_ =	shalt  }
0x55: {  	_ =	shalt  }
0x56: {  	_ =	shalt  }
0x57: {  	_ =	shalt  }
0x58: {  	_ =	shalt  }
0x59: {  	_ =	shalt  }
0x5a: {  	_ =	shalt  }
0x5b: {  	_ =	shalt  }
0x5c: {  	_ =	shalt  }
0x5d: {  	_ =	shalt  }
0x5e: {  	_ =	shalt  }
0x5f: {  	_ =	shalt  }
0x60: {  	_ =	shalt  }
0x61: {  	_ =	shalt  }
0x62: {  	_ =	shalt  }
0x63: {  	_ =	shalt  }
0x64: {  	_ =	shalt  }
0x65: {  	_ =	shalt  }
0x66: {  	_ =	shalt  }
0x67: {  	_ =	shalt  }
0x68: {  	_ =	shalt  }
0x69: {  	_ =	shalt  }
0x6a: {  	_ =	shalt  }
0x6b: {  	_ =	shalt  }
0x6c: {  	_ =	shalt  }
0x6d: {  	_ =	shalt  }
0x6e: {  	_ =	shalt  }
0x6f: {  	_ =	shalt  }
0x70: {  	_ =	shalt  }
0x71: {  	_ =	shalt  }
0x72: {  	_ =	shalt  }
0x73: {  	_ =	shalt  }
0x74: {  	_ =	shalt  }
0x75: {  	_ =	shalt  }
0x76: {  	_ =	shalt  }
0x77: {  	_ =	shalt  }
0x78: {  	_ =	shalt  }
0x79: {  	_ =	shalt  }
0x7a: {  	_ =	shalt  }
0x7b: {  	_ =	shalt  }
0x7c: {  	_ =	shalt  }
0x7d: {  	_ =	shalt  }
0x7e: {  	_ =	shalt  }
0x7f: {  	_ =	shalt  }
0x80: {  	_ =	shalt  }
0x81: {  	_ =	shalt  }
0x82: {  	_ =	shalt  }
0x83: {  	_ =	shalt  }
0x84: {  	_ =	shalt  }
0x85: {  	_ =	shalt  }
0x86: {  	_ =	shalt  }
0x87: {  	_ =	shalt  }
.Lfunc_end0:
.L_simem_size_0:
called_computation_lowered:
.L_overlay_start_0:
0x88: {  	s2 =	sld [smem:$0x3FD9]  }
0x89: {  	s3 =	sld [smem:$0x3FFE];
	_ =	sdelay $0x1  }
0x8a: {  	s1 =	srdreg.scid  }
0x8b: {  	s0 =	sand.u32 $0x1, s1  }
0x8c: {  	s17 =	sshll.u32 s0, $0xA;
	s2 =	sadd.s32 s3, s2  }
0x8d: {  	s2 =	sadd.s32 s2, s17  }
0x8e: {  	[smem:$0x3FBE] =	sst s2  }
0x8f: {  	_ = 	snop  }
0x90: {  	(tm) =	ssettm $0x1  }
0x91: {  	s18 =	sld [smem:$0x3FFB];
	_ =	sdelay $0x3  }
0x92: {  	_ =	strace s18  }
0x93: {  	s2 =	sld [smem:$0x3FFC];
	_ =	sdelay $0x3  }
0x94: {  	_ =	strace s2  }
0x95: {  	s2 =	sld [smem:$0x3FFD];
	_ =	sdelay $0x3  }
0x96: {  	_ =	strace s2  }
0x97: {  	_ =	strace $0x8FFFFFFF  }
0x98: {  	s19 =	sld [smem:$0x3FDB];
	_ =	sdelay $0x1  }
0x99: {  	s20 =	simm.s32 $_scs_section_size  }
0x9a: {  	s4 =	simm.s32 $_size__tile_overlayer_lowered;
	s5 =	simm.s32 $_tile_overlayer_lowered  }
0x9b: {  	s6 =	simm.s32 $0x1BFF;
	s21 =	sshll.u32 s5, $0x1;
	s3 =	sadd.s32 s20, s19  }
0x9c: {  	s22 =	simm.s32 $0x0;
	s4 =	sshll.u32 s4, $0x1;
	s5 =	sadd.s32 s21, s3  }
0x9d: {  	[timem:s22], [sflag:s6] =	dma.local [hbm:s5], s4  }
0x9e: {  	_ =	swait.ge [sflag:s6], s4  }
0x9f: {  	s4 =	ssub.s32 $0x0, s4;
	[sflag:s6] =	ssyncset.done $0x0  }
0xa0: {  	[sflag:s6] =	ssyncadd.s32 s4;
	_ =	sdelay $0x1  }
0xa1: {  	s23 =	simm.s32 $0x1B8B  }
0xa2: {  	_ =	swait.ge [sflag:s23], $0x1  }
0xa3: {  	[sflag:s23] =	ssyncset.done $0x0  }
0xa4: {  	[sflag:s23] =	ssyncadd.s32 $0xFFFFFFFF  }
0xa5: {  	s4 =	sld [smem:$0x0]  }
0xa6: {  	s5 =	sand.u32 $0xFFFFFFFE, s1  }
0xa7: {  	p0 =	sne.s32 s1, s5  }
0xa8: {  	s5 =	sshll.u32 @p0 s5, $0xE  }
0xa9: {  	s5 =	sadd.s32 @p0 $0x11B8D, s5;
	s6 =	sshll.u32 @p0 s4, $0x11  }
0xaa: {  	s5 =	sor.u32 @p0 s6, s5  }
0xab: {  	[sflag:s5] =	ssyncadd.remote.s32 @p0 $0x1;
	_ =	sdelay $0x1  }
0xac: {  	s5 =	simm.s32 @p0 $0x1B8D  }
0xad: {  	_ =	swait.eq @p0 [sflag:s5], $0x1  }
0xae: {  	[sflag:s5] =	ssyncadd.s32 @p0 $0xFFFFFFFF  }
0xaf: {  	s6 =	sshll.u32 @!p0 s1, $0xE  }
0xb0: {  	s6 =	sor.u32 @!p0 $0x4000, s6;
	s5 =	simm.s32 @!p0 $0x1B8D  }
0xb1: {  	s4 =	sshll.u32 @!p0 s4, $0x11;
	s6 =	sadd.s32 @!p0 $0x11B8D, s6;
	_ =	swait.eq @!p0 [sflag:s5], $0x1  }
0xb2: {  	s4 =	sor.u32 @!p0 s4, s6;
	[sflag:s5] =	ssyncadd.s32 @!p0 $0xFFFFFFFF  }
0xb3: {  	s25 =	simm.s32 $0x1B8E;
	s24 =	sld [smem:$0x3FFE];
	[sflag:s4] =	ssyncadd.remote.s32 @!p0 $0x1  }
0xb4: {  	s26 =	simm.s32 $execute0_lowered;
	[smem:$0x3FD2] =	sst s25  }
0xb5: {  	s5 =	sshll.u32 s26, $0x1;
	_ =	strace $0x80000049;
	[dreg:$0x1] =	wrdreg $0xFFFFFFFF  }
0xb6: {  	s28 =	simm.s32 $_size_execute0_lowered;
	s3 =	sadd.s32 s3, s5;
	[dreg:$0x0] =	wrdreg $0x0  }
0xb7: {  	s5 =	sshll.u32 s28, $0x1;
	[dreg:$0x2] =	wrdreg s3  }
0xb8: {  	[dreg:$0x3] =	wrdreg s5  }
0xb9: {  	[dreg:$0x4] =	wrdreg $0xC0  }
0xba: {  	_ =	task [dreg:s22], $0x5FFFF  }
0xbb: {  	[dreg:$0x1] =	wrdreg $0xFFFFFFFF  }
0xbc: {  	[dreg:$0x0] =	wrdreg $0x60  }
0xbd: {  	[dreg:$0x2] =	wrdreg s24  }
0xbe: {  	[dreg:$0x3] =	wrdreg $0x41000  }
0xbf: {  	[dreg:$0x4] =	wrdreg $0x9  }
0xc0: {  	_ =	task.clear_ibuf [dreg:s22], $0x5FFFF;
	_ =	strace $0x90000049  }
0xc1: {  	s29 =	simm.s32 $0x9;
	_ =	strace $0x8000004B  }
0xc2: {  	_ =	swait.ge [sflag:s29], $0x1  }
0xc3: {  	[sflag:s29] =	ssyncadd.s32 $0xFFFFFFFF  }
0xc4: {  	_ =	strace $0x9000004B  }
0xc5: {  	_ =	sfence  }
0xc6: {  	s30 =	sld [smem:$0x0];
	_ =	sdelay $0x2  }
0xc7: {  	s31 =	sshll.u32 s1, $0xD;
	s1 =	sshrl.u32 s1, $0x2  }
0xc8: {  	s4 =	sand.u32 $0x4000, s31;
	s1 =	sadd.s32 s1, s30  }
0xc9: {  	s0 =	sor.u32 s4, s0;
	s1 =	sshll.u32 s1, $0x11  }
0xca: {  	s0 =	sor.u32 s1, s0  }
0xcb: {  	s0 =	sadd.s32 $0x8F2B, s0  }
0xcc: {  	[sflag:s0] =	ssyncadd.remote.s32 $0x1  }
0xcd: {  	_ =	sfence.sel $0xFFFF  }
0xce: {  	[dreg:$0x0] =	wrdreg $0xFFFFFFFF;
	(pc) =	sbr.abs _section_cstart, $3  }
0xcf: {  	[dreg:$0x1] =	wrdreg $0xFFFFFFFF  }
0xd0: {  	_ =	task.clear_ibuf [dreg:s22], $0x2FFFF;
	_ =	strace $0x9FFFFFFF  }
0xd1: {  	(tm) =	ssettm $0x7FFFFFFF  }
tec
execute0_lowered:
.L_overlay_start_1:
0x0: {  	(tag) =	ssettag $0x1  }
0x1: {  	s4 =	rddreg [dreg:$0x0]  }
0x2: {  	s1 =	rddreg [dreg:$0x1];
	s2 =	srdreg.scid  }
0x3: {  	s0 =	rddreg [dreg:$0x2];
	s3 =	simm.s32 $0x0;
	s5 =	sand.u32 $0x1, s2  }
0x4: {  	s11 =	simm.s32 $0x1;
	s2 =	stileid.u32;
	s6 =	smul.u32 $0x140000, s5  }
0x5: {  	s12 =	simm.s32 $0x0;
	[smem:$0x7FF] =	sst s3;
	s7 =	smul.u32 $0x14000, s2  }
0x6: {  	_ =	strace $0x8000004A;
	s8 =	smul.u32 $0xA00, s2;
	s29 =	ssub.s32 $0x2, s5  }
0x7: {  	s5 =	smul.u32 $0x500, s5;
	s9 =	sshrl.u32 s29, $0x1;
	s6 =	sadd.s32 s7, s6  }
0x8: {  	s8 =	sadd.s32 s8, s4;
	s30 =	ssub.s32 s29, s9;
	s9 =	simm.s32 $0x100  }
0x9: {  	s6 =	sshrl.u32 s6, $0x3;
	s31 =	sadd.s32 s5, s8;
	s5 =	smax.u32 s30, $0x1  }
0xa: {  	s8 =	simm.s32 $0x80;
	s10 =	sadd.s32 s6, s4;
	s4 =	smul.u32 $0x280, s2  }
0xb: {  	v0 =	vimm.f32 $0.0e+00;
	v1 =	vlaneseq.u32;
	v2 =	vimm.f32 $1.000000000e+00;
	s6 =	sadd.s32 $0x2A00, s31;
	s7 =	sadd.s32 $0x66A00, s10;
	s10 =	simm.s32 $0x2  }
.LBB2_1:
0xc: {  	s13 =	simm.s32 $0x0;
	s14 =	simm.s32 $0x200  }
.LBB2_2:
0xd: {  	p0 =	sne.s32 s14, $0xFE00;
	[tilespmem:s13+$0x170] =	vst v0  }
0xe: {  	[tilespmem:s13+$0x100] =	vst v0  }
0xf: {  	[tilespmem:s13+$0x110] =	vst v0  }
.Ltmp0:
0x10: {  	[tilespmem:s13+$0x120] =	vst v0;
	(pc) =	sbr.rel @p0 .LBB2_2-.Ltmp0, $4  }
0x11: {  	[tilespmem:s13+$0x130] =	vst v0  }
0x12: {  	[tilespmem:s13+$0x140] =	vst v0  }
0x13: {  	[tilespmem:s13+$0x150] =	vst v0  }
0x14: {  	[tilespmem:s13+$0x160] =	vst v0;
	s13 =	sshra.s32 s14, $0x2;
	s14 =	sadd.s32 $0x200, s14  }
0x15: {  	[tilespmem:s13+$0x170] =	vst v0  }
0x16: {  	[tilespmem:s13+$0x100] =	vst v0  }
0x17: {  	[tilespmem:s13+$0x110] =	vst v0  }
0x18: {  	[tilespmem:s13+$0x120] =	vst v0  }
0x19: {  	[tilespmem:s13+$0x130] =	vst v0  }
0x1a: {  	[tilespmem:s13+$0x140] =	vst v0  }
0x1b: {  	[tilespmem:s13+$0x150] =	vst v0;
	s14 =	sadd.s32 $0x0, s4  }
0x1c: {  	[tilespmem:s13+$0x160] =	vst v0;
	v3 =	vor.u32 s14, v1;
	s26 =	sadd.s32 $0x70, s14  }
0x1d: {  	s15 =	sadd.s32 $0x60, s14;
	[tilespmem:$0x80] =	vst v3;
	v3 =	vor.u32 s26, v1  }
0x1e: {  	s30 =	sadd.s32 $0x30, s14;
	v4 =	vor.u32 s15, v1;
	[tilespmem:$0xF0] =	vst v3  }
0x1f: {  	s28 =	sadd.s32 $0x50, s14;
	v5 =	vor.u32 s30, v1;
	[tilespmem:$0xE0] =	vst v4  }
0x20: {  	s29 =	sadd.s32 $0x40, s14;
	v3 =	vor.u32 s28, v1;
	[tilespmem:$0xB0] =	vst v5  }
0x21: {  	s31 =	sadd.s32 $0x20, s14;
	v4 =	vor.u32 s29, v1;
	[tilespmem:$0xD0] =	vst v3  }
0x22: {  	s13 =	simm.s32 $0x80;
	s14 =	sadd.s32 $0x10, s14;
	[tilespmem:$0xC0] =	vst v4;
	v3 =	vor.u32 s31, v1  }
.LBB2_4:
0x23: {  	p0 =	sne.s32 s13, $0x200;
	v4 =	vor.u32 s14, v1;
	[tilespmem:$0xA0] =	vst v3  }
0x24: {  	[tilespmem:$0x90] =	vst v4;
	[spmem:s1] =	stream.indirect.scatter [tilespmem:s9], [sflag:$0x2], $0x80, s8, s8, $0xb8  }
0x25: {  	_ =	swait.ge [sflag:s10], $0x4000  }
0x26: {  	s14 =	sadd.s32 s13, s4;
	[sflag:s10] =	ssyncset.done $0x0  }
0x27: {  	v3 =	vor.u32 s14, v1;
	s15 =	sadd.s32 $0x70, s14;
	[sflag:s10] =	ssyncadd.s32 $0xFFFFC000  }
0x28: {  	s16 =	sadd.s32 $0x60, s14;
	[tilespmem:$0x80] =	vst v3;
	v3 =	vor.u32 s15, v1  }
.Ltmp1:
0x29: {  	v4 =	vor.u32 s16, v1;
	s15 =	sadd.s32 $0x50, s14;
	[tilespmem:$0xF0] =	vst v3;
	(pc) =	sbr.rel @p0 .LBB2_4-.Ltmp1, $4  }
0x2a: {  	s16 =	sadd.s32 $0x40, s14;
	v3 =	vor.u32 s15, v1;
	[tilespmem:$0xE0] =	vst v4  }
0x2b: {  	s15 =	sadd.s32 $0x30, s14;
	v4 =	vor.u32 s16, v1;
	[tilespmem:$0xD0] =	vst v3  }
0x2c: {  	s16 =	sadd.s32 $0x20, s14;
	v5 =	vor.u32 s15, v1;
	[tilespmem:$0xC0] =	vst v4  }
0x2d: {  	s13 =	sadd.s32 $0x80, s13;
	s14 =	sadd.s32 $0x10, s14;
	v3 =	vor.u32 s16, v1;
	[tilespmem:$0xB0] =	vst v5  }
0x2e: {  	v4 =	vor.u32 s14, v1;
	[tilespmem:$0xA0] =	vst v3  }
0x2f: {  	[tilespmem:$0x90] =	vst v4  }
0x30: {  	[spmem:s1] =	stream.indirect.scatter [tilespmem:s9], [sflag:$0x2], $0x80, s8, s8, $0xb8;
	[tilespmem:$0x18100] =	vst v63  }
0x31: {  	_ =	swait.ge [sflag:s10], $0x4000  }
0x32: {  	[sflag:s10] =	ssyncset.done $0x0  }
0x33: {  	s13 =	simm.s32 $0x0;
	s14 =	simm.s32 $0x200;
	[sflag:s10] =	ssyncadd.s32 $0xFFFFC000  }
.LBB2_6:
0x34: {  	p0 =	sne.s32 s14, $0xFE00;
	[tilespmem:s13+$0x170] =	vst v2  }
0x35: {  	[tilespmem:s13+$0x100] =	vst v2  }
0x36: {  	[tilespmem:s13+$0x110] =	vst v2  }
.Ltmp2:
0x37: {  	[tilespmem:s13+$0x120] =	vst v2;
	(pc) =	sbr.rel @p0 .LBB2_6-.Ltmp2, $4  }
0x38: {  	[tilespmem:s13+$0x130] =	vst v2  }
0x39: {  	[tilespmem:s13+$0x140] =	vst v2  }
0x3a: {  	[tilespmem:s13+$0x150] =	vst v2  }
0x3b: {  	[tilespmem:s13+$0x160] =	vst v2;
	s13 =	sshra.s32 s14, $0x2;
	s14 =	sadd.s32 $0x200, s14  }
0x3c: {  	[tilespmem:s13+$0x170] =	vst v2  }
0x3d: {  	[tilespmem:s13+$0x100] =	vst v2  }
0x3e: {  	[tilespmem:s13+$0x110] =	vst v2  }
0x3f: {  	[tilespmem:s13+$0x120] =	vst v2  }
0x40: {  	[tilespmem:s13+$0x130] =	vst v2  }
0x41: {  	[tilespmem:s13+$0x140] =	vst v2  }
0x42: {  	[tilespmem:s13+$0x150] =	vst v2  }
0x43: {  	[tilespmem:s13+$0x160] =	vst v2  }
0x44: {  	s31 =	sadd.s32 $0x0, s6;
	[bflag:$0x0] =	sbarrier.arrive $0xFFFF  }
0x45: {  	[tilespmem:s3], [sflag:$0x2] =	stream.linear.gather [hbm4b:s31+s3], $0x80, $0x38;
	[tilespmem:$0x18100] =	vst v63  }
0x46: {  	_ =	swait.ge [sflag:s10], $0x80  }
0x47: {  	[sflag:s10] =	ssyncset.done $0x0  }
0x48: {  	[sflag:s10] =	ssyncadd.s32 $0xFFFFFF80  }
0x49: {  	[spmem:s1] =	stream.indirect.scatter.add.f32 [tilespmem:s9], [sflag:$0x2], $0x80, s3, s8, $0xb8;
	[tilespmem:$0x18100] =	vst v63  }
0x4a: {  	_ =	swait.ge [sflag:s10], $0x4000  }
0x4b: {  	s13 =	simm.s32 $0x10;
	s14 =	simm.s32 $0x20;
	[sflag:s10] =	ssyncset.done $0x0  }
.LBB2_8:
0x4c: {  	s15 =	sadd.s32 s13, s6  }
0x4d: {  	[sflag:s10] =	ssyncadd.s32 $0xFFFFC000;
	s13 =	smov.u32 s14;
	s16 =	sadd.s32 $0x10, s14  }
0x4e: {  	[tilespmem:s3], [sflag:$0x2] =	stream.linear.gather [hbm4b:s15+s3], $0x80, $0x38;
	[tilespmem:$0x18100] =	vst v63  }
0x4f: {  	p0 =	sne.s32 s14, $0x4F0;
	_ =	swait.ge [sflag:s10], $0x80  }
.Ltmp3:
0x50: {  	[sflag:s10] =	ssyncset.done $0x0;
	(pc) =	sbr.rel @p0 .LBB2_8-.Ltmp3, $4  }
0x51: {  	[sflag:s10] =	ssyncadd.s32 $0xFFFFFF80  }
0x52: {  	[spmem:s1] =	stream.indirect.scatter.add.f32 [tilespmem:s9], [sflag:$0x2], $0x80, s3, s8, $0xb8;
	[tilespmem:$0x18100] =	vst v63  }
0x53: {  	_ =	swait.ge [sflag:s10], $0x4000  }
0x54: {  	s14 =	smov.u32 s16;
	[sflag:s10] =	ssyncset.done $0x0  }
0x55: {  	s13 =	sadd.s32 s13, s6;
	[sflag:s10] =	ssyncadd.s32 $0xFFFFC000  }
0x56: {  	[tilespmem:s3], [sflag:$0x2] =	stream.linear.gather [hbm4b:s13+s3], $0x80, $0x38;
	[tilespmem:$0x18100] =	vst v63  }
0x57: {  	_ =	swait.ge [sflag:s10], $0x80  }
0x58: {  	[sflag:s10] =	ssyncset.done $0x0  }
0x59: {  	[sflag:s10] =	ssyncadd.s32 $0xFFFFFF80  }
0x5a: {  	[spmem:s1] =	stream.indirect.scatter.add.f32 [tilespmem:s9], [sflag:$0x2], $0x80, s3, s8, $0xb8;
	[tilespmem:$0x18100] =	vst v63  }
0x5b: {  	_ =	swait.ge [sflag:s10], $0x4000  }
0x5c: {  	[sflag:s10] =	ssyncset.done $0x0  }
0x5d: {  	s26 =	sadd.s32 $0x0, s4;
	[sflag:s10] =	ssyncadd.s32 $0xFFFFC000  }
0x5e: {  	v3 =	vor.u32 s26, v1;
	s15 =	sadd.s32 $0x20, s26;
	[bflag:$0x0] =	sbarrier.arrive $0xFFFF  }
0x5f: {  	s30 =	sadd.s32 $0x40, s26;
	v4 =	vor.u32 s15, v1;
	[tilespmem:$0x80] =	vst v3  }
0x60: {  	s13 =	sadd.s32 $0x30, s26;
	v62 =	vor.u32 s30, v1;
	[tilespmem:$0xA0] =	vst v4  }
0x61: {  	s14 =	sadd.s32 $0x10, s26;
	v63 =	vor.u32 s13, v1;
	[tilespmem:$0xC0] =	vst v62  }
0x62: {  	s28 =	sadd.s32 $0x70, s26;
	v3 =	vor.u32 s14, v1;
	[tilespmem:$0xB0] =	vst v63  }
0x63: {  	s29 =	sadd.s32 $0x50, s26;
	[tilespmem:$0x90] =	vst v3;
	v3 =	vor.u32 s28, v1  }
0x64: {  	s31 =	sadd.s32 $0x60, s26;
	[tilespmem:$0xF0] =	vst v3;
	v3 =	vor.u32 s29, v1  }
0x65: {  	[tilespmem:$0xD0] =	vst v3;
	v3 =	vor.u32 s31, v1  }
0x66: {  	s13 =	simm.s32 $0x80;
	s15 =	smov.u32 s7;
	s14 =	smov.u32 s7;
	[tilespmem:$0xE0] =	vst v3  }
0x67: {  	[tilespmem:s9], [sflag:$0x1] =	stream.indirect.gather [spmem:s1], $0x80, s8, s8, $0xb8;
	[tilespmem:$0x18100] =	vst v63  }
.LBB2_10:
0x68: {  	p0 =	sne.s32 s13, $0x200;
	_ =	swait.ge [sflag:s11], $0x4000;
	s15 =	sadd.s32 $0x800, s15  }
0x69: {  	s16 =	smov.u32 s13;
	s13 =	sadd.s32 $0x80, s13;
	[sflag:s11] =	ssyncset.done $0x0  }
0x6a: {  	[sflag:s11] =	ssyncadd.s32 $0xFFFFC000  }
0x6b: {  	[hbm4b:s14+s3] =	stream.linear.scatter [tilespmem:s9], [sflag:$0x2], $0x4000, $0x38;
	[tilespmem:$0x18100] =	vst v63  }
0x6c: {  	s14 =	smov.u32 s15;
	_ =	swait.ge [sflag:s10], $0x4000  }
0x6d: {  	s16 =	sadd.s32 s16, s4;
	[sflag:s10] =	ssyncset.done $0x0  }
0x6e: {  	v3 =	vor.u32 s16, v1;
	s17 =	sadd.s32 $0x10, s16;
	s18 =	sadd.s32 $0x20, s16;
	[sflag:s10] =	ssyncadd.s32 $0xFFFFC000  }
0x6f: {  	s19 =	sadd.s32 $0x70, s16;
	v4 =	vor.u32 s18, v1;
	s18 =	sadd.s32 $0x50, s16;
	[tilespmem:$0x80] =	vst v3;
	v3 =	vor.u32 s17, v1;
	s17 =	sadd.s32 $0x40, s16  }
0x70: {  	s20 =	sadd.s32 $0x30, s16;
	v6 =	vor.u32 s19, v1;
	v5 =	vor.u32 s18, v1;
	s16 =	sadd.s32 $0x60, s16;
	[tilespmem:$0x90] =	vst v3;
	v3 =	vor.u32 s17, v1  }
0x71: {  	v7 =	vor.u32 s20, v1;
	v8 =	vor.u32 s16, v1;
	[tilespmem:$0xF0] =	vst v6  }
0x72: {  	[tilespmem:$0xA0] =	vst v4  }
.Ltmp4:
0x73: {  	[tilespmem:$0xD0] =	vst v5;
	(pc) =	sbr.rel @p0 .LBB2_10-.Ltmp4, $4  }
0x74: {  	[tilespmem:$0xC0] =	vst v3  }
0x75: {  	[tilespmem:$0xE0] =	vst v8  }
0x76: {  	[tilespmem:$0xB0] =	vst v7  }
0x77: {  	[tilespmem:s9], [sflag:$0x1] =	stream.indirect.gather [spmem:s1], $0x80, s8, s8, $0xb8;
	[tilespmem:$0x18100] =	vst v63  }
0x78: {  	_ =	swait.ge [sflag:s11], $0x4000;
	s12 =	sadd.s32 $0x1, s12  }
0x79: {  	[sflag:s11] =	ssyncset.done $0x0;
	p0 =	sne.s32 s12, s5  }
.Ltmp5:
0x7a: {  	[sflag:s11] =	ssyncadd.s32 $0xFFFFC000;
	(pc) =	sbr.rel @p0 .LBB2_1-.Ltmp5, $4  }
0x7b: {  	[hbm4b:s14+s3] =	stream.linear.scatter [tilespmem:s9], [sflag:$0x2], $0x4000, $0x38;
	[tilespmem:$0x18100] =	vst v63  }
0x7c: {  	_ =	swait.ge [sflag:s10], $0x4000  }
0x7d: {  	[sflag:s10] =	ssyncset.done $0x0  }
0x7e: {  	[sflag:s10] =	ssyncadd.s32 $0xFFFFC000  }
0x7f: {  	_ =	sfence.sel $0x180000  }
0x80: {  	[bflag:$0x0] =	sbarrier.arrive $0xFFFF  }
0x81: {  	p0 =	sne.s32 s2, $0x0;
	_ =	strace $0x9000004A  }
0x82: {  	s0 =	sadd.s32 @!p0 $0x100000, s0;
	[bflag:$0x2] =	sbarrier.arrive $0xFFFF  }
0x83: {  	[sflag:s0] =	ssyncadd.tile.s32 @!p0 $0x1;
	_ =	shalt  }
.Lfunc_end2:
_tile_overlayer_lowered:
.L_overlay_start_2:
0x84: {  	(tag) =	ssettag $0x2  }
0x85: {  	s0 =	rddreg [dreg:$0x0];
	s2 =	stileid.u32  }
0x86: {  	s1 =	rddreg [dreg:$0x1];
	p0 =	sne.s32 s2, $0x0  }
0x87: {  	s3 =	rddreg [dreg:$0x2];
	[bflag:$0x3] =	sbarrier.arrive $0xFFFF;
	s2 =	simm.s32 @!p0 $0x1C02  }
0x88: {  	[timem:s3], [sflag:s2] =	dma.local @!p0 [hbm:s0], s1  }
0x89: {  	s0 =	simm.s32 @!p0 $0x2  }
0x8a: {  	_ =	swait.ge @!p0 [sflag:s0], s1  }
0x8b: {  	s1 =	ssub.s32 @!p0 $0x0, s1;
	[sflag:s0] =	ssyncset.done @!p0 $0x0  }
0x8c: {  	[sflag:s0] =	ssyncadd.s32 @!p0 s1  }
0x8d: {  	[bflag:$0x3] =	sbarrier.arrive $0xFFFF  }
0x8e: {  	_ =	shalt  }

</sc_bundles>
